<compile_context>
chip_gen: v7x
topology: tpu7x:2x2x1
jax: 0.10.2.dev20260603
libtpu: 0.0.44.dev20260713+nightly
codegen_flags: <defaults>
</compile_context>

<pallas_src>
import functools

import jax
import jax.numpy as jnp
from jax import lax
from jax.experimental import pallas as pl
from jax.experimental.pallas import tpu as pltpu
from jax.experimental.pallas import tpu_sc as plsc

N_FACTORS = 64
BATCH = 16384
NUM_CORES = 2
NUM_SUBCORES = 16
NW = NUM_CORES * NUM_SUBCORES
BPW = BATCH // NW
CH = 256
CHUNK = 128
LANES = 16
ROW_UNROLL = 16

_mesh = plsc.VectorSubcoreMesh(
    core_axis_name="c", subcore_axis_name="s",
    num_cores=NUM_CORES, num_subcores=NUM_SUBCORES)


@functools.partial(
    pl.kernel,
    out_type=jax.ShapeDtypeStruct((BATCH,), jnp.float32),
    mesh=_mesh,
    compiler_params=pltpu.CompilerParams(needs_layout_passes=False),
    scratch_types=[
        pltpu.VMEM((BPW,), jnp.int32),
        pltpu.VMEM((BPW,), jnp.int32),
        pltpu.VMEM((CH, N_FACTORS), jnp.float32),
        pltpu.VMEM((CH, N_FACTORS), jnp.float32),
        pltpu.VMEM((BPW,), jnp.float32),
        pltpu.VMEM((BPW,), jnp.float32),
        pltpu.VMEM((BPW,), jnp.float32),
        pltpu.SemaphoreType.DMA,
        pltpu.SemaphoreType.DMA,
    ],
)
def _mf_sc(u_idx_hbm, i_idx_hbm, u_emb_hbm, i_emb_hbm, ub_hbm, ib_hbm,
           out_hbm, uidx_v, iidx_v, ue_v, ie_v, ub_v, ib_v,
           out_v, sem_rows, sem_bias):
    wid = lax.axis_index("s") * NUM_CORES + lax.axis_index("c")
    base = wid * BPW

    pltpu.sync_copy(u_idx_hbm.at[pl.ds(base, BPW)], uidx_v)
    pltpu.sync_copy(i_idx_hbm.at[pl.ds(base, BPW)], iidx_v)

    bias_copies = []
    for c in range(BPW // CHUNK):
        sl = pl.ds(c * CHUNK, CHUNK)
        bias_copies.append(pltpu.async_copy(
            ub_hbm.at[0].at[uidx_v.at[sl]], ub_v.at[sl], sem_bias))
        bias_copies.append(pltpu.async_copy(
            ib_hbm.at[0].at[iidx_v.at[sl]], ib_v.at[sl], sem_bias))

    lane = lax.iota(jnp.int32, LANES)

    def run_pass(p, carry):
        p0 = p * CH

        def fire_chunk(c, carry2):
            i0 = c * ROW_UNROLL
            uvec = uidx_v[pl.ds(p0 + i0, ROW_UNROLL)]
            ivec = iidx_v[pl.ds(p0 + i0, ROW_UNROLL)]
            for j in range(ROW_UNROLL):
                i = i0 + j
                ru = uvec[j]
                ri = ivec[j]
                pltpu.make_async_copy(
                    u_emb_hbm.at[pl.ds(ru, 1), :], ue_v.at[pl.ds(i, 1), :],
                    sem_rows).start()
                pltpu.make_async_copy(
                    i_emb_hbm.at[pl.ds(ri, 1), :], ie_v.at[pl.ds(i, 1), :],
                    sem_rows).start()
            return carry2

        lax.fori_loop(0, CH // ROW_UNROLL, fire_chunk, 0)
        pltpu.make_async_copy(
            u_emb_hbm.at[pl.ds(0, CH), :], ue_v, sem_rows).wait()
        pltpu.make_async_copy(
            i_emb_hbm.at[pl.ds(0, CH), :], ie_v, sem_rows).wait()

        def group_body(g, carry2):
            r0 = g * LANES
            rows = r0 + lane
            o0 = p0 + r0
            acc = ub_v[pl.ds(o0, LANES)] + ib_v[pl.ds(o0, LANES)]
            for f in range(N_FACTORS):
                fv = jnp.full((LANES,), f, jnp.int32)
                a = plsc.load_gather(ue_v, [rows, fv])
                b = plsc.load_gather(ie_v, [rows, fv])
                acc = acc + a * b
            out_v[pl.ds(o0, LANES)] = acc
            return carry2

        lax.fori_loop(0, CH // LANES, group_body, 0)
        return carry

    for cp in bias_copies:
        cp.wait()
    lax.fori_loop(0, BPW // CH, run_pass, 0)

    pltpu.sync_copy(out_v, out_hbm.at[pl.ds(base, BPW)])


def kernel(u_idx, i_idx, u_emb, i_emb, u_bias, i_bias):
    return _mf_sc(u_idx, i_idx, u_emb, i_emb, u_bias.T, i_bias.T)

# --- scband reference (transcript-rebuilt; emitter-appended) ---
"""Pipeline reference for scband-matrix-factorization-46875273069051 (READ-ONLY COPY).

The authoritative reference and input builder live on the scoring server;
editing this copy changes nothing except your own understanding.
"""

import jax, jax.numpy as jnp
import numpy as np

N_USERS = 1000000
N_ITEMS = 1000000
N_FACTORS = 64
BATCH = 16384

def setup_inputs(seed: int = 0) -> dict:
    key = jax.random.key(seed)
    k1, k2, k3, k4, k5, k6 = jax.random.split(key, 6)
    # xavier-normal std for [num_emb, dim]: sqrt(2/(fan_in+fan_out))
    std_emb = float(np.sqrt(2.0 / (N_USERS + N_FACTORS)))
    std_bias = float(np.sqrt(2.0 / (N_USERS + 1)))
    u_idx = jax.random.randint(k1, (BATCH,), 0, N_USERS, dtype=jnp.int64 if jax.config.jax_enable_x64 else jnp.int32)
    i_idx = jax.random.randint(k2, (BATCH,), 0, N_ITEMS, dtype=jnp.int64 if jax.config.jax_enable_x64 else jnp.int32)
    u_emb = jax.random.normal(k3, (N_USERS, N_FACTORS), dtype=jnp.float32) * std_emb
    i_emb = jax.random.normal(k4, (N_ITEMS, N_FACTORS), dtype=jnp.float32) * std_emb
    u_bias = jax.random.normal(k5, (N_USERS, 1), dtype=jnp.float32) * std_bias
    i_bias = jax.random.normal(k6, (N_ITEMS, 1), dtype=jnp.float32) * std_bias
    return {"u_idx": u_idx, "i_idx": i_idx, "u_emb": u_emb, "i_emb": i_emb, "u_bias": u_bias, "i_bias": i_bias}

def reference(u_idx, i_idx, u_emb, i_emb, u_bias, i_bias):
    # gather embeddings (SparseCore-style gathers)
    ue = jnp.take(u_emb, u_idx, axis=0)          # [B, F]
    ie = jnp.take(i_emb, i_idx, axis=0)          # [B, F]
    pred = jnp.sum(ue * ie, axis=1, keepdims=True)  # [B, 1]
    pred = pred + jnp.take(u_bias, u_idx, axis=0) + jnp.take(i_bias, i_idx, axis=0)
    pred = jnp.squeeze(pred)
    # normalize=False -> no sigmoid
    return pred

if __name__ == "__main__":
    import jax
    _d = setup_inputs()
    print(jax.jit(kernel)(*tuple(_d.values())))

</pallas_src>

<mosaic_0001>
#map = affine_map<(d0, d1) -> (0)>
#map1 = affine_map<(d0, d1) -> (0, 0)>
module attributes {stable_mosaic.version = 14 : i64} {
  func.func @_mf_sc(%arg0: i32, %arg1: i32, %arg2: memref<16384xi32, #tpu.memory_space<hbm>>, %arg3: memref<16384xi32, #tpu.memory_space<hbm>>, %arg4: memref<1000000x64xf32, #tpu.memory_space<hbm>>, %arg5: memref<1000000x64xf32, #tpu.memory_space<hbm>>, %arg6: memref<1x1000000xf32, #tpu.memory_space<hbm>>, %arg7: memref<1x1000000xf32, #tpu.memory_space<hbm>>, %arg8: memref<16384xf32, #tpu.memory_space<hbm>>, %arg9: memref<512xi32, #tpu.memory_space<vmem>>, %arg10: memref<512xi32, #tpu.memory_space<vmem>>, %arg11: memref<256x64xf32, #tpu.memory_space<vmem>>, %arg12: memref<256x64xf32, #tpu.memory_space<vmem>>, %arg13: memref<512xf32, #tpu.memory_space<vmem>>, %arg14: memref<512xf32, #tpu.memory_space<vmem>>, %arg15: memref<512xf32, #tpu.memory_space<vmem>>, %arg16: memref<!tpu.dma_semaphore, #tpu.memory_space<semaphore_mem>>, %arg17: memref<!tpu.dma_semaphore, #tpu.memory_space<semaphore_mem>>) attributes {dimension_semantics = [#tpu.dimension_semantics<core_parallel>, #tpu.dimension_semantics<subcore_parallel>], iteration_bounds = array<i64: 2, 16>, scalar_prefetch = 0 : i64, scratch_operands = 9 : i64, tpu.core_type = #tpu.core_type<sc_vector_subcore>, window_params = [{transform_indices = #map}, {transform_indices = #map}, {transform_indices = #map1}, {transform_indices = #map1}, {transform_indices = #map1}, {transform_indices = #map1}, {transform_indices = #map}]} {
    %mul3A = arith.constant 2 : i32
    %mul3A_0 = arith.muli %arg1, %mul3A : i32
    %add3A = arith.addi %mul3A_0, %arg0 : i32
    %mul3A_1 = arith.constant 512 : i32
    %mul3A_2 = arith.muli %add3A, %mul3A_1 : i32
    "tpu.region"() ({
      %run_scoped3A = tpu.sem_alloc : memref<!tpu.dma_semaphore, #tpu.memory_space<semaphore_mem>>
      %dma_start3A_166 = tpu.memref_slice %arg2[%mul3A_2] : memref<16384xi32, #tpu.memory_space<hbm>> -> memref<512xi32, #tpu.memory_space<hbm>>
      %dma_start3A_167 = tpu.memref_slice %arg2[%mul3A_2] : memref<16384xi32, #tpu.memory_space<hbm>> -> memref<512xi32, #tpu.memory_space<hbm>>
      tpu.enqueue_dma source(%dma_start3A_167 : memref<512xi32, #tpu.memory_space<hbm>>) target(%arg9 : memref<512xi32, #tpu.memory_space<vmem>>) target_semaphore(%run_scoped3A : memref<!tpu.dma_semaphore, #tpu.memory_space<semaphore_mem>>)
      %dma_wait3A_168 = tpu.memref_slice %arg2[%mul3A_2] : memref<16384xi32, #tpu.memory_space<hbm>> -> memref<512xi32, #tpu.memory_space<hbm>>
      %dma_wait3A_169 = tpu.memref_slice %arg2[%mul3A_2] : memref<16384xi32, #tpu.memory_space<hbm>> -> memref<512xi32, #tpu.memory_space<hbm>>
      tpu.wait_dma2 semaphore(%run_scoped3A : memref<!tpu.dma_semaphore, #tpu.memory_space<semaphore_mem>>) src(%dma_wait3A_169 : memref<512xi32, #tpu.memory_space<hbm>>) dst(%arg9 : memref<512xi32, #tpu.memory_space<vmem>>)
      tpu.yield
    }) : () -> ()
    "tpu.region"() ({
      %run_scoped3A = tpu.sem_alloc : memref<!tpu.dma_semaphore, #tpu.memory_space<semaphore_mem>>
      %dma_start3A_166 = tpu.memref_slice %arg3[%mul3A_2] : memref<16384xi32, #tpu.memory_space<hbm>> -> memref<512xi32, #tpu.memory_space<hbm>>
      %dma_start3A_167 = tpu.memref_slice %arg3[%mul3A_2] : memref<16384xi32, #tpu.memory_space<hbm>> -> memref<512xi32, #tpu.memory_space<hbm>>
      tpu.enqueue_dma source(%dma_start3A_167 : memref<512xi32, #tpu.memory_space<hbm>>) target(%arg10 : memref<512xi32, #tpu.memory_space<vmem>>) target_semaphore(%run_scoped3A : memref<!tpu.dma_semaphore, #tpu.memory_space<semaphore_mem>>)
      %dma_wait3A_168 = tpu.memref_slice %arg3[%mul3A_2] : memref<16384xi32, #tpu.memory_space<hbm>> -> memref<512xi32, #tpu.memory_space<hbm>>
      %dma_wait3A_169 = tpu.memref_slice %arg3[%mul3A_2] : memref<16384xi32, #tpu.memory_space<hbm>> -> memref<512xi32, #tpu.memory_space<hbm>>
      tpu.wait_dma2 semaphore(%run_scoped3A : memref<!tpu.dma_semaphore, #tpu.memory_space<semaphore_mem>>) src(%dma_wait3A_169 : memref<512xi32, #tpu.memory_space<hbm>>) dst(%arg10 : memref<512xi32, #tpu.memory_space<vmem>>)
      tpu.yield
    }) : () -> ()
    %dma_start3A = arith.constant 0 : i32
    %dma_start3A_3 = arith.constant 0 : i32
    %dma_start3A_4 = tpu.memref_slice %arg13[%dma_start3A_3] : memref<512xf32, #tpu.memory_space<vmem>> -> memref<128xf32, #tpu.memory_space<vmem>>
    %dma_start3A_5 = arith.constant 0 : i32
    %dma_start3A_6 = tpu.memref_slice %arg9[%dma_start3A_5] : memref<512xi32, #tpu.memory_space<vmem>> -> memref<128xi32, #tpu.memory_space<vmem>>
    %dma_start3A_7 = arith.constant 0 : i32
    %dma_start3A_8 = tpu.memref_slice %arg6[%dma_start3A, %dma_start3A_7] : memref<1x1000000xf32, #tpu.memory_space<hbm>> -> memref<1x1000000xf32, #tpu.memory_space<hbm>>
    %dma_start3A_9 = tpu.memref_squeeze %dma_start3A_8 : memref<1x1000000xf32, #tpu.memory_space<hbm>> -> memref<1000000xf32, #tpu.memory_space<hbm>>
    %dma_start3A_10 = arith.constant 0 : i32
    %dma_start3A_11 = tpu.memref_slice %dma_start3A_9[%dma_start3A_10] : memref<1000000xf32, #tpu.memory_space<hbm>> -> memref<1000000xf32, #tpu.memory_space<hbm>>
    tpu.enqueue_indirect_dma source(%dma_start3A_11 : memref<1000000xf32, #tpu.memory_space<hbm>>) target(%dma_start3A_4 : memref<128xf32, #tpu.memory_space<vmem>>) offsets(%dma_start3A_6 : memref<128xi32, #tpu.memory_space<vmem>>) semaphore(%arg17 : memref<!tpu.dma_semaphore, #tpu.memory_space<semaphore_mem>>)
    %dma_start3A_12 = arith.constant 0 : i32
    %dma_start3A_13 = arith.constant 0 : i32
    %dma_start3A_14 = tpu.memref_slice %arg14[%dma_start3A_13] : memref<512xf32, #tpu.memory_space<vmem>> -> memref<128xf32, #tpu.memory_space<vmem>>
    %dma_start3A_15 = arith.constant 0 : i32
    %dma_start3A_16 = tpu.memref_slice %arg10[%dma_start3A_15] : memref<512xi32, #tpu.memory_space<vmem>> -> memref<128xi32, #tpu.memory_space<vmem>>
    %dma_start3A_17 = arith.constant 0 : i32
    %dma_start3A_18 = tpu.memref_slice %arg7[%dma_start3A_12, %dma_start3A_17] : memref<1x1000000xf32, #tpu.memory_space<hbm>> -> memref<1x1000000xf32, #tpu.memory_space<hbm>>
    %dma_start3A_19 = tpu.memref_squeeze %dma_start3A_18 : memref<1x1000000xf32, #tpu.memory_space<hbm>> -> memref<1000000xf32, #tpu.memory_space<hbm>>
    %dma_start3A_20 = arith.constant 0 : i32
    %dma_start3A_21 = tpu.memref_slice %dma_start3A_19[%dma_start3A_20] : memref<1000000xf32, #tpu.memory_space<hbm>> -> memref<1000000xf32, #tpu.memory_space<hbm>>
    tpu.enqueue_indirect_dma source(%dma_start3A_21 : memref<1000000xf32, #tpu.memory_space<hbm>>) target(%dma_start3A_14 : memref<128xf32, #tpu.memory_space<vmem>>) offsets(%dma_start3A_16 : memref<128xi32, #tpu.memory_space<vmem>>) semaphore(%arg17 : memref<!tpu.dma_semaphore, #tpu.memory_space<semaphore_mem>>)
    %dma_start3A_22 = arith.constant 0 : i32
    %dma_start3A_23 = arith.constant 128 : i32
    %dma_start3A_24 = tpu.memref_slice %arg13[%dma_start3A_23] : memref<512xf32, #tpu.memory_space<vmem>> -> memref<128xf32, #tpu.memory_space<vmem>>
    %dma_start3A_25 = arith.constant 128 : i32
    %dma_start3A_26 = tpu.memref_slice %arg9[%dma_start3A_25] : memref<512xi32, #tpu.memory_space<vmem>> -> memref<128xi32, #tpu.memory_space<vmem>>
    %dma_start3A_27 = arith.constant 0 : i32
    %dma_start3A_28 = tpu.memref_slice %arg6[%dma_start3A_22, %dma_start3A_27] : memref<1x1000000xf32, #tpu.memory_space<hbm>> -> memref<1x1000000xf32, #tpu.memory_space<hbm>>
    %dma_start3A_29 = tpu.memref_squeeze %dma_start3A_28 : memref<1x1000000xf32, #tpu.memory_space<hbm>> -> memref<1000000xf32, #tpu.memory_space<hbm>>
    %dma_start3A_30 = arith.constant 0 : i32
    %dma_start3A_31 = tpu.memref_slice %dma_start3A_29[%dma_start3A_30] : memref<1000000xf32, #tpu.memory_space<hbm>> -> memref<1000000xf32, #tpu.memory_space<hbm>>
    tpu.enqueue_indirect_dma source(%dma_start3A_31 : memref<1000000xf32, #tpu.memory_space<hbm>>) target(%dma_start3A_24 : memref<128xf32, #tpu.memory_space<vmem>>) offsets(%dma_start3A_26 : memref<128xi32, #tpu.memory_space<vmem>>) semaphore(%arg17 : memref<!tpu.dma_semaphore, #tpu.memory_space<semaphore_mem>>)
    %dma_start3A_32 = arith.constant 0 : i32
    %dma_start3A_33 = arith.constant 128 : i32
    %dma_start3A_34 = tpu.memref_slice %arg14[%dma_start3A_33] : memref<512xf32, #tpu.memory_space<vmem>> -> memref<128xf32, #tpu.memory_space<vmem>>
    %dma_start3A_35 = arith.constant 128 : i32
    %dma_start3A_36 = tpu.memref_slice %arg10[%dma_start3A_35] : memref<512xi32, #tpu.memory_space<vmem>> -> memref<128xi32, #tpu.memory_space<vmem>>
    %dma_start3A_37 = arith.constant 0 : i32
    %dma_start3A_38 = tpu.memref_slice %arg7[%dma_start3A_32, %dma_start3A_37] : memref<1x1000000xf32, #tpu.memory_space<hbm>> -> memref<1x1000000xf32, #tpu.memory_space<hbm>>
    %dma_start3A_39 = tpu.memref_squeeze %dma_start3A_38 : memref<1x1000000xf32, #tpu.memory_space<hbm>> -> memref<1000000xf32, #tpu.memory_space<hbm>>
    %dma_start3A_40 = arith.constant 0 : i32
    %dma_start3A_41 = tpu.memref_slice %dma_start3A_39[%dma_start3A_40] : memref<1000000xf32, #tpu.memory_space<hbm>> -> memref<1000000xf32, #tpu.memory_space<hbm>>
    tpu.enqueue_indirect_dma source(%dma_start3A_41 : memref<1000000xf32, #tpu.memory_space<hbm>>) target(%dma_start3A_34 : memref<128xf32, #tpu.memory_space<vmem>>) offsets(%dma_start3A_36 : memref<128xi32, #tpu.memory_space<vmem>>) semaphore(%arg17 : memref<!tpu.dma_semaphore, #tpu.memory_space<semaphore_mem>>)
    %dma_start3A_42 = arith.constant 0 : i32
    %dma_start3A_43 = arith.constant 256 : i32
    %dma_start3A_44 = tpu.memref_slice %arg13[%dma_start3A_43] : memref<512xf32, #tpu.memory_space<vmem>> -> memref<128xf32, #tpu.memory_space<vmem>>
    %dma_start3A_45 = arith.constant 256 : i32
    %dma_start3A_46 = tpu.memref_slice %arg9[%dma_start3A_45] : memref<512xi32, #tpu.memory_space<vmem>> -> memref<128xi32, #tpu.memory_space<vmem>>
    %dma_start3A_47 = arith.constant 0 : i32
    %dma_start3A_48 = tpu.memref_slice %arg6[%dma_start3A_42, %dma_start3A_47] : memref<1x1000000xf32, #tpu.memory_space<hbm>> -> memref<1x1000000xf32, #tpu.memory_space<hbm>>
    %dma_start3A_49 = tpu.memref_squeeze %dma_start3A_48 : memref<1x1000000xf32, #tpu.memory_space<hbm>> -> memref<1000000xf32, #tpu.memory_space<hbm>>
    %dma_start3A_50 = arith.constant 0 : i32
    %dma_start3A_51 = tpu.memref_slice %dma_start3A_49[%dma_start3A_50] : memref<1000000xf32, #tpu.memory_space<hbm>> -> memref<1000000xf32, #tpu.memory_space<hbm>>
    tpu.enqueue_indirect_dma source(%dma_start3A_51 : memref<1000000xf32, #tpu.memory_space<hbm>>) target(%dma_start3A_44 : memref<128xf32, #tpu.memory_space<vmem>>) offsets(%dma_start3A_46 : memref<128xi32, #tpu.memory_space<vmem>>) semaphore(%arg17 : memref<!tpu.dma_semaphore, #tpu.memory_space<semaphore_mem>>)
    %dma_start3A_52 = arith.constant 0 : i32
    %dma_start3A_53 = arith.constant 256 : i32
    %dma_start3A_54 = tpu.memref_slice %arg14[%dma_start3A_53] : memref<512xf32, #tpu.memory_space<vmem>> -> memref<128xf32, #tpu.memory_space<vmem>>
    %dma_start3A_55 = arith.constant 256 : i32
    %dma_start3A_56 = tpu.memref_slice %arg10[%dma_start3A_55] : memref<512xi32, #tpu.memory_space<vmem>> -> memref<128xi32, #tpu.memory_space<vmem>>
    %dma_start3A_57 = arith.constant 0 : i32
    %dma_start3A_58 = tpu.memref_slice %arg7[%dma_start3A_52, %dma_start3A_57] : memref<1x1000000xf32, #tpu.memory_space<hbm>> -> memref<1x1000000xf32, #tpu.memory_space<hbm>>
    %dma_start3A_59 = tpu.memref_squeeze %dma_start3A_58 : memref<1x1000000xf32, #tpu.memory_space<hbm>> -> memref<1000000xf32, #tpu.memory_space<hbm>>
    %dma_start3A_60 = arith.constant 0 : i32
    %dma_start3A_61 = tpu.memref_slice %dma_start3A_59[%dma_start3A_60] : memref<1000000xf32, #tpu.memory_space<hbm>> -> memref<1000000xf32, #tpu.memory_space<hbm>>
    tpu.enqueue_indirect_dma source(%dma_start3A_61 : memref<1000000xf32, #tpu.memory_space<hbm>>) target(%dma_start3A_54 : memref<128xf32, #tpu.memory_space<vmem>>) offsets(%dma_start3A_56 : memref<128xi32, #tpu.memory_space<vmem>>) semaphore(%arg17 : memref<!tpu.dma_semaphore, #tpu.memory_space<semaphore_mem>>)
    %dma_start3A_62 = arith.constant 0 : i32
    %dma_start3A_63 = arith.constant 384 : i32
    %dma_start3A_64 = tpu.memref_slice %arg13[%dma_start3A_63] : memref<512xf32, #tpu.memory_space<vmem>> -> memref<128xf32, #tpu.memory_space<vmem>>
    %dma_start3A_65 = arith.constant 384 : i32
    %dma_start3A_66 = tpu.memref_slice %arg9[%dma_start3A_65] : memref<512xi32, #tpu.memory_space<vmem>> -> memref<128xi32, #tpu.memory_space<vmem>>
    %dma_start3A_67 = arith.constant 0 : i32
    %dma_start3A_68 = tpu.memref_slice %arg6[%dma_start3A_62, %dma_start3A_67] : memref<1x1000000xf32, #tpu.memory_space<hbm>> -> memref<1x1000000xf32, #tpu.memory_space<hbm>>
    %dma_start3A_69 = tpu.memref_squeeze %dma_start3A_68 : memref<1x1000000xf32, #tpu.memory_space<hbm>> -> memref<1000000xf32, #tpu.memory_space<hbm>>
    %dma_start3A_70 = arith.constant 0 : i32
    %dma_start3A_71 = tpu.memref_slice %dma_start3A_69[%dma_start3A_70] : memref<1000000xf32, #tpu.memory_space<hbm>> -> memref<1000000xf32, #tpu.memory_space<hbm>>
    tpu.enqueue_indirect_dma source(%dma_start3A_71 : memref<1000000xf32, #tpu.memory_space<hbm>>) target(%dma_start3A_64 : memref<128xf32, #tpu.memory_space<vmem>>) offsets(%dma_start3A_66 : memref<128xi32, #tpu.memory_space<vmem>>) semaphore(%arg17 : memref<!tpu.dma_semaphore, #tpu.memory_space<semaphore_mem>>)
    %dma_start3A_72 = arith.constant 0 : i32
    %dma_start3A_73 = arith.constant 384 : i32
    %dma_start3A_74 = tpu.memref_slice %arg14[%dma_start3A_73] : memref<512xf32, #tpu.memory_space<vmem>> -> memref<128xf32, #tpu.memory_space<vmem>>
    %dma_start3A_75 = arith.constant 384 : i32
    %dma_start3A_76 = tpu.memref_slice %arg10[%dma_start3A_75] : memref<512xi32, #tpu.memory_space<vmem>> -> memref<128xi32, #tpu.memory_space<vmem>>
    %dma_start3A_77 = arith.constant 0 : i32
    %dma_start3A_78 = tpu.memref_slice %arg7[%dma_start3A_72, %dma_start3A_77] : memref<1x1000000xf32, #tpu.memory_space<hbm>> -> memref<1x1000000xf32, #tpu.memory_space<hbm>>
    %dma_start3A_79 = tpu.memref_squeeze %dma_start3A_78 : memref<1x1000000xf32, #tpu.memory_space<hbm>> -> memref<1000000xf32, #tpu.memory_space<hbm>>
    %dma_start3A_80 = arith.constant 0 : i32
    %dma_start3A_81 = tpu.memref_slice %dma_start3A_79[%dma_start3A_80] : memref<1000000xf32, #tpu.memory_space<hbm>> -> memref<1000000xf32, #tpu.memory_space<hbm>>
    tpu.enqueue_indirect_dma source(%dma_start3A_81 : memref<1000000xf32, #tpu.memory_space<hbm>>) target(%dma_start3A_74 : memref<128xf32, #tpu.memory_space<vmem>>) offsets(%dma_start3A_76 : memref<128xi32, #tpu.memory_space<vmem>>) semaphore(%arg17 : memref<!tpu.dma_semaphore, #tpu.memory_space<semaphore_mem>>)
    %iota3A = tpu.iota {dimensions = array<i32: 0>} : vector<16xi32>
    %dma_wait3A = arith.constant 0 : i32
    %dma_wait3A_82 = arith.constant 0 : i32
    %dma_wait3A_83 = tpu.memref_slice %arg13[%dma_wait3A_82] : memref<512xf32, #tpu.memory_space<vmem>> -> memref<128xf32, #tpu.memory_space<vmem>>
    %dma_wait3A_84 = arith.constant 0 : i32
    %dma_wait3A_85 = tpu.memref_slice %arg9[%dma_wait3A_84] : memref<512xi32, #tpu.memory_space<vmem>> -> memref<128xi32, #tpu.memory_space<vmem>>
    %dma_wait3A_86 = arith.constant 0 : i32
    %dma_wait3A_87 = tpu.memref_slice %arg6[%dma_wait3A, %dma_wait3A_86] : memref<1x1000000xf32, #tpu.memory_space<hbm>> -> memref<1x1000000xf32, #tpu.memory_space<hbm>>
    %dma_wait3A_88 = tpu.memref_squeeze %dma_wait3A_87 : memref<1x1000000xf32, #tpu.memory_space<hbm>> -> memref<1000000xf32, #tpu.memory_space<hbm>>
    %dma_wait3A_89 = arith.constant 0 : i32
    %dma_wait3A_90 = tpu.memref_slice %dma_wait3A_88[%dma_wait3A_89] : memref<1000000xf32, #tpu.memory_space<hbm>> -> memref<1000000xf32, #tpu.memory_space<hbm>>
    tpu.wait_indirect_dma semaphore(%arg17 : memref<!tpu.dma_semaphore, #tpu.memory_space<semaphore_mem>>) src(%dma_wait3A_90 : memref<1000000xf32, #tpu.memory_space<hbm>>) dst(%dma_wait3A_83 : memref<128xf32, #tpu.memory_space<vmem>>)
    %dma_wait3A_91 = arith.constant 0 : i32
    %dma_wait3A_92 = arith.constant 0 : i32
    %dma_wait3A_93 = tpu.memref_slice %arg14[%dma_wait3A_92] : memref<512xf32, #tpu.memory_space<vmem>> -> memref<128xf32, #tpu.memory_space<vmem>>
    %dma_wait3A_94 = arith.constant 0 : i32
    %dma_wait3A_95 = tpu.memref_slice %arg10[%dma_wait3A_94] : memref<512xi32, #tpu.memory_space<vmem>> -> memref<128xi32, #tpu.memory_space<vmem>>
    %dma_wait3A_96 = arith.constant 0 : i32
    %dma_wait3A_97 = tpu.memref_slice %arg7[%dma_wait3A_91, %dma_wait3A_96] : memref<1x1000000xf32, #tpu.memory_space<hbm>> -> memref<1x1000000xf32, #tpu.memory_space<hbm>>
    %dma_wait3A_98 = tpu.memref_squeeze %dma_wait3A_97 : memref<1x1000000xf32, #tpu.memory_space<hbm>> -> memref<1000000xf32, #tpu.memory_space<hbm>>
    %dma_wait3A_99 = arith.constant 0 : i32
    %dma_wait3A_100 = tpu.memref_slice %dma_wait3A_98[%dma_wait3A_99] : memref<1000000xf32, #tpu.memory_space<hbm>> -> memref<1000000xf32, #tpu.memory_space<hbm>>
    tpu.wait_indirect_dma semaphore(%arg17 : memref<!tpu.dma_semaphore, #tpu.memory_space<semaphore_mem>>) src(%dma_wait3A_100 : memref<1000000xf32, #tpu.memory_space<hbm>>) dst(%dma_wait3A_93 : memref<128xf32, #tpu.memory_space<vmem>>)
    %dma_wait3A_101 = arith.constant 0 : i32
    %dma_wait3A_102 = arith.constant 128 : i32
    %dma_wait3A_103 = tpu.memref_slice %arg13[%dma_wait3A_102] : memref<512xf32, #tpu.memory_space<vmem>> -> memref<128xf32, #tpu.memory_space<vmem>>
    %dma_wait3A_104 = arith.constant 128 : i32
    %dma_wait3A_105 = tpu.memref_slice %arg9[%dma_wait3A_104] : memref<512xi32, #tpu.memory_space<vmem>> -> memref<128xi32, #tpu.memory_space<vmem>>
    %dma_wait3A_106 = arith.constant 0 : i32
    %dma_wait3A_107 = tpu.memref_slice %arg6[%dma_wait3A_101, %dma_wait3A_106] : memref<1x1000000xf32, #tpu.memory_space<hbm>> -> memref<1x1000000xf32, #tpu.memory_space<hbm>>
    %dma_wait3A_108 = tpu.memref_squeeze %dma_wait3A_107 : memref<1x1000000xf32, #tpu.memory_space<hbm>> -> memref<1000000xf32, #tpu.memory_space<hbm>>
    %dma_wait3A_109 = arith.constant 0 : i32
    %dma_wait3A_110 = tpu.memref_slice %dma_wait3A_108[%dma_wait3A_109] : memref<1000000xf32, #tpu.memory_space<hbm>> -> memref<1000000xf32, #tpu.memory_space<hbm>>
    tpu.wait_indirect_dma semaphore(%arg17 : memref<!tpu.dma_semaphore, #tpu.memory_space<semaphore_mem>>) src(%dma_wait3A_110 : memref<1000000xf32, #tpu.memory_space<hbm>>) dst(%dma_wait3A_103 : memref<128xf32, #tpu.memory_space<vmem>>)
    %dma_wait3A_111 = arith.constant 0 : i32
    %dma_wait3A_112 = arith.constant 128 : i32
    %dma_wait3A_113 = tpu.memref_slice %arg14[%dma_wait3A_112] : memref<512xf32, #tpu.memory_space<vmem>> -> memref<128xf32, #tpu.memory_space<vmem>>
    %dma_wait3A_114 = arith.constant 128 : i32
    %dma_wait3A_115 = tpu.memref_slice %arg10[%dma_wait3A_114] : memref<512xi32, #tpu.memory_space<vmem>> -> memref<128xi32, #tpu.memory_space<vmem>>
    %dma_wait3A_116 = arith.constant 0 : i32
    %dma_wait3A_117 = tpu.memref_slice %arg7[%dma_wait3A_111, %dma_wait3A_116] : memref<1x1000000xf32, #tpu.memory_space<hbm>> -> memref<1x1000000xf32, #tpu.memory_space<hbm>>
    %dma_wait3A_118 = tpu.memref_squeeze %dma_wait3A_117 : memref<1x1000000xf32, #tpu.memory_space<hbm>> -> memref<1000000xf32, #tpu.memory_space<hbm>>
    %dma_wait3A_119 = arith.constant 0 : i32
    %dma_wait3A_120 = tpu.memref_slice %dma_wait3A_118[%dma_wait3A_119] : memref<1000000xf32, #tpu.memory_space<hbm>> -> memref<1000000xf32, #tpu.memory_space<hbm>>
    tpu.wait_indirect_dma semaphore(%arg17 : memref<!tpu.dma_semaphore, #tpu.memory_space<semaphore_mem>>) src(%dma_wait3A_120 : memref<1000000xf32, #tpu.memory_space<hbm>>) dst(%dma_wait3A_113 : memref<128xf32, #tpu.memory_space<vmem>>)
    %dma_wait3A_121 = arith.constant 0 : i32
    %dma_wait3A_122 = arith.constant 256 : i32
    %dma_wait3A_123 = tpu.memref_slice %arg13[%dma_wait3A_122] : memref<512xf32, #tpu.memory_space<vmem>> -> memref<128xf32, #tpu.memory_space<vmem>>
    %dma_wait3A_124 = arith.constant 256 : i32
    %dma_wait3A_125 = tpu.memref_slice %arg9[%dma_wait3A_124] : memref<512xi32, #tpu.memory_space<vmem>> -> memref<128xi32, #tpu.memory_space<vmem>>
    %dma_wait3A_126 = arith.constant 0 : i32
    %dma_wait3A_127 = tpu.memref_slice %arg6[%dma_wait3A_121, %dma_wait3A_126] : memref<1x1000000xf32, #tpu.memory_space<hbm>> -> memref<1x1000000xf32, #tpu.memory_space<hbm>>
    %dma_wait3A_128 = tpu.memref_squeeze %dma_wait3A_127 : memref<1x1000000xf32, #tpu.memory_space<hbm>> -> memref<1000000xf32, #tpu.memory_space<hbm>>
    %dma_wait3A_129 = arith.constant 0 : i32
    %dma_wait3A_130 = tpu.memref_slice %dma_wait3A_128[%dma_wait3A_129] : memref<1000000xf32, #tpu.memory_space<hbm>> -> memref<1000000xf32, #tpu.memory_space<hbm>>
    tpu.wait_indirect_dma semaphore(%arg17 : memref<!tpu.dma_semaphore, #tpu.memory_space<semaphore_mem>>) src(%dma_wait3A_130 : memref<1000000xf32, #tpu.memory_space<hbm>>) dst(%dma_wait3A_123 : memref<128xf32, #tpu.memory_space<vmem>>)
    %dma_wait3A_131 = arith.constant 0 : i32
    %dma_wait3A_132 = arith.constant 256 : i32
    %dma_wait3A_133 = tpu.memref_slice %arg14[%dma_wait3A_132] : memref<512xf32, #tpu.memory_space<vmem>> -> memref<128xf32, #tpu.memory_space<vmem>>
    %dma_wait3A_134 = arith.constant 256 : i32
    %dma_wait3A_135 = tpu.memref_slice %arg10[%dma_wait3A_134] : memref<512xi32, #tpu.memory_space<vmem>> -> memref<128xi32, #tpu.memory_space<vmem>>
    %dma_wait3A_136 = arith.constant 0 : i32
    %dma_wait3A_137 = tpu.memref_slice %arg7[%dma_wait3A_131, %dma_wait3A_136] : memref<1x1000000xf32, #tpu.memory_space<hbm>> -> memref<1x1000000xf32, #tpu.memory_space<hbm>>
    %dma_wait3A_138 = tpu.memref_squeeze %dma_wait3A_137 : memref<1x1000000xf32, #tpu.memory_space<hbm>> -> memref<1000000xf32, #tpu.memory_space<hbm>>
    %dma_wait3A_139 = arith.constant 0 : i32
    %dma_wait3A_140 = tpu.memref_slice %dma_wait3A_138[%dma_wait3A_139] : memref<1000000xf32, #tpu.memory_space<hbm>> -> memref<1000000xf32, #tpu.memory_space<hbm>>
    tpu.wait_indirect_dma semaphore(%arg17 : memref<!tpu.dma_semaphore, #tpu.memory_space<semaphore_mem>>) src(%dma_wait3A_140 : memref<1000000xf32, #tpu.memory_space<hbm>>) dst(%dma_wait3A_133 : memref<128xf32, #tpu.memory_space<vmem>>)
    %dma_wait3A_141 = arith.constant 0 : i32
    %dma_wait3A_142 = arith.constant 384 : i32
    %dma_wait3A_143 = tpu.memref_slice %arg13[%dma_wait3A_142] : memref<512xf32, #tpu.memory_space<vmem>> -> memref<128xf32, #tpu.memory_space<vmem>>
    %dma_wait3A_144 = arith.constant 384 : i32
    %dma_wait3A_145 = tpu.memref_slice %arg9[%dma_wait3A_144] : memref<512xi32, #tpu.memory_space<vmem>> -> memref<128xi32, #tpu.memory_space<vmem>>
    %dma_wait3A_146 = arith.constant 0 : i32
    %dma_wait3A_147 = tpu.memref_slice %arg6[%dma_wait3A_141, %dma_wait3A_146] : memref<1x1000000xf32, #tpu.memory_space<hbm>> -> memref<1x1000000xf32, #tpu.memory_space<hbm>>
    %dma_wait3A_148 = tpu.memref_squeeze %dma_wait3A_147 : memref<1x1000000xf32, #tpu.memory_space<hbm>> -> memref<1000000xf32, #tpu.memory_space<hbm>>
    %dma_wait3A_149 = arith.constant 0 : i32
    %dma_wait3A_150 = tpu.memref_slice %dma_wait3A_148[%dma_wait3A_149] : memref<1000000xf32, #tpu.memory_space<hbm>> -> memref<1000000xf32, #tpu.memory_space<hbm>>
    tpu.wait_indirect_dma semaphore(%arg17 : memref<!tpu.dma_semaphore, #tpu.memory_space<semaphore_mem>>) src(%dma_wait3A_150 : memref<1000000xf32, #tpu.memory_space<hbm>>) dst(%dma_wait3A_143 : memref<128xf32, #tpu.memory_space<vmem>>)
    %dma_wait3A_151 = arith.constant 0 : i32
    %dma_wait3A_152 = arith.constant 384 : i32
    %dma_wait3A_153 = tpu.memref_slice %arg14[%dma_wait3A_152] : memref<512xf32, #tpu.memory_space<vmem>> -> memref<128xf32, #tpu.memory_space<vmem>>
    %dma_wait3A_154 = arith.constant 384 : i32
    %dma_wait3A_155 = tpu.memref_slice %arg10[%dma_wait3A_154] : memref<512xi32, #tpu.memory_space<vmem>> -> memref<128xi32, #tpu.memory_space<vmem>>
    %dma_wait3A_156 = arith.constant 0 : i32
    %dma_wait3A_157 = tpu.memref_slice %arg7[%dma_wait3A_151, %dma_wait3A_156] : memref<1x1000000xf32, #tpu.memory_space<hbm>> -> memref<1x1000000xf32, #tpu.memory_space<hbm>>
    %dma_wait3A_158 = tpu.memref_squeeze %dma_wait3A_157 : memref<1x1000000xf32, #tpu.memory_space<hbm>> -> memref<1000000xf32, #tpu.memory_space<hbm>>
    %dma_wait3A_159 = arith.constant 0 : i32
    %dma_wait3A_160 = tpu.memref_slice %dma_wait3A_158[%dma_wait3A_159] : memref<1000000xf32, #tpu.memory_space<hbm>> -> memref<1000000xf32, #tpu.memory_space<hbm>>
    tpu.wait_indirect_dma semaphore(%arg17 : memref<!tpu.dma_semaphore, #tpu.memory_space<semaphore_mem>>) src(%dma_wait3A_160 : memref<1000000xf32, #tpu.memory_space<hbm>>) dst(%dma_wait3A_153 : memref<128xf32, #tpu.memory_space<vmem>>)
    %scan3A = arith.constant 0 : i32
    %scan3A_161 = arith.constant 0 : i32
    %scan3A_162 = arith.constant 2 : i32
    %scan3A_163 = arith.addi %scan3A_161, %scan3A_162 : i32
    %scan3A_164 = arith.constant 1 : i32
    scf.for %scan3A_166 = %scan3A_161 to %scan3A_163 step %scan3A_164  : i32 {
      %mul3A_167 = arith.constant 256 : i32
      %mul3A_168 = arith.muli %scan3A_166, %mul3A_167 : i32
      %scan3A_169 = arith.constant 0 : i32
      %scan3A_170 = arith.constant 0 : i32
      %scan3A_171 = arith.constant 16 : i32
      %scan3A_172 = arith.addi %scan3A_170, %scan3A_171 : i32
      %scan3A_173 = arith.constant 1 : i32
      scf.for %scan3A_193 = %scan3A_170 to %scan3A_172 step %scan3A_173  : i32 {
        %mul3A_194 = arith.constant 16 : i32
        %mul3A_195 = arith.muli %scan3A_193, %mul3A_194 : i32
        %add3A_196 = arith.addi %mul3A_168, %mul3A_195 : i32
        %get3A = arith.index_cast %add3A_196 : i32 to index
        %get3A_197 = tpu.vector_load %arg9[%get3A] {strides = array<i32>} : memref<512xi32, #tpu.memory_space<vmem>>, vector<16xi32>,
        %add3A_198 = arith.addi %mul3A_168, %mul3A_195 : i32
        %get3A_199 = arith.index_cast %add3A_198 : i32 to index
        %get3A_200 = tpu.vector_load %arg10[%get3A_199] {strides = array<i32>} : memref<512xi32, #tpu.memory_space<vmem>>, vector<16xi32>,
        %add3A_201 = arith.constant 0 : i32
        %add3A_202 = arith.addi %mul3A_195, %add3A_201 : i32
        %slice3A = vector.extract_strided_slice %get3A_197 {offsets = [0], sizes = [1], strides = [1]} : vector<16xi32> to vector<1xi32>
        %squeeze3A = vector.extract %slice3A[0] : i32 from vector<1xi32>
        %slice3A_203 = vector.extract_strided_slice %get3A_200 {offsets = [0], sizes = [1], strides = [1]} : vector<16xi32> to vector<1xi32>
        %squeeze3A_204 = vector.extract %slice3A_203[0] : i32 from vector<1xi32>
        %dma_start3A_205 = arith.constant 0 : i32
        %dma_start3A_206 = tpu.memref_slice %arg11[%add3A_202, %dma_start3A_205] : memref<256x64xf32, #tpu.memory_space<vmem>> -> memref<1x64xf32, #tpu.memory_space<vmem>>
        %dma_start3A_207 = arith.constant 0 : i32
        %dma_start3A_208 = tpu.memref_slice %arg4[%squeeze3A, %dma_start3A_207] : memref<1000000x64xf32, #tpu.memory_space<hbm>> -> memref<1x64xf32, #tpu.memory_space<hbm>>
        %dma_start3A_209 = arith.constant 0 : i32
        %dma_start3A_210 = tpu.memref_slice %arg11[%add3A_202, %dma_start3A_209] : memref<256x64xf32, #tpu.memory_space<vmem>> -> memref<1x64xf32, #tpu.memory_space<vmem>>
        %dma_start3A_211 = arith.constant 0 : i32
        %dma_start3A_212 = tpu.memref_slice %arg4[%squeeze3A, %dma_start3A_211] : memref<1000000x64xf32, #tpu.memory_space<hbm>> -> memref<1x64xf32, #tpu.memory_space<hbm>>
        tpu.enqueue_dma source(%dma_start3A_212 : memref<1x64xf32, #tpu.memory_space<hbm>>) target(%dma_start3A_210 : memref<1x64xf32, #tpu.memory_space<vmem>>) target_semaphore(%arg16 : memref<!tpu.dma_semaphore, #tpu.memory_space<semaphore_mem>>)
        %dma_start3A_213 = arith.constant 0 : i32
        %dma_start3A_214 = tpu.memref_slice %arg12[%add3A_202, %dma_start3A_213] : memref<256x64xf32, #tpu.memory_space<vmem>> -> memref<1x64xf32, #tpu.memory_space<vmem>>
        %dma_start3A_215 = arith.constant 0 : i32
        %dma_start3A_216 = tpu.memref_slice %arg5[%squeeze3A_204, %dma_start3A_215] : memref<1000000x64xf32, #tpu.memory_space<hbm>> -> memref<1x64xf32, #tpu.memory_space<hbm>>
        %dma_start3A_217 = arith.constant 0 : i32
        %dma_start3A_218 = tpu.memref_slice %arg12[%add3A_202, %dma_start3A_217] : memref<256x64xf32, #tpu.memory_space<vmem>> -> memref<1x64xf32, #tpu.memory_space<vmem>>
        %dma_start3A_219 = arith.constant 0 : i32
        %dma_start3A_220 = tpu.memref_slice %arg5[%squeeze3A_204, %dma_start3A_219] : memref<1000000x64xf32, #tpu.memory_space<hbm>> -> memref<1x64xf32, #tpu.memory_space<hbm>>
        tpu.enqueue_dma source(%dma_start3A_220 : memref<1x64xf32, #tpu.memory_space<hbm>>) target(%dma_start3A_218 : memref<1x64xf32, #tpu.memory_space<vmem>>) target_semaphore(%arg16 : memref<!tpu.dma_semaphore, #tpu.memory_space<semaphore_mem>>)
        %add3A_221 = arith.constant 1 : i32
        %add3A_222 = arith.addi %mul3A_195, %add3A_221 : i32
        %slice3A_223 = vector.extract_strided_slice %get3A_197 {offsets = [1], sizes = [1], strides = [1]} : vector<16xi32> to vector<1xi32>
        %squeeze3A_224 = vector.extract %slice3A_223[0] : i32 from vector<1xi32>
        %slice3A_225 = vector.extract_strided_slice %get3A_200 {offsets = [1], sizes = [1], strides = [1]} : vector<16xi32> to vector<1xi32>
        %squeeze3A_226 = vector.extract %slice3A_225[0] : i32 from vector<1xi32>
        %dma_start3A_227 = arith.constant 0 : i32
        %dma_start3A_228 = tpu.memref_slice %arg11[%add3A_222, %dma_start3A_227] : memref<256x64xf32, #tpu.memory_space<vmem>> -> memref<1x64xf32, #tpu.memory_space<vmem>>
        %dma_start3A_229 = arith.constant 0 : i32
        %dma_start3A_230 = tpu.memref_slice %arg4[%squeeze3A_224, %dma_start3A_229] : memref<1000000x64xf32, #tpu.memory_space<hbm>> -> memref<1x64xf32, #tpu.memory_space<hbm>>
        %dma_start3A_231 = arith.constant 0 : i32
        %dma_start3A_232 = tpu.memref_slice %arg11[%add3A_222, %dma_start3A_231] : memref<256x64xf32, #tpu.memory_space<vmem>> -> memref<1x64xf32, #tpu.memory_space<vmem>>
        %dma_start3A_233 = arith.constant 0 : i32
        %dma_start3A_234 = tpu.memref_slice %arg4[%squeeze3A_224, %dma_start3A_233] : memref<1000000x64xf32, #tpu.memory_space<hbm>> -> memref<1x64xf32, #tpu.memory_space<hbm>>
        tpu.enqueue_dma source(%dma_start3A_234 : memref<1x64xf32, #tpu.memory_space<hbm>>) target(%dma_start3A_232 : memref<1x64xf32, #tpu.memory_space<vmem>>) target_semaphore(%arg16 : memref<!tpu.dma_semaphore, #tpu.memory_space<semaphore_mem>>)
        %dma_start3A_235 = arith.constant 0 : i32
        %dma_start3A_236 = tpu.memref_slice %arg12[%add3A_222, %dma_start3A_235] : memref<256x64xf32, #tpu.memory_space<vmem>> -> memref<1x64xf32, #tpu.memory_space<vmem>>
        %dma_start3A_237 = arith.constant 0 : i32
        %dma_start3A_238 = tpu.memref_slice %arg5[%squeeze3A_226, %dma_start3A_237] : memref<1000000x64xf32, #tpu.memory_space<hbm>> -> memref<1x64xf32, #tpu.memory_space<hbm>>
        %dma_start3A_239 = arith.constant 0 : i32
        %dma_start3A_240 = tpu.memref_slice %arg12[%add3A_222, %dma_start3A_239] : memref<256x64xf32, #tpu.memory_space<vmem>> -> memref<1x64xf32, #tpu.memory_space<vmem>>
        %dma_start3A_241 = arith.constant 0 : i32
        %dma_start3A_242 = tpu.memref_slice %arg5[%squeeze3A_226, %dma_start3A_241] : memref<1000000x64xf32, #tpu.memory_space<hbm>> -> memref<1x64xf32, #tpu.memory_space<hbm>>
        tpu.enqueue_dma source(%dma_start3A_242 : memref<1x64xf32, #tpu.memory_space<hbm>>) target(%dma_start3A_240 : memref<1x64xf32, #tpu.memory_space<vmem>>) target_semaphore(%arg16 : memref<!tpu.dma_semaphore, #tpu.memory_space<semaphore_mem>>)
        %add3A_243 = arith.constant 2 : i32
        %add3A_244 = arith.addi %mul3A_195, %add3A_243 : i32
        %slice3A_245 = vector.extract_strided_slice %get3A_197 {offsets = [2], sizes = [1], strides = [1]} : vector<16xi32> to vector<1xi32>
        %squeeze3A_246 = vector.extract %slice3A_245[0] : i32 from vector<1xi32>
        %slice3A_247 = vector.extract_strided_slice %get3A_200 {offsets = [2], sizes = [1], strides = [1]} : vector<16xi32> to vector<1xi32>
        %squeeze3A_248 = vector.extract %slice3A_247[0] : i32 from vector<1xi32>
        %dma_start3A_249 = arith.constant 0 : i32
        %dma_start3A_250 = tpu.memref_slice %arg11[%add3A_244, %dma_start3A_249] : memref<256x64xf32, #tpu.memory_space<vmem>> -> memref<1x64xf32, #tpu.memory_space<vmem>>
        %dma_start3A_251 = arith.constant 0 : i32
        %dma_start3A_252 = tpu.memref_slice %arg4[%squeeze3A_246, %dma_start3A_251] : memref<1000000x64xf32, #tpu.memory_space<hbm>> -> memref<1x64xf32, #tpu.memory_space<hbm>>
        %dma_start3A_253 = arith.constant 0 : i32
        %dma_start3A_254 = tpu.memref_slice %arg11[%add3A_244, %dma_start3A_253] : memref<256x64xf32, #tpu.memory_space<vmem>> -> memref<1x64xf32, #tpu.memory_space<vmem>>
        %dma_start3A_255 = arith.constant 0 : i32
        %dma_start3A_256 = tpu.memref_slice %arg4[%squeeze3A_246, %dma_start3A_255] : memref<1000000x64xf32, #tpu.memory_space<hbm>> -> memref<1x64xf32, #tpu.memory_space<hbm>>
        tpu.enqueue_dma source(%dma_start3A_256 : memref<1x64xf32, #tpu.memory_space<hbm>>) target(%dma_start3A_254 : memref<1x64xf32, #tpu.memory_space<vmem>>) target_semaphore(%arg16 : memref<!tpu.dma_semaphore, #tpu.memory_space<semaphore_mem>>)
        %dma_start3A_257 = arith.constant 0 : i32
        %dma_start3A_258 = tpu.memref_slice %arg12[%add3A_244, %dma_start3A_257] : memref<256x64xf32, #tpu.memory_space<vmem>> -> memref<1x64xf32, #tpu.memory_space<vmem>>
        %dma_start3A_259 = arith.constant 0 : i32
        %dma_start3A_260 = tpu.memref_slice %arg5[%squeeze3A_248, %dma_start3A_259] : memref<1000000x64xf32, #tpu.memory_space<hbm>> -> memref<1x64xf32, #tpu.memory_space<hbm>>
        %dma_start3A_261 = arith.constant 0 : i32
        %dma_start3A_262 = tpu.memref_slice %arg12[%add3A_244, %dma_start3A_261] : memref<256x64xf32, #tpu.memory_space<vmem>> -> memref<1x64xf32, #tpu.memory_space<vmem>>
        %dma_start3A_263 = arith.constant 0 : i32
        %dma_start3A_264 = tpu.memref_slice %arg5[%squeeze3A_248, %dma_start3A_263] : memref<1000000x64xf32, #tpu.memory_space<hbm>> -> memref<1x64xf32, #tpu.memory_space<hbm>>
        tpu.enqueue_dma source(%dma_start3A_264 : memref<1x64xf32, #tpu.memory_space<hbm>>) target(%dma_start3A_262 : memref<1x64xf32, #tpu.memory_space<vmem>>) target_semaphore(%arg16 : memref<!tpu.dma_semaphore, #tpu.memory_space<semaphore_mem>>)
        %add3A_265 = arith.constant 3 : i32
        %add3A_266 = arith.addi %mul3A_195, %add3A_265 : i32
        %slice3A_267 = vector.extract_strided_slice %get3A_197 {offsets = [3], sizes = [1], strides = [1]} : vector<16xi32> to vector<1xi32>
        %squeeze3A_268 = vector.extract %slice3A_267[0] : i32 from vector<1xi32>
        %slice3A_269 = vector.extract_strided_slice %get3A_200 {offsets = [3], sizes = [1], strides = [1]} : vector<16xi32> to vector<1xi32>
        %squeeze3A_270 = vector.extract %slice3A_269[0] : i32 from vector<1xi32>
        %dma_start3A_271 = arith.constant 0 : i32
        %dma_start3A_272 = tpu.memref_slice %arg11[%add3A_266, %dma_start3A_271] : memref<256x64xf32, #tpu.memory_space<vmem>> -> memref<1x64xf32, #tpu.memory_space<vmem>>
        %dma_start3A_273 = arith.constant 0 : i32
        %dma_start3A_274 = tpu.memref_slice %arg4[%squeeze3A_268, %dma_start3A_273] : memref<1000000x64xf32, #tpu.memory_space<hbm>> -> memref<1x64xf32, #tpu.memory_space<hbm>>
        %dma_start3A_275 = arith.constant 0 : i32
        %dma_start3A_276 = tpu.memref_slice %arg11[%add3A_266, %dma_start3A_275] : memref<256x64xf32, #tpu.memory_space<vmem>> -> memref<1x64xf32, #tpu.memory_space<vmem>>
        %dma_start3A_277 = arith.constant 0 : i32
        %dma_start3A_278 = tpu.memref_slice %arg4[%squeeze3A_268, %dma_start3A_277] : memref<1000000x64xf32, #tpu.memory_space<hbm>> -> memref<1x64xf32, #tpu.memory_space<hbm>>
        tpu.enqueue_dma source(%dma_start3A_278 : memref<1x64xf32, #tpu.memory_space<hbm>>) target(%dma_start3A_276 : memref<1x64xf32, #tpu.memory_space<vmem>>) target_semaphore(%arg16 : memref<!tpu.dma_semaphore, #tpu.memory_space<semaphore_mem>>)
        %dma_start3A_279 = arith.constant 0 : i32
        %dma_start3A_280 = tpu.memref_slice %arg12[%add3A_266, %dma_start3A_279] : memref<256x64xf32, #tpu.memory_space<vmem>> -> memref<1x64xf32, #tpu.memory_space<vmem>>
        %dma_start3A_281 = arith.constant 0 : i32
        %dma_start3A_282 = tpu.memref_slice %arg5[%squeeze3A_270, %dma_start3A_281] : memref<1000000x64xf32, #tpu.memory_space<hbm>> -> memref<1x64xf32, #tpu.memory_space<hbm>>
        %dma_start3A_283 = arith.constant 0 : i32
        %dma_start3A_284 = tpu.memref_slice %arg12[%add3A_266, %dma_start3A_283] : memref<256x64xf32, #tpu.memory_space<vmem>> -> memref<1x64xf32, #tpu.memory_space<vmem>>
        %dma_start3A_285 = arith.constant 0 : i32
        %dma_start3A_286 = tpu.memref_slice %arg5[%squeeze3A_270, %dma_start3A_285] : memref<1000000x64xf32, #tpu.memory_space<hbm>> -> memref<1x64xf32, #tpu.memory_space<hbm>>
        tpu.enqueue_dma source(%dma_start3A_286 : memref<1x64xf32, #tpu.memory_space<hbm>>) target(%dma_start3A_284 : memref<1x64xf32, #tpu.memory_space<vmem>>) target_semaphore(%arg16 : memref<!tpu.dma_semaphore, #tpu.memory_space<semaphore_mem>>)
        %add3A_287 = arith.constant 4 : i32
        %add3A_288 = arith.addi %mul3A_195, %add3A_287 : i32
        %slice3A_289 = vector.extract_strided_slice %get3A_197 {offsets = [4], sizes = [1], strides = [1]} : vector<16xi32> to vector<1xi32>
        %squeeze3A_290 = vector.extract %slice3A_289[0] : i32 from vector<1xi32>
        %slice3A_291 = vector.extract_strided_slice %get3A_200 {offsets = [4], sizes = [1], strides = [1]} : vector<16xi32> to vector<1xi32>
        %squeeze3A_292 = vector.extract %slice3A_291[0] : i32 from vector<1xi32>
        %dma_start3A_293 = arith.constant 0 : i32
        %dma_start3A_294 = tpu.memref_slice %arg11[%add3A_288, %dma_start3A_293] : memref<256x64xf32, #tpu.memory_space<vmem>> -> memref<1x64xf32, #tpu.memory_space<vmem>>
        %dma_start3A_295 = arith.constant 0 : i32
        %dma_start3A_296 = tpu.memref_slice %arg4[%squeeze3A_290, %dma_start3A_295] : memref<1000000x64xf32, #tpu.memory_space<hbm>> -> memref<1x64xf32, #tpu.memory_space<hbm>>
        %dma_start3A_297 = arith.constant 0 : i32
        %dma_start3A_298 = tpu.memref_slice %arg11[%add3A_288, %dma_start3A_297] : memref<256x64xf32, #tpu.memory_space<vmem>> -> memref<1x64xf32, #tpu.memory_space<vmem>>
        %dma_start3A_299 = arith.constant 0 : i32
        %dma_start3A_300 = tpu.memref_slice %arg4[%squeeze3A_290, %dma_start3A_299] : memref<1000000x64xf32, #tpu.memory_space<hbm>> -> memref<1x64xf32, #tpu.memory_space<hbm>>
        tpu.enqueue_dma source(%dma_start3A_300 : memref<1x64xf32, #tpu.memory_space<hbm>>) target(%dma_start3A_298 : memref<1x64xf32, #tpu.memory_space<vmem>>) target_semaphore(%arg16 : memref<!tpu.dma_semaphore, #tpu.memory_space<semaphore_mem>>)
        %dma_start3A_301 = arith.constant 0 : i32
        %dma_start3A_302 = tpu.memref_slice %arg12[%add3A_288, %dma_start3A_301] : memref<256x64xf32, #tpu.memory_space<vmem>> -> memref<1x64xf32, #tpu.memory_space<vmem>>
        %dma_start3A_303 = arith.constant 0 : i32
        %dma_start3A_304 = tpu.memref_slice %arg5[%squeeze3A_292, %dma_start3A_303] : memref<1000000x64xf32, #tpu.memory_space<hbm>> -> memref<1x64xf32, #tpu.memory_space<hbm>>
        %dma_start3A_305 = arith.constant 0 : i32
        %dma_start3A_306 = tpu.memref_slice %arg12[%add3A_288, %dma_start3A_305] : memref<256x64xf32, #tpu.memory_space<vmem>> -> memref<1x64xf32, #tpu.memory_space<vmem>>
        %dma_start3A_307 = arith.constant 0 : i32
        %dma_start3A_308 = tpu.memref_slice %arg5[%squeeze3A_292, %dma_start3A_307] : memref<1000000x64xf32, #tpu.memory_space<hbm>> -> memref<1x64xf32, #tpu.memory_space<hbm>>
        tpu.enqueue_dma source(%dma_start3A_308 : memref<1x64xf32, #tpu.memory_space<hbm>>) target(%dma_start3A_306 : memref<1x64xf32, #tpu.memory_space<vmem>>) target_semaphore(%arg16 : memref<!tpu.dma_semaphore, #tpu.memory_space<semaphore_mem>>)
        %add3A_309 = arith.constant 5 : i32
        %add3A_310 = arith.addi %mul3A_195, %add3A_309 : i32
        %slice3A_311 = vector.extract_strided_slice %get3A_197 {offsets = [5], sizes = [1], strides = [1]} : vector<16xi32> to vector<1xi32>
        %squeeze3A_312 = vector.extract %slice3A_311[0] : i32 from vector<1xi32>
        %slice3A_313 = vector.extract_strided_slice %get3A_200 {offsets = [5], sizes = [1], strides = [1]} : vector<16xi32> to vector<1xi32>
        %squeeze3A_314 = vector.extract %slice3A_313[0] : i32 from vector<1xi32>
        %dma_start3A_315 = arith.constant 0 : i32
        %dma_start3A_316 = tpu.memref_slice %arg11[%add3A_310, %dma_start3A_315] : memref<256x64xf32, #tpu.memory_space<vmem>> -> memref<1x64xf32, #tpu.memory_space<vmem>>
        %dma_start3A_317 = arith.constant 0 : i32
        %dma_start3A_318 = tpu.memref_slice %arg4[%squeeze3A_312, %dma_start3A_317] : memref<1000000x64xf32, #tpu.memory_space<hbm>> -> memref<1x64xf32, #tpu.memory_space<hbm>>
        %dma_start3A_319 = arith.constant 0 : i32
        %dma_start3A_320 = tpu.memref_slice %arg11[%add3A_310, %dma_start3A_319] : memref<256x64xf32, #tpu.memory_space<vmem>> -> memref<1x64xf32, #tpu.memory_space<vmem>>
        %dma_start3A_321 = arith.constant 0 : i32
        %dma_start3A_322 = tpu.memref_slice %arg4[%squeeze3A_312, %dma_start3A_321] : memref<1000000x64xf32, #tpu.memory_space<hbm>> -> memref<1x64xf32, #tpu.memory_space<hbm>>
        tpu.enqueue_dma source(%dma_start3A_322 : memref<1x64xf32, #tpu.memory_space<hbm>>) target(%dma_start3A_320 : memref<1x64xf32, #tpu.memory_space<vmem>>) target_semaphore(%arg16 : memref<!tpu.dma_semaphore, #tpu.memory_space<semaphore_mem>>)
        %dma_start3A_323 = arith.constant 0 : i32
        %dma_start3A_324 = tpu.memref_slice %arg12[%add3A_310, %dma_start3A_323] : memref<256x64xf32, #tpu.memory_space<vmem>> -> memref<1x64xf32, #tpu.memory_space<vmem>>
        %dma_start3A_325 = arith.constant 0 : i32
        %dma_start3A_326 = tpu.memref_slice %arg5[%squeeze3A_314, %dma_start3A_325] : memref<1000000x64xf32, #tpu.memory_space<hbm>> -> memref<1x64xf32, #tpu.memory_space<hbm>>
        %dma_start3A_327 = arith.constant 0 : i32
        %dma_start3A_328 = tpu.memref_slice %arg12[%add3A_310, %dma_start3A_327] : memref<256x64xf32, #tpu.memory_space<vmem>> -> memref<1x64xf32, #tpu.memory_space<vmem>>
        %dma_start3A_329 = arith.constant 0 : i32
        %dma_start3A_330 = tpu.memref_slice %arg5[%squeeze3A_314, %dma_start3A_329] : memref<1000000x64xf32, #tpu.memory_space<hbm>> -> memref<1x64xf32, #tpu.memory_space<hbm>>
        tpu.enqueue_dma source(%dma_start3A_330 : memref<1x64xf32, #tpu.memory_space<hbm>>) target(%dma_start3A_328 : memref<1x64xf32, #tpu.memory_space<vmem>>) target_semaphore(%arg16 : memref<!tpu.dma_semaphore, #tpu.memory_space<semaphore_mem>>)
        %add3A_331 = arith.constant 6 : i32
        %add3A_332 = arith.addi %mul3A_195, %add3A_331 : i32
        %slice3A_333 = vector.extract_strided_slice %get3A_197 {offsets = [6], sizes = [1], strides = [1]} : vector<16xi32> to vector<1xi32>
        %squeeze3A_334 = vector.extract %slice3A_333[0] : i32 from vector<1xi32>
        %slice3A_335 = vector.extract_strided_slice %get3A_200 {offsets = [6], sizes = [1], strides = [1]} : vector<16xi32> to vector<1xi32>
        %squeeze3A_336 = vector.extract %slice3A_335[0] : i32 from vector<1xi32>
        %dma_start3A_337 = arith.constant 0 : i32
        %dma_start3A_338 = tpu.memref_slice %arg11[%add3A_332, %dma_start3A_337] : memref<256x64xf32, #tpu.memory_space<vmem>> -> memref<1x64xf32, #tpu.memory_space<vmem>>
        %dma_start3A_339 = arith.constant 0 : i32
        %dma_start3A_340 = tpu.memref_slice %arg4[%squeeze3A_334, %dma_start3A_339] : memref<1000000x64xf32, #tpu.memory_space<hbm>> -> memref<1x64xf32, #tpu.memory_space<hbm>>
        %dma_start3A_341 = arith.constant 0 : i32
        %dma_start3A_342 = tpu.memref_slice %arg11[%add3A_332, %dma_start3A_341] : memref<256x64xf32, #tpu.memory_space<vmem>> -> memref<1x64xf32, #tpu.memory_space<vmem>>
        %dma_start3A_343 = arith.constant 0 : i32
        %dma_start3A_344 = tpu.memref_slice %arg4[%squeeze3A_334, %dma_start3A_343] : memref<1000000x64xf32, #tpu.memory_space<hbm>> -> memref<1x64xf32, #tpu.memory_space<hbm>>
        tpu.enqueue_dma source(%dma_start3A_344 : memref<1x64xf32, #tpu.memory_space<hbm>>) target(%dma_start3A_342 : memref<1x64xf32, #tpu.memory_space<vmem>>) target_semaphore(%arg16 : memref<!tpu.dma_semaphore, #tpu.memory_space<semaphore_mem>>)
        %dma_start3A_345 = arith.constant 0 : i32
        %dma_start3A_346 = tpu.memref_slice %arg12[%add3A_332, %dma_start3A_345] : memref<256x64xf32, #tpu.memory_space<vmem>> -> memref<1x64xf32, #tpu.memory_space<vmem>>
        %dma_start3A_347 = arith.constant 0 : i32
        %dma_start3A_348 = tpu.memref_slice %arg5[%squeeze3A_336, %dma_start3A_347] : memref<1000000x64xf32, #tpu.memory_space<hbm>> -> memref<1x64xf32, #tpu.memory_space<hbm>>
        %dma_start3A_349 = arith.constant 0 : i32
        %dma_start3A_350 = tpu.memref_slice %arg12[%add3A_332, %dma_start3A_349] : memref<256x64xf32, #tpu.memory_space<vmem>> -> memref<1x64xf32, #tpu.memory_space<vmem>>
        %dma_start3A_351 = arith.constant 0 : i32
        %dma_start3A_352 = tpu.memref_slice %arg5[%squeeze3A_336, %dma_start3A_351] : memref<1000000x64xf32, #tpu.memory_space<hbm>> -> memref<1x64xf32, #tpu.memory_space<hbm>>
        tpu.enqueue_dma source(%dma_start3A_352 : memref<1x64xf32, #tpu.memory_space<hbm>>) target(%dma_start3A_350 : memref<1x64xf32, #tpu.memory_space<vmem>>) target_semaphore(%arg16 : memref<!tpu.dma_semaphore, #tpu.memory_space<semaphore_mem>>)
        %add3A_353 = arith.constant 7 : i32
        %add3A_354 = arith.addi %mul3A_195, %add3A_353 : i32
        %slice3A_355 = vector.extract_strided_slice %get3A_197 {offsets = [7], sizes = [1], strides = [1]} : vector<16xi32> to vector<1xi32>
        %squeeze3A_356 = vector.extract %slice3A_355[0] : i32 from vector<1xi32>
        %slice3A_357 = vector.extract_strided_slice %get3A_200 {offsets = [7], sizes = [1], strides = [1]} : vector<16xi32> to vector<1xi32>
        %squeeze3A_358 = vector.extract %slice3A_357[0] : i32 from vector<1xi32>
        %dma_start3A_359 = arith.constant 0 : i32
        %dma_start3A_360 = tpu.memref_slice %arg11[%add3A_354, %dma_start3A_359] : memref<256x64xf32, #tpu.memory_space<vmem>> -> memref<1x64xf32, #tpu.memory_space<vmem>>
        %dma_start3A_361 = arith.constant 0 : i32
        %dma_start3A_362 = tpu.memref_slice %arg4[%squeeze3A_356, %dma_start3A_361] : memref<1000000x64xf32, #tpu.memory_space<hbm>> -> memref<1x64xf32, #tpu.memory_space<hbm>>
        %dma_start3A_363 = arith.constant 0 : i32
        %dma_start3A_364 = tpu.memref_slice %arg11[%add3A_354, %dma_start3A_363] : memref<256x64xf32, #tpu.memory_space<vmem>> -> memref<1x64xf32, #tpu.memory_space<vmem>>
        %dma_start3A_365 = arith.constant 0 : i32
        %dma_start3A_366 = tpu.memref_slice %arg4[%squeeze3A_356, %dma_start3A_365] : memref<1000000x64xf32, #tpu.memory_space<hbm>> -> memref<1x64xf32, #tpu.memory_space<hbm>>
        tpu.enqueue_dma source(%dma_start3A_366 : memref<1x64xf32, #tpu.memory_space<hbm>>) target(%dma_start3A_364 : memref<1x64xf32, #tpu.memory_space<vmem>>) target_semaphore(%arg16 : memref<!tpu.dma_semaphore, #tpu.memory_space<semaphore_mem>>)
        %dma_start3A_367 = arith.constant 0 : i32
        %dma_start3A_368 = tpu.memref_slice %arg12[%add3A_354, %dma_start3A_367] : memref<256x64xf32, #tpu.memory_space<vmem>> -> memref<1x64xf32, #tpu.memory_space<vmem>>
        %dma_start3A_369 = arith.constant 0 : i32
        %dma_start3A_370 = tpu.memref_slice %arg5[%squeeze3A_358, %dma_start3A_369] : memref<1000000x64xf32, #tpu.memory_space<hbm>> -> memref<1x64xf32, #tpu.memory_space<hbm>>
        %dma_start3A_371 = arith.constant 0 : i32
        %dma_start3A_372 = tpu.memref_slice %arg12[%add3A_354, %dma_start3A_371] : memref<256x64xf32, #tpu.memory_space<vmem>> -> memref<1x64xf32, #tpu.memory_space<vmem>>
        %dma_start3A_373 = arith.constant 0 : i32
        %dma_start3A_374 = tpu.memref_slice %arg5[%squeeze3A_358, %dma_start3A_373] : memref<1000000x64xf32, #tpu.memory_space<hbm>> -> memref<1x64xf32, #tpu.memory_space<hbm>>
        tpu.enqueue_dma source(%dma_start3A_374 : memref<1x64xf32, #tpu.memory_space<hbm>>) target(%dma_start3A_372 : memref<1x64xf32, #tpu.memory_space<vmem>>) target_semaphore(%arg16 : memref<!tpu.dma_semaphore, #tpu.memory_space<semaphore_mem>>)
        %add3A_375 = arith.constant 8 : i32
        %add3A_376 = arith.addi %mul3A_195, %add3A_375 : i32
        %slice3A_377 = vector.extract_strided_slice %get3A_197 {offsets = [8], sizes = [1], strides = [1]} : vector<16xi32> to vector<1xi32>
        %squeeze3A_378 = vector.extract %slice3A_377[0] : i32 from vector<1xi32>
        %slice3A_379 = vector.extract_strided_slice %get3A_200 {offsets = [8], sizes = [1], strides = [1]} : vector<16xi32> to vector<1xi32>
        %squeeze3A_380 = vector.extract %slice3A_379[0] : i32 from vector<1xi32>
        %dma_start3A_381 = arith.constant 0 : i32
        %dma_start3A_382 = tpu.memref_slice %arg11[%add3A_376, %dma_start3A_381] : memref<256x64xf32, #tpu.memory_space<vmem>> -> memref<1x64xf32, #tpu.memory_space<vmem>>
        %dma_start3A_383 = arith.constant 0 : i32
        %dma_start3A_384 = tpu.memref_slice %arg4[%squeeze3A_378, %dma_start3A_383] : memref<1000000x64xf32, #tpu.memory_space<hbm>> -> memref<1x64xf32, #tpu.memory_space<hbm>>
        %dma_start3A_385 = arith.constant 0 : i32
        %dma_start3A_386 = tpu.memref_slice %arg11[%add3A_376, %dma_start3A_385] : memref<256x64xf32, #tpu.memory_space<vmem>> -> memref<1x64xf32, #tpu.memory_space<vmem>>
        %dma_start3A_387 = arith.constant 0 : i32
        %dma_start3A_388 = tpu.memref_slice %arg4[%squeeze3A_378, %dma_start3A_387] : memref<1000000x64xf32, #tpu.memory_space<hbm>> -> memref<1x64xf32, #tpu.memory_space<hbm>>
        tpu.enqueue_dma source(%dma_start3A_388 : memref<1x64xf32, #tpu.memory_space<hbm>>) target(%dma_start3A_386 : memref<1x64xf32, #tpu.memory_space<vmem>>) target_semaphore(%arg16 : memref<!tpu.dma_semaphore, #tpu.memory_space<semaphore_mem>>)
        %dma_start3A_389 = arith.constant 0 : i32
        %dma_start3A_390 = tpu.memref_slice %arg12[%add3A_376, %dma_start3A_389] : memref<256x64xf32, #tpu.memory_space<vmem>> -> memref<1x64xf32, #tpu.memory_space<vmem>>
        %dma_start3A_391 = arith.constant 0 : i32
        %dma_start3A_392 = tpu.memref_slice %arg5[%squeeze3A_380, %dma_start3A_391] : memref<1000000x64xf32, #tpu.memory_space<hbm>> -> memref<1x64xf32, #tpu.memory_space<hbm>>
        %dma_start3A_393 = arith.constant 0 : i32
        %dma_start3A_394 = tpu.memref_slice %arg12[%add3A_376, %dma_start3A_393] : memref<256x64xf32, #tpu.memory_space<vmem>> -> memref<1x64xf32, #tpu.memory_space<vmem>>
        %dma_start3A_395 = arith.constant 0 : i32
        %dma_start3A_396 = tpu.memref_slice %arg5[%squeeze3A_380, %dma_start3A_395] : memref<1000000x64xf32, #tpu.memory_space<hbm>> -> memref<1x64xf32, #tpu.memory_space<hbm>>
        tpu.enqueue_dma source(%dma_start3A_396 : memref<1x64xf32, #tpu.memory_space<hbm>>) target(%dma_start3A_394 : memref<1x64xf32, #tpu.memory_space<vmem>>) target_semaphore(%arg16 : memref<!tpu.dma_semaphore, #tpu.memory_space<semaphore_mem>>)
        %add3A_397 = arith.constant 9 : i32
        %add3A_398 = arith.addi %mul3A_195, %add3A_397 : i32
        %slice3A_399 = vector.extract_strided_slice %get3A_197 {offsets = [9], sizes = [1], strides = [1]} : vector<16xi32> to vector<1xi32>
        %squeeze3A_400 = vector.extract %slice3A_399[0] : i32 from vector<1xi32>
        %slice3A_401 = vector.extract_strided_slice %get3A_200 {offsets = [9], sizes = [1], strides = [1]} : vector<16xi32> to vector<1xi32>
        %squeeze3A_402 = vector.extract %slice3A_401[0] : i32 from vector<1xi32>
        %dma_start3A_403 = arith.constant 0 : i32
        %dma_start3A_404 = tpu.memref_slice %arg11[%add3A_398, %dma_start3A_403] : memref<256x64xf32, #tpu.memory_space<vmem>> -> memref<1x64xf32, #tpu.memory_space<vmem>>
        %dma_start3A_405 = arith.constant 0 : i32
        %dma_start3A_406 = tpu.memref_slice %arg4[%squeeze3A_400, %dma_start3A_405] : memref<1000000x64xf32, #tpu.memory_space<hbm>> -> memref<1x64xf32, #tpu.memory_space<hbm>>
        %dma_start3A_407 = arith.constant 0 : i32
        %dma_start3A_408 = tpu.memref_slice %arg11[%add3A_398, %dma_start3A_407] : memref<256x64xf32, #tpu.memory_space<vmem>> -> memref<1x64xf32, #tpu.memory_space<vmem>>
        %dma_start3A_409 = arith.constant 0 : i32
        %dma_start3A_410 = tpu.memref_slice %arg4[%squeeze3A_400, %dma_start3A_409] : memref<1000000x64xf32, #tpu.memory_space<hbm>> -> memref<1x64xf32, #tpu.memory_space<hbm>>
        tpu.enqueue_dma source(%dma_start3A_410 : memref<1x64xf32, #tpu.memory_space<hbm>>) target(%dma_start3A_408 : memref<1x64xf32, #tpu.memory_space<vmem>>) target_semaphore(%arg16 : memref<!tpu.dma_semaphore, #tpu.memory_space<semaphore_mem>>)
        %dma_start3A_411 = arith.constant 0 : i32
        %dma_start3A_412 = tpu.memref_slice %arg12[%add3A_398, %dma_start3A_411] : memref<256x64xf32, #tpu.memory_space<vmem>> -> memref<1x64xf32, #tpu.memory_space<vmem>>
        %dma_start3A_413 = arith.constant 0 : i32
        %dma_start3A_414 = tpu.memref_slice %arg5[%squeeze3A_402, %dma_start3A_413] : memref<1000000x64xf32, #tpu.memory_space<hbm>> -> memref<1x64xf32, #tpu.memory_space<hbm>>
        %dma_start3A_415 = arith.constant 0 : i32
        %dma_start3A_416 = tpu.memref_slice %arg12[%add3A_398, %dma_start3A_415] : memref<256x64xf32, #tpu.memory_space<vmem>> -> memref<1x64xf32, #tpu.memory_space<vmem>>
        %dma_start3A_417 = arith.constant 0 : i32
        %dma_start3A_418 = tpu.memref_slice %arg5[%squeeze3A_402, %dma_start3A_417] : memref<1000000x64xf32, #tpu.memory_space<hbm>> -> memref<1x64xf32, #tpu.memory_space<hbm>>
        tpu.enqueue_dma source(%dma_start3A_418 : memref<1x64xf32, #tpu.memory_space<hbm>>) target(%dma_start3A_416 : memref<1x64xf32, #tpu.memory_space<vmem>>) target_semaphore(%arg16 : memref<!tpu.dma_semaphore, #tpu.memory_space<semaphore_mem>>)
        %add3A_419 = arith.constant 10 : i32
        %add3A_420 = arith.addi %mul3A_195, %add3A_419 : i32
        %slice3A_421 = vector.extract_strided_slice %get3A_197 {offsets = [10], sizes = [1], strides = [1]} : vector<16xi32> to vector<1xi32>
        %squeeze3A_422 = vector.extract %slice3A_421[0] : i32 from vector<1xi32>
        %slice3A_423 = vector.extract_strided_slice %get3A_200 {offsets = [10], sizes = [1], strides = [1]} : vector<16xi32> to vector<1xi32>
        %squeeze3A_424 = vector.extract %slice3A_423[0] : i32 from vector<1xi32>
        %dma_start3A_425 = arith.constant 0 : i32
        %dma_start3A_426 = tpu.memref_slice %arg11[%add3A_420, %dma_start3A_425] : memref<256x64xf32, #tpu.memory_space<vmem>> -> memref<1x64xf32, #tpu.memory_space<vmem>>
        %dma_start3A_427 = arith.constant 0 : i32
        %dma_start3A_428 = tpu.memref_slice %arg4[%squeeze3A_422, %dma_start3A_427] : memref<1000000x64xf32, #tpu.memory_space<hbm>> -> memref<1x64xf32, #tpu.memory_space<hbm>>
        %dma_start3A_429 = arith.constant 0 : i32
        %dma_start3A_430 = tpu.memref_slice %arg11[%add3A_420, %dma_start3A_429] : memref<256x64xf32, #tpu.memory_space<vmem>> -> memref<1x64xf32, #tpu.memory_space<vmem>>
        %dma_start3A_431 = arith.constant 0 : i32
        %dma_start3A_432 = tpu.memref_slice %arg4[%squeeze3A_422, %dma_start3A_431] : memref<1000000x64xf32, #tpu.memory_space<hbm>> -> memref<1x64xf32, #tpu.memory_space<hbm>>
        tpu.enqueue_dma source(%dma_start3A_432 : memref<1x64xf32, #tpu.memory_space<hbm>>) target(%dma_start3A_430 : memref<1x64xf32, #tpu.memory_space<vmem>>) target_semaphore(%arg16 : memref<!tpu.dma_semaphore, #tpu.memory_space<semaphore_mem>>)
        %dma_start3A_433 = arith.constant 0 : i32
        %dma_start3A_434 = tpu.memref_slice %arg12[%add3A_420, %dma_start3A_433] : memref<256x64xf32, #tpu.memory_space<vmem>> -> memref<1x64xf32, #tpu.memory_space<vmem>>
        %dma_start3A_435 = arith.constant 0 : i32
        %dma_start3A_436 = tpu.memref_slice %arg5[%squeeze3A_424, %dma_start3A_435] : memref<1000000x64xf32, #tpu.memory_space<hbm>> -> memref<1x64xf32, #tpu.memory_space<hbm>>
        %dma_start3A_437 = arith.constant 0 : i32
        %dma_start3A_438 = tpu.memref_slice %arg12[%add3A_420, %dma_start3A_437] : memref<256x64xf32, #tpu.memory_space<vmem>> -> memref<1x64xf32, #tpu.memory_space<vmem>>
        %dma_start3A_439 = arith.constant 0 : i32
        %dma_start3A_440 = tpu.memref_slice %arg5[%squeeze3A_424, %dma_start3A_439] : memref<1000000x64xf32, #tpu.memory_space<hbm>> -> memref<1x64xf32, #tpu.memory_space<hbm>>
        tpu.enqueue_dma source(%dma_start3A_440 : memref<1x64xf32, #tpu.memory_space<hbm>>) target(%dma_start3A_438 : memref<1x64xf32, #tpu.memory_space<vmem>>) target_semaphore(%arg16 : memref<!tpu.dma_semaphore, #tpu.memory_space<semaphore_mem>>)
        %add3A_441 = arith.constant 11 : i32
        %add3A_442 = arith.addi %mul3A_195, %add3A_441 : i32
        %slice3A_443 = vector.extract_strided_slice %get3A_197 {offsets = [11], sizes = [1], strides = [1]} : vector<16xi32> to vector<1xi32>
        %squeeze3A_444 = vector.extract %slice3A_443[0] : i32 from vector<1xi32>
        %slice3A_445 = vector.extract_strided_slice %get3A_200 {offsets = [11], sizes = [1], strides = [1]} : vector<16xi32> to vector<1xi32>
        %squeeze3A_446 = vector.extract %slice3A_445[0] : i32 from vector<1xi32>
        %dma_start3A_447 = arith.constant 0 : i32
        %dma_start3A_448 = tpu.memref_slice %arg11[%add3A_442, %dma_start3A_447] : memref<256x64xf32, #tpu.memory_space<vmem>> -> memref<1x64xf32, #tpu.memory_space<vmem>>
        %dma_start3A_449 = arith.constant 0 : i32
        %dma_start3A_450 = tpu.memref_slice %arg4[%squeeze3A_444, %dma_start3A_449] : memref<1000000x64xf32, #tpu.memory_space<hbm>> -> memref<1x64xf32, #tpu.memory_space<hbm>>
        %dma_start3A_451 = arith.constant 0 : i32
        %dma_start3A_452 = tpu.memref_slice %arg11[%add3A_442, %dma_start3A_451] : memref<256x64xf32, #tpu.memory_space<vmem>> -> memref<1x64xf32, #tpu.memory_space<vmem>>
        %dma_start3A_453 = arith.constant 0 : i32
        %dma_start3A_454 = tpu.memref_slice %arg4[%squeeze3A_444, %dma_start3A_453] : memref<1000000x64xf32, #tpu.memory_space<hbm>> -> memref<1x64xf32, #tpu.memory_space<hbm>>
        tpu.enqueue_dma source(%dma_start3A_454 : memref<1x64xf32, #tpu.memory_space<hbm>>) target(%dma_start3A_452 : memref<1x64xf32, #tpu.memory_space<vmem>>) target_semaphore(%arg16 : memref<!tpu.dma_semaphore, #tpu.memory_space<semaphore_mem>>)
        %dma_start3A_455 = arith.constant 0 : i32
        %dma_start3A_456 = tpu.memref_slice %arg12[%add3A_442, %dma_start3A_455] : memref<256x64xf32, #tpu.memory_space<vmem>> -> memref<1x64xf32, #tpu.memory_space<vmem>>
        %dma_start3A_457 = arith.constant 0 : i32
        %dma_start3A_458 = tpu.memref_slice %arg5[%squeeze3A_446, %dma_start3A_457] : memref<1000000x64xf32, #tpu.memory_space<hbm>> -> memref<1x64xf32, #tpu.memory_space<hbm>>
        %dma_start3A_459 = arith.constant 0 : i32
        %dma_start3A_460 = tpu.memref_slice %arg12[%add3A_442, %dma_start3A_459] : memref<256x64xf32, #tpu.memory_space<vmem>> -> memref<1x64xf32, #tpu.memory_space<vmem>>
        %dma_start3A_461 = arith.constant 0 : i32
        %dma_start3A_462 = tpu.memref_slice %arg5[%squeeze3A_446, %dma_start3A_461] : memref<1000000x64xf32, #tpu.memory_space<hbm>> -> memref<1x64xf32, #tpu.memory_space<hbm>>
        tpu.enqueue_dma source(%dma_start3A_462 : memref<1x64xf32, #tpu.memory_space<hbm>>) target(%dma_start3A_460 : memref<1x64xf32, #tpu.memory_space<vmem>>) target_semaphore(%arg16 : memref<!tpu.dma_semaphore, #tpu.memory_space<semaphore_mem>>)
        %add3A_463 = arith.constant 12 : i32
        %add3A_464 = arith.addi %mul3A_195, %add3A_463 : i32
        %slice3A_465 = vector.extract_strided_slice %get3A_197 {offsets = [12], sizes = [1], strides = [1]} : vector<16xi32> to vector<1xi32>
        %squeeze3A_466 = vector.extract %slice3A_465[0] : i32 from vector<1xi32>
        %slice3A_467 = vector.extract_strided_slice %get3A_200 {offsets = [12], sizes = [1], strides = [1]} : vector<16xi32> to vector<1xi32>
        %squeeze3A_468 = vector.extract %slice3A_467[0] : i32 from vector<1xi32>
        %dma_start3A_469 = arith.constant 0 : i32
        %dma_start3A_470 = tpu.memref_slice %arg11[%add3A_464, %dma_start3A_469] : memref<256x64xf32, #tpu.memory_space<vmem>> -> memref<1x64xf32, #tpu.memory_space<vmem>>
        %dma_start3A_471 = arith.constant 0 : i32
        %dma_start3A_472 = tpu.memref_slice %arg4[%squeeze3A_466, %dma_start3A_471] : memref<1000000x64xf32, #tpu.memory_space<hbm>> -> memref<1x64xf32, #tpu.memory_space<hbm>>
        %dma_start3A_473 = arith.constant 0 : i32
        %dma_start3A_474 = tpu.memref_slice %arg11[%add3A_464, %dma_start3A_473] : memref<256x64xf32, #tpu.memory_space<vmem>> -> memref<1x64xf32, #tpu.memory_space<vmem>>
        %dma_start3A_475 = arith.constant 0 : i32
        %dma_start3A_476 = tpu.memref_slice %arg4[%squeeze3A_466, %dma_start3A_475] : memref<1000000x64xf32, #tpu.memory_space<hbm>> -> memref<1x64xf32, #tpu.memory_space<hbm>>
        tpu.enqueue_dma source(%dma_start3A_476 : memref<1x64xf32, #tpu.memory_space<hbm>>) target(%dma_start3A_474 : memref<1x64xf32, #tpu.memory_space<vmem>>) target_semaphore(%arg16 : memref<!tpu.dma_semaphore, #tpu.memory_space<semaphore_mem>>)
        %dma_start3A_477 = arith.constant 0 : i32
        %dma_start3A_478 = tpu.memref_slice %arg12[%add3A_464, %dma_start3A_477] : memref<256x64xf32, #tpu.memory_space<vmem>> -> memref<1x64xf32, #tpu.memory_space<vmem>>
        %dma_start3A_479 = arith.constant 0 : i32
        %dma_start3A_480 = tpu.memref_slice %arg5[%squeeze3A_468, %dma_start3A_479] : memref<1000000x64xf32, #tpu.memory_space<hbm>> -> memref<1x64xf32, #tpu.memory_space<hbm>>
        %dma_start3A_481 = arith.constant 0 : i32
        %dma_start3A_482 = tpu.memref_slice %arg12[%add3A_464, %dma_start3A_481] : memref<256x64xf32, #tpu.memory_space<vmem>> -> memref<1x64xf32, #tpu.memory_space<vmem>>
        %dma_start3A_483 = arith.constant 0 : i32
        %dma_start3A_484 = tpu.memref_slice %arg5[%squeeze3A_468, %dma_start3A_483] : memref<1000000x64xf32, #tpu.memory_space<hbm>> -> memref<1x64xf32, #tpu.memory_space<hbm>>
        tpu.enqueue_dma source(%dma_start3A_484 : memref<1x64xf32, #tpu.memory_space<hbm>>) target(%dma_start3A_482 : memref<1x64xf32, #tpu.memory_space<vmem>>) target_semaphore(%arg16 : memref<!tpu.dma_semaphore, #tpu.memory_space<semaphore_mem>>)
        %add3A_485 = arith.constant 13 : i32
        %add3A_486 = arith.addi %mul3A_195, %add3A_485 : i32
        %slice3A_487 = vector.extract_strided_slice %get3A_197 {offsets = [13], sizes = [1], strides = [1]} : vector<16xi32> to vector<1xi32>
        %squeeze3A_488 = vector.extract %slice3A_487[0] : i32 from vector<1xi32>
        %slice3A_489 = vector.extract_strided_slice %get3A_200 {offsets = [13], sizes = [1], strides = [1]} : vector<16xi32> to vector<1xi32>
        %squeeze3A_490 = vector.extract %slice3A_489[0] : i32 from vector<1xi32>
        %dma_start3A_491 = arith.constant 0 : i32
        %dma_start3A_492 = tpu.memref_slice %arg11[%add3A_486, %dma_start3A_491] : memref<256x64xf32, #tpu.memory_space<vmem>> -> memref<1x64xf32, #tpu.memory_space<vmem>>
        %dma_start3A_493 = arith.constant 0 : i32
        %dma_start3A_494 = tpu.memref_slice %arg4[%squeeze3A_488, %dma_start3A_493] : memref<1000000x64xf32, #tpu.memory_space<hbm>> -> memref<1x64xf32, #tpu.memory_space<hbm>>
        %dma_start3A_495 = arith.constant 0 : i32
        %dma_start3A_496 = tpu.memref_slice %arg11[%add3A_486, %dma_start3A_495] : memref<256x64xf32, #tpu.memory_space<vmem>> -> memref<1x64xf32, #tpu.memory_space<vmem>>
        %dma_start3A_497 = arith.constant 0 : i32
        %dma_start3A_498 = tpu.memref_slice %arg4[%squeeze3A_488, %dma_start3A_497] : memref<1000000x64xf32, #tpu.memory_space<hbm>> -> memref<1x64xf32, #tpu.memory_space<hbm>>
        tpu.enqueue_dma source(%dma_start3A_498 : memref<1x64xf32, #tpu.memory_space<hbm>>) target(%dma_start3A_496 : memref<1x64xf32, #tpu.memory_space<vmem>>) target_semaphore(%arg16 : memref<!tpu.dma_semaphore, #tpu.memory_space<semaphore_mem>>)
        %dma_start3A_499 = arith.constant 0 : i32
        %dma_start3A_500 = tpu.memref_slice %arg12[%add3A_486, %dma_start3A_499] : memref<256x64xf32, #tpu.memory_space<vmem>> -> memref<1x64xf32, #tpu.memory_space<vmem>>
        %dma_start3A_501 = arith.constant 0 : i32
        %dma_start3A_502 = tpu.memref_slice %arg5[%squeeze3A_490, %dma_start3A_501] : memref<1000000x64xf32, #tpu.memory_space<hbm>> -> memref<1x64xf32, #tpu.memory_space<hbm>>
        %dma_start3A_503 = arith.constant 0 : i32
        %dma_start3A_504 = tpu.memref_slice %arg12[%add3A_486, %dma_start3A_503] : memref<256x64xf32, #tpu.memory_space<vmem>> -> memref<1x64xf32, #tpu.memory_space<vmem>>
        %dma_start3A_505 = arith.constant 0 : i32
        %dma_start3A_506 = tpu.memref_slice %arg5[%squeeze3A_490, %dma_start3A_505] : memref<1000000x64xf32, #tpu.memory_space<hbm>> -> memref<1x64xf32, #tpu.memory_space<hbm>>
        tpu.enqueue_dma source(%dma_start3A_506 : memref<1x64xf32, #tpu.memory_space<hbm>>) target(%dma_start3A_504 : memref<1x64xf32, #tpu.memory_space<vmem>>) target_semaphore(%arg16 : memref<!tpu.dma_semaphore, #tpu.memory_space<semaphore_mem>>)
        %add3A_507 = arith.constant 14 : i32
        %add3A_508 = arith.addi %mul3A_195, %add3A_507 : i32
        %slice3A_509 = vector.extract_strided_slice %get3A_197 {offsets = [14], sizes = [1], strides = [1]} : vector<16xi32> to vector<1xi32>
        %squeeze3A_510 = vector.extract %slice3A_509[0] : i32 from vector<1xi32>
        %slice3A_511 = vector.extract_strided_slice %get3A_200 {offsets = [14], sizes = [1], strides = [1]} : vector<16xi32> to vector<1xi32>
        %squeeze3A_512 = vector.extract %slice3A_511[0] : i32 from vector<1xi32>
        %dma_start3A_513 = arith.constant 0 : i32
        %dma_start3A_514 = tpu.memref_slice %arg11[%add3A_508, %dma_start3A_513] : memref<256x64xf32, #tpu.memory_space<vmem>> -> memref<1x64xf32, #tpu.memory_space<vmem>>
        %dma_start3A_515 = arith.constant 0 : i32
        %dma_start3A_516 = tpu.memref_slice %arg4[%squeeze3A_510, %dma_start3A_515] : memref<1000000x64xf32, #tpu.memory_space<hbm>> -> memref<1x64xf32, #tpu.memory_space<hbm>>
        %dma_start3A_517 = arith.constant 0 : i32
        %dma_start3A_518 = tpu.memref_slice %arg11[%add3A_508, %dma_start3A_517] : memref<256x64xf32, #tpu.memory_space<vmem>> -> memref<1x64xf32, #tpu.memory_space<vmem>>
        %dma_start3A_519 = arith.constant 0 : i32
        %dma_start3A_520 = tpu.memref_slice %arg4[%squeeze3A_510, %dma_start3A_519] : memref<1000000x64xf32, #tpu.memory_space<hbm>> -> memref<1x64xf32, #tpu.memory_space<hbm>>
        tpu.enqueue_dma source(%dma_start3A_520 : memref<1x64xf32, #tpu.memory_space<hbm>>) target(%dma_start3A_518 : memref<1x64xf32, #tpu.memory_space<vmem>>) target_semaphore(%arg16 : memref<!tpu.dma_semaphore, #tpu.memory_space<semaphore_mem>>)
        %dma_start3A_521 = arith.constant 0 : i32
        %dma_start3A_522 = tpu.memref_slice %arg12[%add3A_508, %dma_start3A_521] : memref<256x64xf32, #tpu.memory_space<vmem>> -> memref<1x64xf32, #tpu.memory_space<vmem>>
        %dma_start3A_523 = arith.constant 0 : i32
        %dma_start3A_524 = tpu.memref_slice %arg5[%squeeze3A_512, %dma_start3A_523] : memref<1000000x64xf32, #tpu.memory_space<hbm>> -> memref<1x64xf32, #tpu.memory_space<hbm>>
        %dma_start3A_525 = arith.constant 0 : i32
        %dma_start3A_526 = tpu.memref_slice %arg12[%add3A_508, %dma_start3A_525] : memref<256x64xf32, #tpu.memory_space<vmem>> -> memref<1x64xf32, #tpu.memory_space<vmem>>
        %dma_start3A_527 = arith.constant 0 : i32
        %dma_start3A_528 = tpu.memref_slice %arg5[%squeeze3A_512, %dma_start3A_527] : memref<1000000x64xf32, #tpu.memory_space<hbm>> -> memref<1x64xf32, #tpu.memory_space<hbm>>
        tpu.enqueue_dma source(%dma_start3A_528 : memref<1x64xf32, #tpu.memory_space<hbm>>) target(%dma_start3A_526 : memref<1x64xf32, #tpu.memory_space<vmem>>) target_semaphore(%arg16 : memref<!tpu.dma_semaphore, #tpu.memory_space<semaphore_mem>>)
        %add3A_529 = arith.constant 15 : i32
        %add3A_530 = arith.addi %mul3A_195, %add3A_529 : i32
        %slice3A_531 = vector.extract_strided_slice %get3A_197 {offsets = [15], sizes = [1], strides = [1]} : vector<16xi32> to vector<1xi32>
        %squeeze3A_532 = vector.extract %slice3A_531[0] : i32 from vector<1xi32>
        %slice3A_533 = vector.extract_strided_slice %get3A_200 {offsets = [15], sizes = [1], strides = [1]} : vector<16xi32> to vector<1xi32>
        %squeeze3A_534 = vector.extract %slice3A_533[0] : i32 from vector<1xi32>
        %dma_start3A_535 = arith.constant 0 : i32
        %dma_start3A_536 = tpu.memref_slice %arg11[%add3A_530, %dma_start3A_535] : memref<256x64xf32, #tpu.memory_space<vmem>> -> memref<1x64xf32, #tpu.memory_space<vmem>>
        %dma_start3A_537 = arith.constant 0 : i32
        %dma_start3A_538 = tpu.memref_slice %arg4[%squeeze3A_532, %dma_start3A_537] : memref<1000000x64xf32, #tpu.memory_space<hbm>> -> memref<1x64xf32, #tpu.memory_space<hbm>>
        %dma_start3A_539 = arith.constant 0 : i32
        %dma_start3A_540 = tpu.memref_slice %arg11[%add3A_530, %dma_start3A_539] : memref<256x64xf32, #tpu.memory_space<vmem>> -> memref<1x64xf32, #tpu.memory_space<vmem>>
        %dma_start3A_541 = arith.constant 0 : i32
        %dma_start3A_542 = tpu.memref_slice %arg4[%squeeze3A_532, %dma_start3A_541] : memref<1000000x64xf32, #tpu.memory_space<hbm>> -> memref<1x64xf32, #tpu.memory_space<hbm>>
        tpu.enqueue_dma source(%dma_start3A_542 : memref<1x64xf32, #tpu.memory_space<hbm>>) target(%dma_start3A_540 : memref<1x64xf32, #tpu.memory_space<vmem>>) target_semaphore(%arg16 : memref<!tpu.dma_semaphore, #tpu.memory_space<semaphore_mem>>)
        %dma_start3A_543 = arith.constant 0 : i32
        %dma_start3A_544 = tpu.memref_slice %arg12[%add3A_530, %dma_start3A_543] : memref<256x64xf32, #tpu.memory_space<vmem>> -> memref<1x64xf32, #tpu.memory_space<vmem>>
        %dma_start3A_545 = arith.constant 0 : i32
        %dma_start3A_546 = tpu.memref_slice %arg5[%squeeze3A_534, %dma_start3A_545] : memref<1000000x64xf32, #tpu.memory_space<hbm>> -> memref<1x64xf32, #tpu.memory_space<hbm>>
        %dma_start3A_547 = arith.constant 0 : i32
        %dma_start3A_548 = tpu.memref_slice %arg12[%add3A_530, %dma_start3A_547] : memref<256x64xf32, #tpu.memory_space<vmem>> -> memref<1x64xf32, #tpu.memory_space<vmem>>
        %dma_start3A_549 = arith.constant 0 : i32
        %dma_start3A_550 = tpu.memref_slice %arg5[%squeeze3A_534, %dma_start3A_549] : memref<1000000x64xf32, #tpu.memory_space<hbm>> -> memref<1x64xf32, #tpu.memory_space<hbm>>
        tpu.enqueue_dma source(%dma_start3A_550 : memref<1x64xf32, #tpu.memory_space<hbm>>) target(%dma_start3A_548 : memref<1x64xf32, #tpu.memory_space<vmem>>) target_semaphore(%arg16 : memref<!tpu.dma_semaphore, #tpu.memory_space<semaphore_mem>>)
      }
      %scan3A_174 = arith.constant 16 : i32
      %dma_wait3A_175 = arith.constant 0 : i32
      %dma_wait3A_176 = arith.constant 0 : i32
      %dma_wait3A_177 = tpu.memref_slice %arg4[%dma_wait3A_175, %dma_wait3A_176] : memref<1000000x64xf32, #tpu.memory_space<hbm>> -> memref<256x64xf32, #tpu.memory_space<hbm>>
      %dma_wait3A_178 = arith.constant 0 : i32
      %dma_wait3A_179 = arith.constant 0 : i32
      %dma_wait3A_180 = tpu.memref_slice %arg4[%dma_wait3A_178, %dma_wait3A_179] : memref<1000000x64xf32, #tpu.memory_space<hbm>> -> memref<256x64xf32, #tpu.memory_space<hbm>>
      tpu.wait_dma2 semaphore(%arg16 : memref<!tpu.dma_semaphore, #tpu.memory_space<semaphore_mem>>) src(%dma_wait3A_180 : memref<256x64xf32, #tpu.memory_space<hbm>>) dst(%arg11 : memref<256x64xf32, #tpu.memory_space<vmem>>)
      %dma_wait3A_181 = arith.constant 0 : i32
      %dma_wait3A_182 = arith.constant 0 : i32
      %dma_wait3A_183 = tpu.memref_slice %arg5[%dma_wait3A_181, %dma_wait3A_182] : memref<1000000x64xf32, #tpu.memory_space<hbm>> -> memref<256x64xf32, #tpu.memory_space<hbm>>
      %dma_wait3A_184 = arith.constant 0 : i32
      %dma_wait3A_185 = arith.constant 0 : i32
      %dma_wait3A_186 = tpu.memref_slice %arg5[%dma_wait3A_184, %dma_wait3A_185] : memref<1000000x64xf32, #tpu.memory_space<hbm>> -> memref<256x64xf32, #tpu.memory_space<hbm>>
      tpu.wait_dma2 semaphore(%arg16 : memref<!tpu.dma_semaphore, #tpu.memory_space<semaphore_mem>>) src(%dma_wait3A_186 : memref<256x64xf32, #tpu.memory_space<hbm>>) dst(%arg12 : memref<256x64xf32, #tpu.memory_space<vmem>>)
      %scan3A_187 = arith.constant 0 : i32
      %scan3A_188 = arith.constant 0 : i32
      %scan3A_189 = arith.constant 16 : i32
      %scan3A_190 = arith.addi %scan3A_188, %scan3A_189 : i32
      %scan3A_191 = arith.constant 1 : i32
      scf.for %scan3A_193 = %scan3A_188 to %scan3A_190 step %scan3A_191  : i32 {
        %mul3A_194 = arith.constant 16 : i32
        %mul3A_195 = arith.muli %scan3A_193, %mul3A_194 : i32
        %add3A_196 = vector.broadcast %mul3A_195 : i32 to vector<16xi32>
        %add3A_197 = arith.addi %add3A_196, %iota3A : vector<16xi32>
        %add3A_198 = arith.addi %mul3A_168, %mul3A_195 : i32
        %get3A = arith.index_cast %add3A_198 : i32 to index
        %get3A_199 = tpu.vector_load %arg13[%get3A] {strides = array<i32>} : memref<512xf32, #tpu.memory_space<vmem>>, vector<16xf32>,
        %get3A_200 = arith.index_cast %add3A_198 : i32 to index
        %get3A_201 = tpu.vector_load %arg14[%get3A_200] {strides = array<i32>} : memref<512xf32, #tpu.memory_space<vmem>>, vector<16xf32>,
        %add3A_202 = arith.addf %get3A_199, %get3A_201 : vector<16xf32>
        %broadcast_in_dim3A = arith.constant 0 : i32
        %broadcast_in_dim3A_203 = vector.broadcast %broadcast_in_dim3A : i32 to vector<16xi32>
        %gather3A = tpu.vector_load_idx %arg11[%add3A_197, %broadcast_in_dim3A_203] : memref<256x64xf32, #tpu.memory_space<vmem>>[vector<16xi32>, vector<16xi32>], vector<16xf32>,
        %gather3A_204 = tpu.vector_load_idx %arg12[%add3A_197, %broadcast_in_dim3A_203] : memref<256x64xf32, #tpu.memory_space<vmem>>[vector<16xi32>, vector<16xi32>], vector<16xf32>,
        %mul3A_205 = arith.mulf %gather3A, %gather3A_204 : vector<16xf32>
        %add3A_206 = arith.addf %add3A_202, %mul3A_205 : vector<16xf32>
        %broadcast_in_dim3A_207 = arith.constant 1 : i32
        %broadcast_in_dim3A_208 = vector.broadcast %broadcast_in_dim3A_207 : i32 to vector<16xi32>
        %gather3A_209 = tpu.vector_load_idx %arg11[%add3A_197, %broadcast_in_dim3A_208] : memref<256x64xf32, #tpu.memory_space<vmem>>[vector<16xi32>, vector<16xi32>], vector<16xf32>,
        %gather3A_210 = tpu.vector_load_idx %arg12[%add3A_197, %broadcast_in_dim3A_208] : memref<256x64xf32, #tpu.memory_space<vmem>>[vector<16xi32>, vector<16xi32>], vector<16xf32>,
        %mul3A_211 = arith.mulf %gather3A_209, %gather3A_210 : vector<16xf32>
        %add3A_212 = arith.addf %add3A_206, %mul3A_211 : vector<16xf32>
        %broadcast_in_dim3A_213 = arith.constant 2 : i32
        %broadcast_in_dim3A_214 = vector.broadcast %broadcast_in_dim3A_213 : i32 to vector<16xi32>
        %gather3A_215 = tpu.vector_load_idx %arg11[%add3A_197, %broadcast_in_dim3A_214] : memref<256x64xf32, #tpu.memory_space<vmem>>[vector<16xi32>, vector<16xi32>], vector<16xf32>,
        %gather3A_216 = tpu.vector_load_idx %arg12[%add3A_197, %broadcast_in_dim3A_214] : memref<256x64xf32, #tpu.memory_space<vmem>>[vector<16xi32>, vector<16xi32>], vector<16xf32>,
        %mul3A_217 = arith.mulf %gather3A_215, %gather3A_216 : vector<16xf32>
        %add3A_218 = arith.addf %add3A_212, %mul3A_217 : vector<16xf32>
        %broadcast_in_dim3A_219 = arith.constant 3 : i32
        %broadcast_in_dim3A_220 = vector.broadcast %broadcast_in_dim3A_219 : i32 to vector<16xi32>
        %gather3A_221 = tpu.vector_load_idx %arg11[%add3A_197, %broadcast_in_dim3A_220] : memref<256x64xf32, #tpu.memory_space<vmem>>[vector<16xi32>, vector<16xi32>], vector<16xf32>,
        %gather3A_222 = tpu.vector_load_idx %arg12[%add3A_197, %broadcast_in_dim3A_220] : memref<256x64xf32, #tpu.memory_space<vmem>>[vector<16xi32>, vector<16xi32>], vector<16xf32>,
        %mul3A_223 = arith.mulf %gather3A_221, %gather3A_222 : vector<16xf32>
        %add3A_224 = arith.addf %add3A_218, %mul3A_223 : vector<16xf32>
        %broadcast_in_dim3A_225 = arith.constant 4 : i32
        %broadcast_in_dim3A_226 = vector.broadcast %broadcast_in_dim3A_225 : i32 to vector<16xi32>
        %gather3A_227 = tpu.vector_load_idx %arg11[%add3A_197, %broadcast_in_dim3A_226] : memref<256x64xf32, #tpu.memory_space<vmem>>[vector<16xi32>, vector<16xi32>], vector<16xf32>,
        %gather3A_228 = tpu.vector_load_idx %arg12[%add3A_197, %broadcast_in_dim3A_226] : memref<256x64xf32, #tpu.memory_space<vmem>>[vector<16xi32>, vector<16xi32>], vector<16xf32>,
        %mul3A_229 = arith.mulf %gather3A_227, %gather3A_228 : vector<16xf32>
        %add3A_230 = arith.addf %add3A_224, %mul3A_229 : vector<16xf32>
        %broadcast_in_dim3A_231 = arith.constant 5 : i32
        %broadcast_in_dim3A_232 = vector.broadcast %broadcast_in_dim3A_231 : i32 to vector<16xi32>
        %gather3A_233 = tpu.vector_load_idx %arg11[%add3A_197, %broadcast_in_dim3A_232] : memref<256x64xf32, #tpu.memory_space<vmem>>[vector<16xi32>, vector<16xi32>], vector<16xf32>,
        %gather3A_234 = tpu.vector_load_idx %arg12[%add3A_197, %broadcast_in_dim3A_232] : memref<256x64xf32, #tpu.memory_space<vmem>>[vector<16xi32>, vector<16xi32>], vector<16xf32>,
        %mul3A_235 = arith.mulf %gather3A_233, %gather3A_234 : vector<16xf32>
        %add3A_236 = arith.addf %add3A_230, %mul3A_235 : vector<16xf32>
        %broadcast_in_dim3A_237 = arith.constant 6 : i32
        %broadcast_in_dim3A_238 = vector.broadcast %broadcast_in_dim3A_237 : i32 to vector<16xi32>
        %gather3A_239 = tpu.vector_load_idx %arg11[%add3A_197, %broadcast_in_dim3A_238] : memref<256x64xf32, #tpu.memory_space<vmem>>[vector<16xi32>, vector<16xi32>], vector<16xf32>,
        %gather3A_240 = tpu.vector_load_idx %arg12[%add3A_197, %broadcast_in_dim3A_238] : memref<256x64xf32, #tpu.memory_space<vmem>>[vector<16xi32>, vector<16xi32>], vector<16xf32>,
        %mul3A_241 = arith.mulf %gather3A_239, %gather3A_240 : vector<16xf32>
        %add3A_242 = arith.addf %add3A_236, %mul3A_241 : vector<16xf32>
        %broadcast_in_dim3A_243 = arith.constant 7 : i32
        %broadcast_in_dim3A_244 = vector.broadcast %broadcast_in_dim3A_243 : i32 to vector<16xi32>
        %gather3A_245 = tpu.vector_load_idx %arg11[%add3A_197, %broadcast_in_dim3A_244] : memref<256x64xf32, #tpu.memory_space<vmem>>[vector<16xi32>, vector<16xi32>], vector<16xf32>,
        %gather3A_246 = tpu.vector_load_idx %arg12[%add3A_197, %broadcast_in_dim3A_244] : memref<256x64xf32, #tpu.memory_space<vmem>>[vector<16xi32>, vector<16xi32>], vector<16xf32>,
        %mul3A_247 = arith.mulf %gather3A_245, %gather3A_246 : vector<16xf32>
        %add3A_248 = arith.addf %add3A_242, %mul3A_247 : vector<16xf32>
        %broadcast_in_dim3A_249 = arith.constant 8 : i32
        %broadcast_in_dim3A_250 = vector.broadcast %broadcast_in_dim3A_249 : i32 to vector<16xi32>
        %gather3A_251 = tpu.vector_load_idx %arg11[%add3A_197, %broadcast_in_dim3A_250] : memref<256x64xf32, #tpu.memory_space<vmem>>[vector<16xi32>, vector<16xi32>], vector<16xf32>,
        %gather3A_252 = tpu.vector_load_idx %arg12[%add3A_197, %broadcast_in_dim3A_250] : memref<256x64xf32, #tpu.memory_space<vmem>>[vector<16xi32>, vector<16xi32>], vector<16xf32>,
        %mul3A_253 = arith.mulf %gather3A_251, %gather3A_252 : vector<16xf32>
        %add3A_254 = arith.addf %add3A_248, %mul3A_253 : vector<16xf32>
        %broadcast_in_dim3A_255 = arith.constant 9 : i32
        %broadcast_in_dim3A_256 = vector.broadcast %broadcast_in_dim3A_255 : i32 to vector<16xi32>
        %gather3A_257 = tpu.vector_load_idx %arg11[%add3A_197, %broadcast_in_dim3A_256] : memref<256x64xf32, #tpu.memory_space<vmem>>[vector<16xi32>, vector<16xi32>], vector<16xf32>,
        %gather3A_258 = tpu.vector_load_idx %arg12[%add3A_197, %broadcast_in_dim3A_256] : memref<256x64xf32, #tpu.memory_space<vmem>>[vector<16xi32>, vector<16xi32>], vector<16xf32>,
        %mul3A_259 = arith.mulf %gather3A_257, %gather3A_258 : vector<16xf32>
        %add3A_260 = arith.addf %add3A_254, %mul3A_259 : vector<16xf32>
        %broadcast_in_dim3A_261 = arith.constant 10 : i32
        %broadcast_in_dim3A_262 = vector.broadcast %broadcast_in_dim3A_261 : i32 to vector<16xi32>
        %gather3A_263 = tpu.vector_load_idx %arg11[%add3A_197, %broadcast_in_dim3A_262] : memref<256x64xf32, #tpu.memory_space<vmem>>[vector<16xi32>, vector<16xi32>], vector<16xf32>,
        %gather3A_264 = tpu.vector_load_idx %arg12[%add3A_197, %broadcast_in_dim3A_262] : memref<256x64xf32, #tpu.memory_space<vmem>>[vector<16xi32>, vector<16xi32>], vector<16xf32>,
        %mul3A_265 = arith.mulf %gather3A_263, %gather3A_264 : vector<16xf32>
        %add3A_266 = arith.addf %add3A_260, %mul3A_265 : vector<16xf32>
        %broadcast_in_dim3A_267 = arith.constant 11 : i32
        %broadcast_in_dim3A_268 = vector.broadcast %broadcast_in_dim3A_267 : i32 to vector<16xi32>
        %gather3A_269 = tpu.vector_load_idx %arg11[%add3A_197, %broadcast_in_dim3A_268] : memref<256x64xf32, #tpu.memory_space<vmem>>[vector<16xi32>, vector<16xi32>], vector<16xf32>,
        %gather3A_270 = tpu.vector_load_idx %arg12[%add3A_197, %broadcast_in_dim3A_268] : memref<256x64xf32, #tpu.memory_space<vmem>>[vector<16xi32>, vector<16xi32>], vector<16xf32>,
        %mul3A_271 = arith.mulf %gather3A_269, %gather3A_270 : vector<16xf32>
        %add3A_272 = arith.addf %add3A_266, %mul3A_271 : vector<16xf32>
        %broadcast_in_dim3A_273 = arith.constant 12 : i32
        %broadcast_in_dim3A_274 = vector.broadcast %broadcast_in_dim3A_273 : i32 to vector<16xi32>
        %gather3A_275 = tpu.vector_load_idx %arg11[%add3A_197, %broadcast_in_dim3A_274] : memref<256x64xf32, #tpu.memory_space<vmem>>[vector<16xi32>, vector<16xi32>], vector<16xf32>,
        %gather3A_276 = tpu.vector_load_idx %arg12[%add3A_197, %broadcast_in_dim3A_274] : memref<256x64xf32, #tpu.memory_space<vmem>>[vector<16xi32>, vector<16xi32>], vector<16xf32>,
        %mul3A_277 = arith.mulf %gather3A_275, %gather3A_276 : vector<16xf32>
        %add3A_278 = arith.addf %add3A_272, %mul3A_277 : vector<16xf32>
        %broadcast_in_dim3A_279 = arith.constant 13 : i32
        %broadcast_in_dim3A_280 = vector.broadcast %broadcast_in_dim3A_279 : i32 to vector<16xi32>
        %gather3A_281 = tpu.vector_load_idx %arg11[%add3A_197, %broadcast_in_dim3A_280] : memref<256x64xf32, #tpu.memory_space<vmem>>[vector<16xi32>, vector<16xi32>], vector<16xf32>,
        %gather3A_282 = tpu.vector_load_idx %arg12[%add3A_197, %broadcast_in_dim3A_280] : memref<256x64xf32, #tpu.memory_space<vmem>>[vector<16xi32>, vector<16xi32>], vector<16xf32>,
        %mul3A_283 = arith.mulf %gather3A_281, %gather3A_282 : vector<16xf32>
        %add3A_284 = arith.addf %add3A_278, %mul3A_283 : vector<16xf32>
        %broadcast_in_dim3A_285 = arith.constant 14 : i32
        %broadcast_in_dim3A_286 = vector.broadcast %broadcast_in_dim3A_285 : i32 to vector<16xi32>
        %gather3A_287 = tpu.vector_load_idx %arg11[%add3A_197, %broadcast_in_dim3A_286] : memref<256x64xf32, #tpu.memory_space<vmem>>[vector<16xi32>, vector<16xi32>], vector<16xf32>,
        %gather3A_288 = tpu.vector_load_idx %arg12[%add3A_197, %broadcast_in_dim3A_286] : memref<256x64xf32, #tpu.memory_space<vmem>>[vector<16xi32>, vector<16xi32>], vector<16xf32>,
        %mul3A_289 = arith.mulf %gather3A_287, %gather3A_288 : vector<16xf32>
        %add3A_290 = arith.addf %add3A_284, %mul3A_289 : vector<16xf32>
        %broadcast_in_dim3A_291 = arith.constant 15 : i32
        %broadcast_in_dim3A_292 = vector.broadcast %broadcast_in_dim3A_291 : i32 to vector<16xi32>
        %gather3A_293 = tpu.vector_load_idx %arg11[%add3A_197, %broadcast_in_dim3A_292] : memref<256x64xf32, #tpu.memory_space<vmem>>[vector<16xi32>, vector<16xi32>], vector<16xf32>,
        %gather3A_294 = tpu.vector_load_idx %arg12[%add3A_197, %broadcast_in_dim3A_292] : memref<256x64xf32, #tpu.memory_space<vmem>>[vector<16xi32>, vector<16xi32>], vector<16xf32>,
        %mul3A_295 = arith.mulf %gather3A_293, %gather3A_294 : vector<16xf32>
        %add3A_296 = arith.addf %add3A_290, %mul3A_295 : vector<16xf32>
        %broadcast_in_dim3A_297 = arith.constant 16 : i32
        %broadcast_in_dim3A_298 = vector.broadcast %broadcast_in_dim3A_297 : i32 to vector<16xi32>
        %gather3A_299 = tpu.vector_load_idx %arg11[%add3A_197, %broadcast_in_dim3A_298] : memref<256x64xf32, #tpu.memory_space<vmem>>[vector<16xi32>, vector<16xi32>], vector<16xf32>,
        %gather3A_300 = tpu.vector_load_idx %arg12[%add3A_197, %broadcast_in_dim3A_298] : memref<256x64xf32, #tpu.memory_space<vmem>>[vector<16xi32>, vector<16xi32>], vector<16xf32>,
        %mul3A_301 = arith.mulf %gather3A_299, %gather3A_300 : vector<16xf32>
        %add3A_302 = arith.addf %add3A_296, %mul3A_301 : vector<16xf32>
        %broadcast_in_dim3A_303 = arith.constant 17 : i32
        %broadcast_in_dim3A_304 = vector.broadcast %broadcast_in_dim3A_303 : i32 to vector<16xi32>
        %gather3A_305 = tpu.vector_load_idx %arg11[%add3A_197, %broadcast_in_dim3A_304] : memref<256x64xf32, #tpu.memory_space<vmem>>[vector<16xi32>, vector<16xi32>], vector<16xf32>,
        %gather3A_306 = tpu.vector_load_idx %arg12[%add3A_197, %broadcast_in_dim3A_304] : memref<256x64xf32, #tpu.memory_space<vmem>>[vector<16xi32>, vector<16xi32>], vector<16xf32>,
        %mul3A_307 = arith.mulf %gather3A_305, %gather3A_306 : vector<16xf32>
        %add3A_308 = arith.addf %add3A_302, %mul3A_307 : vector<16xf32>
        %broadcast_in_dim3A_309 = arith.constant 18 : i32
        %broadcast_in_dim3A_310 = vector.broadcast %broadcast_in_dim3A_309 : i32 to vector<16xi32>
        %gather3A_311 = tpu.vector_load_idx %arg11[%add3A_197, %broadcast_in_dim3A_310] : memref<256x64xf32, #tpu.memory_space<vmem>>[vector<16xi32>, vector<16xi32>], vector<16xf32>,
        %gather3A_312 = tpu.vector_load_idx %arg12[%add3A_197, %broadcast_in_dim3A_310] : memref<256x64xf32, #tpu.memory_space<vmem>>[vector<16xi32>, vector<16xi32>], vector<16xf32>,
        %mul3A_313 = arith.mulf %gather3A_311, %gather3A_312 : vector<16xf32>
        %add3A_314 = arith.addf %add3A_308, %mul3A_313 : vector<16xf32>
        %broadcast_in_dim3A_315 = arith.constant 19 : i32
        %broadcast_in_dim3A_316 = vector.broadcast %broadcast_in_dim3A_315 : i32 to vector<16xi32>
        %gather3A_317 = tpu.vector_load_idx %arg11[%add3A_197, %broadcast_in_dim3A_316] : memref<256x64xf32, #tpu.memory_space<vmem>>[vector<16xi32>, vector<16xi32>], vector<16xf32>,
        %gather3A_318 = tpu.vector_load_idx %arg12[%add3A_197, %broadcast_in_dim3A_316] : memref<256x64xf32, #tpu.memory_space<vmem>>[vector<16xi32>, vector<16xi32>], vector<16xf32>,
        %mul3A_319 = arith.mulf %gather3A_317, %gather3A_318 : vector<16xf32>
        %add3A_320 = arith.addf %add3A_314, %mul3A_319 : vector<16xf32>
        %broadcast_in_dim3A_321 = arith.constant 20 : i32
        %broadcast_in_dim3A_322 = vector.broadcast %broadcast_in_dim3A_321 : i32 to vector<16xi32>
        %gather3A_323 = tpu.vector_load_idx %arg11[%add3A_197, %broadcast_in_dim3A_322] : memref<256x64xf32, #tpu.memory_space<vmem>>[vector<16xi32>, vector<16xi32>], vector<16xf32>,
        %gather3A_324 = tpu.vector_load_idx %arg12[%add3A_197, %broadcast_in_dim3A_322] : memref<256x64xf32, #tpu.memory_space<vmem>>[vector<16xi32>, vector<16xi32>], vector<16xf32>,
        %mul3A_325 = arith.mulf %gather3A_323, %gather3A_324 : vector<16xf32>
        %add3A_326 = arith.addf %add3A_320, %mul3A_325 : vector<16xf32>
        %broadcast_in_dim3A_327 = arith.constant 21 : i32
        %broadcast_in_dim3A_328 = vector.broadcast %broadcast_in_dim3A_327 : i32 to vector<16xi32>
        %gather3A_329 = tpu.vector_load_idx %arg11[%add3A_197, %broadcast_in_dim3A_328] : memref<256x64xf32, #tpu.memory_space<vmem>>[vector<16xi32>, vector<16xi32>], vector<16xf32>,
        %gather3A_330 = tpu.vector_load_idx %arg12[%add3A_197, %broadcast_in_dim3A_328] : memref<256x64xf32, #tpu.memory_space<vmem>>[vector<16xi32>, vector<16xi32>], vector<16xf32>,
        %mul3A_331 = arith.mulf %gather3A_329, %gather3A_330 : vector<16xf32>
        %add3A_332 = arith.addf %add3A_326, %mul3A_331 : vector<16xf32>
        %broadcast_in_dim3A_333 = arith.constant 22 : i32
        %broadcast_in_dim3A_334 = vector.broadcast %broadcast_in_dim3A_333 : i32 to vector<16xi32>
        %gather3A_335 = tpu.vector_load_idx %arg11[%add3A_197, %broadcast_in_dim3A_334] : memref<256x64xf32, #tpu.memory_space<vmem>>[vector<16xi32>, vector<16xi32>], vector<16xf32>,
        %gather3A_336 = tpu.vector_load_idx %arg12[%add3A_197, %broadcast_in_dim3A_334] : memref<256x64xf32, #tpu.memory_space<vmem>>[vector<16xi32>, vector<16xi32>], vector<16xf32>,
        %mul3A_337 = arith.mulf %gather3A_335, %gather3A_336 : vector<16xf32>
        %add3A_338 = arith.addf %add3A_332, %mul3A_337 : vector<16xf32>
        %broadcast_in_dim3A_339 = arith.constant 23 : i32
        %broadcast_in_dim3A_340 = vector.broadcast %broadcast_in_dim3A_339 : i32 to vector<16xi32>
        %gather3A_341 = tpu.vector_load_idx %arg11[%add3A_197, %broadcast_in_dim3A_340] : memref<256x64xf32, #tpu.memory_space<vmem>>[vector<16xi32>, vector<16xi32>], vector<16xf32>,
        %gather3A_342 = tpu.vector_load_idx %arg12[%add3A_197, %broadcast_in_dim3A_340] : memref<256x64xf32, #tpu.memory_space<vmem>>[vector<16xi32>, vector<16xi32>], vector<16xf32>,
        %mul3A_343 = arith.mulf %gather3A_341, %gather3A_342 : vector<16xf32>
        %add3A_344 = arith.addf %add3A_338, %mul3A_343 : vector<16xf32>
        %broadcast_in_dim3A_345 = arith.constant 24 : i32
        %broadcast_in_dim3A_346 = vector.broadcast %broadcast_in_dim3A_345 : i32 to vector<16xi32>
        %gather3A_347 = tpu.vector_load_idx %arg11[%add3A_197, %broadcast_in_dim3A_346] : memref<256x64xf32, #tpu.memory_space<vmem>>[vector<16xi32>, vector<16xi32>], vector<16xf32>,
        %gather3A_348 = tpu.vector_load_idx %arg12[%add3A_197, %broadcast_in_dim3A_346] : memref<256x64xf32, #tpu.memory_space<vmem>>[vector<16xi32>, vector<16xi32>], vector<16xf32>,
        %mul3A_349 = arith.mulf %gather3A_347, %gather3A_348 : vector<16xf32>
        %add3A_350 = arith.addf %add3A_344, %mul3A_349 : vector<16xf32>
        %broadcast_in_dim3A_351 = arith.constant 25 : i32
        %broadcast_in_dim3A_352 = vector.broadcast %broadcast_in_dim3A_351 : i32 to vector<16xi32>
        %gather3A_353 = tpu.vector_load_idx %arg11[%add3A_197, %broadcast_in_dim3A_352] : memref<256x64xf32, #tpu.memory_space<vmem>>[vector<16xi32>, vector<16xi32>], vector<16xf32>,
        %gather3A_354 = tpu.vector_load_idx %arg12[%add3A_197, %broadcast_in_dim3A_352] : memref<256x64xf32, #tpu.memory_space<vmem>>[vector<16xi32>, vector<16xi32>], vector<16xf32>,
        %mul3A_355 = arith.mulf %gather3A_353, %gather3A_354 : vector<16xf32>
        %add3A_356 = arith.addf %add3A_350, %mul3A_355 : vector<16xf32>
        %broadcast_in_dim3A_357 = arith.constant 26 : i32
        %broadcast_in_dim3A_358 = vector.broadcast %broadcast_in_dim3A_357 : i32 to vector<16xi32>
        %gather3A_359 = tpu.vector_load_idx %arg11[%add3A_197, %broadcast_in_dim3A_358] : memref<256x64xf32, #tpu.memory_space<vmem>>[vector<16xi32>, vector<16xi32>], vector<16xf32>,
        %gather3A_360 = tpu.vector_load_idx %arg12[%add3A_197, %broadcast_in_dim3A_358] : memref<256x64xf32, #tpu.memory_space<vmem>>[vector<16xi32>, vector<16xi32>], vector<16xf32>,
        %mul3A_361 = arith.mulf %gather3A_359, %gather3A_360 : vector<16xf32>
        %add3A_362 = arith.addf %add3A_356, %mul3A_361 : vector<16xf32>
        %broadcast_in_dim3A_363 = arith.constant 27 : i32
        %broadcast_in_dim3A_364 = vector.broadcast %broadcast_in_dim3A_363 : i32 to vector<16xi32>
        %gather3A_365 = tpu.vector_load_idx %arg11[%add3A_197, %broadcast_in_dim3A_364] : memref<256x64xf32, #tpu.memory_space<vmem>>[vector<16xi32>, vector<16xi32>], vector<16xf32>,
        %gather3A_366 = tpu.vector_load_idx %arg12[%add3A_197, %broadcast_in_dim3A_364] : memref<256x64xf32, #tpu.memory_space<vmem>>[vector<16xi32>, vector<16xi32>], vector<16xf32>,
        %mul3A_367 = arith.mulf %gather3A_365, %gather3A_366 : vector<16xf32>
        %add3A_368 = arith.addf %add3A_362, %mul3A_367 : vector<16xf32>
        %broadcast_in_dim3A_369 = arith.constant 28 : i32
        %broadcast_in_dim3A_370 = vector.broadcast %broadcast_in_dim3A_369 : i32 to vector<16xi32>
        %gather3A_371 = tpu.vector_load_idx %arg11[%add3A_197, %broadcast_in_dim3A_370] : memref<256x64xf32, #tpu.memory_space<vmem>>[vector<16xi32>, vector<16xi32>], vector<16xf32>,
        %gather3A_372 = tpu.vector_load_idx %arg12[%add3A_197, %broadcast_in_dim3A_370] : memref<256x64xf32, #tpu.memory_space<vmem>>[vector<16xi32>, vector<16xi32>], vector<16xf32>,
        %mul3A_373 = arith.mulf %gather3A_371, %gather3A_372 : vector<16xf32>
        %add3A_374 = arith.addf %add3A_368, %mul3A_373 : vector<16xf32>
        %broadcast_in_dim3A_375 = arith.constant 29 : i32
        %broadcast_in_dim3A_376 = vector.broadcast %broadcast_in_dim3A_375 : i32 to vector<16xi32>
        %gather3A_377 = tpu.vector_load_idx %arg11[%add3A_197, %broadcast_in_dim3A_376] : memref<256x64xf32, #tpu.memory_space<vmem>>[vector<16xi32>, vector<16xi32>], vector<16xf32>,
        %gather3A_378 = tpu.vector_load_idx %arg12[%add3A_197, %broadcast_in_dim3A_376] : memref<256x64xf32, #tpu.memory_space<vmem>>[vector<16xi32>, vector<16xi32>], vector<16xf32>,
        %mul3A_379 = arith.mulf %gather3A_377, %gather3A_378 : vector<16xf32>
        %add3A_380 = arith.addf %add3A_374, %mul3A_379 : vector<16xf32>
        %broadcast_in_dim3A_381 = arith.constant 30 : i32
        %broadcast_in_dim3A_382 = vector.broadcast %broadcast_in_dim3A_381 : i32 to vector<16xi32>
        %gather3A_383 = tpu.vector_load_idx %arg11[%add3A_197, %broadcast_in_dim3A_382] : memref<256x64xf32, #tpu.memory_space<vmem>>[vector<16xi32>, vector<16xi32>], vector<16xf32>,
        %gather3A_384 = tpu.vector_load_idx %arg12[%add3A_197, %broadcast_in_dim3A_382] : memref<256x64xf32, #tpu.memory_space<vmem>>[vector<16xi32>, vector<16xi32>], vector<16xf32>,
        %mul3A_385 = arith.mulf %gather3A_383, %gather3A_384 : vector<16xf32>
        %add3A_386 = arith.addf %add3A_380, %mul3A_385 : vector<16xf32>
        %broadcast_in_dim3A_387 = arith.constant 31 : i32
        %broadcast_in_dim3A_388 = vector.broadcast %broadcast_in_dim3A_387 : i32 to vector<16xi32>
        %gather3A_389 = tpu.vector_load_idx %arg11[%add3A_197, %broadcast_in_dim3A_388] : memref<256x64xf32, #tpu.memory_space<vmem>>[vector<16xi32>, vector<16xi32>], vector<16xf32>,
        %gather3A_390 = tpu.vector_load_idx %arg12[%add3A_197, %broadcast_in_dim3A_388] : memref<256x64xf32, #tpu.memory_space<vmem>>[vector<16xi32>, vector<16xi32>], vector<16xf32>,
        %mul3A_391 = arith.mulf %gather3A_389, %gather3A_390 : vector<16xf32>
        %add3A_392 = arith.addf %add3A_386, %mul3A_391 : vector<16xf32>
        %broadcast_in_dim3A_393 = arith.constant 32 : i32
        %broadcast_in_dim3A_394 = vector.broadcast %broadcast_in_dim3A_393 : i32 to vector<16xi32>
        %gather3A_395 = tpu.vector_load_idx %arg11[%add3A_197, %broadcast_in_dim3A_394] : memref<256x64xf32, #tpu.memory_space<vmem>>[vector<16xi32>, vector<16xi32>], vector<16xf32>,
        %gather3A_396 = tpu.vector_load_idx %arg12[%add3A_197, %broadcast_in_dim3A_394] : memref<256x64xf32, #tpu.memory_space<vmem>>[vector<16xi32>, vector<16xi32>], vector<16xf32>,
        %mul3A_397 = arith.mulf %gather3A_395, %gather3A_396 : vector<16xf32>
        %add3A_398 = arith.addf %add3A_392, %mul3A_397 : vector<16xf32>
        %broadcast_in_dim3A_399 = arith.constant 33 : i32
        %broadcast_in_dim3A_400 = vector.broadcast %broadcast_in_dim3A_399 : i32 to vector<16xi32>
        %gather3A_401 = tpu.vector_load_idx %arg11[%add3A_197, %broadcast_in_dim3A_400] : memref<256x64xf32, #tpu.memory_space<vmem>>[vector<16xi32>, vector<16xi32>], vector<16xf32>,
        %gather3A_402 = tpu.vector_load_idx %arg12[%add3A_197, %broadcast_in_dim3A_400] : memref<256x64xf32, #tpu.memory_space<vmem>>[vector<16xi32>, vector<16xi32>], vector<16xf32>,
        %mul3A_403 = arith.mulf %gather3A_401, %gather3A_402 : vector<16xf32>
        %add3A_404 = arith.addf %add3A_398, %mul3A_403 : vector<16xf32>
        %broadcast_in_dim3A_405 = arith.constant 34 : i32
        %broadcast_in_dim3A_406 = vector.broadcast %broadcast_in_dim3A_405 : i32 to vector<16xi32>
        %gather3A_407 = tpu.vector_load_idx %arg11[%add3A_197, %broadcast_in_dim3A_406] : memref<256x64xf32, #tpu.memory_space<vmem>>[vector<16xi32>, vector<16xi32>], vector<16xf32>,
        %gather3A_408 = tpu.vector_load_idx %arg12[%add3A_197, %broadcast_in_dim3A_406] : memref<256x64xf32, #tpu.memory_space<vmem>>[vector<16xi32>, vector<16xi32>], vector<16xf32>,
        %mul3A_409 = arith.mulf %gather3A_407, %gather3A_408 : vector<16xf32>
        %add3A_410 = arith.addf %add3A_404, %mul3A_409 : vector<16xf32>
        %broadcast_in_dim3A_411 = arith.constant 35 : i32
        %broadcast_in_dim3A_412 = vector.broadcast %broadcast_in_dim3A_411 : i32 to vector<16xi32>
        %gather3A_413 = tpu.vector_load_idx %arg11[%add3A_197, %broadcast_in_dim3A_412] : memref<256x64xf32, #tpu.memory_space<vmem>>[vector<16xi32>, vector<16xi32>], vector<16xf32>,
        %gather3A_414 = tpu.vector_load_idx %arg12[%add3A_197, %broadcast_in_dim3A_412] : memref<256x64xf32, #tpu.memory_space<vmem>>[vector<16xi32>, vector<16xi32>], vector<16xf32>,
        %mul3A_415 = arith.mulf %gather3A_413, %gather3A_414 : vector<16xf32>
        %add3A_416 = arith.addf %add3A_410, %mul3A_415 : vector<16xf32>
        %broadcast_in_dim3A_417 = arith.constant 36 : i32
        %broadcast_in_dim3A_418 = vector.broadcast %broadcast_in_dim3A_417 : i32 to vector<16xi32>
        %gather3A_419 = tpu.vector_load_idx %arg11[%add3A_197, %broadcast_in_dim3A_418] : memref<256x64xf32, #tpu.memory_space<vmem>>[vector<16xi32>, vector<16xi32>], vector<16xf32>,
        %gather3A_420 = tpu.vector_load_idx %arg12[%add3A_197, %broadcast_in_dim3A_418] : memref<256x64xf32, #tpu.memory_space<vmem>>[vector<16xi32>, vector<16xi32>], vector<16xf32>,
        %mul3A_421 = arith.mulf %gather3A_419, %gather3A_420 : vector<16xf32>
        %add3A_422 = arith.addf %add3A_416, %mul3A_421 : vector<16xf32>
        %broadcast_in_dim3A_423 = arith.constant 37 : i32
        %broadcast_in_dim3A_424 = vector.broadcast %broadcast_in_dim3A_423 : i32 to vector<16xi32>
        %gather3A_425 = tpu.vector_load_idx %arg11[%add3A_197, %broadcast_in_dim3A_424] : memref<256x64xf32, #tpu.memory_space<vmem>>[vector<16xi32>, vector<16xi32>], vector<16xf32>,
        %gather3A_426 = tpu.vector_load_idx %arg12[%add3A_197, %broadcast_in_dim3A_424] : memref<256x64xf32, #tpu.memory_space<vmem>>[vector<16xi32>, vector<16xi32>], vector<16xf32>,
        %mul3A_427 = arith.mulf %gather3A_425, %gather3A_426 : vector<16xf32>
        %add3A_428 = arith.addf %add3A_422, %mul3A_427 : vector<16xf32>
        %broadcast_in_dim3A_429 = arith.constant 38 : i32
        %broadcast_in_dim3A_430 = vector.broadcast %broadcast_in_dim3A_429 : i32 to vector<16xi32>
        %gather3A_431 = tpu.vector_load_idx %arg11[%add3A_197, %broadcast_in_dim3A_430] : memref<256x64xf32, #tpu.memory_space<vmem>>[vector<16xi32>, vector<16xi32>], vector<16xf32>,
        %gather3A_432 = tpu.vector_load_idx %arg12[%add3A_197, %broadcast_in_dim3A_430] : memref<256x64xf32, #tpu.memory_space<vmem>>[vector<16xi32>, vector<16xi32>], vector<16xf32>,
        %mul3A_433 = arith.mulf %gather3A_431, %gather3A_432 : vector<16xf32>
        %add3A_434 = arith.addf %add3A_428, %mul3A_433 : vector<16xf32>
        %broadcast_in_dim3A_435 = arith.constant 39 : i32
        %broadcast_in_dim3A_436 = vector.broadcast %broadcast_in_dim3A_435 : i32 to vector<16xi32>
        %gather3A_437 = tpu.vector_load_idx %arg11[%add3A_197, %broadcast_in_dim3A_436] : memref<256x64xf32, #tpu.memory_space<vmem>>[vector<16xi32>, vector<16xi32>], vector<16xf32>,
        %gather3A_438 = tpu.vector_load_idx %arg12[%add3A_197, %broadcast_in_dim3A_436] : memref<256x64xf32, #tpu.memory_space<vmem>>[vector<16xi32>, vector<16xi32>], vector<16xf32>,
        %mul3A_439 = arith.mulf %gather3A_437, %gather3A_438 : vector<16xf32>
        %add3A_440 = arith.addf %add3A_434, %mul3A_439 : vector<16xf32>
        %broadcast_in_dim3A_441 = arith.constant 40 : i32
        %broadcast_in_dim3A_442 = vector.broadcast %broadcast_in_dim3A_441 : i32 to vector<16xi32>
        %gather3A_443 = tpu.vector_load_idx %arg11[%add3A_197, %broadcast_in_dim3A_442] : memref<256x64xf32, #tpu.memory_space<vmem>>[vector<16xi32>, vector<16xi32>], vector<16xf32>,
        %gather3A_444 = tpu.vector_load_idx %arg12[%add3A_197, %broadcast_in_dim3A_442] : memref<256x64xf32, #tpu.memory_space<vmem>>[vector<16xi32>, vector<16xi32>], vector<16xf32>,
        %mul3A_445 = arith.mulf %gather3A_443, %gather3A_444 : vector<16xf32>
        %add3A_446 = arith.addf %add3A_440, %mul3A_445 : vector<16xf32>
        %broadcast_in_dim3A_447 = arith.constant 41 : i32
        %broadcast_in_dim3A_448 = vector.broadcast %broadcast_in_dim3A_447 : i32 to vector<16xi32>
        %gather3A_449 = tpu.vector_load_idx %arg11[%add3A_197, %broadcast_in_dim3A_448] : memref<256x64xf32, #tpu.memory_space<vmem>>[vector<16xi32>, vector<16xi32>], vector<16xf32>,
        %gather3A_450 = tpu.vector_load_idx %arg12[%add3A_197, %broadcast_in_dim3A_448] : memref<256x64xf32, #tpu.memory_space<vmem>>[vector<16xi32>, vector<16xi32>], vector<16xf32>,
        %mul3A_451 = arith.mulf %gather3A_449, %gather3A_450 : vector<16xf32>
        %add3A_452 = arith.addf %add3A_446, %mul3A_451 : vector<16xf32>
        %broadcast_in_dim3A_453 = arith.constant 42 : i32
        %broadcast_in_dim3A_454 = vector.broadcast %broadcast_in_dim3A_453 : i32 to vector<16xi32>
        %gather3A_455 = tpu.vector_load_idx %arg11[%add3A_197, %broadcast_in_dim3A_454] : memref<256x64xf32, #tpu.memory_space<vmem>>[vector<16xi32>, vector<16xi32>], vector<16xf32>,
        %gather3A_456 = tpu.vector_load_idx %arg12[%add3A_197, %broadcast_in_dim3A_454] : memref<256x64xf32, #tpu.memory_space<vmem>>[vector<16xi32>, vector<16xi32>], vector<16xf32>,
        %mul3A_457 = arith.mulf %gather3A_455, %gather3A_456 : vector<16xf32>
        %add3A_458 = arith.addf %add3A_452, %mul3A_457 : vector<16xf32>
        %broadcast_in_dim3A_459 = arith.constant 43 : i32
        %broadcast_in_dim3A_460 = vector.broadcast %broadcast_in_dim3A_459 : i32 to vector<16xi32>
        %gather3A_461 = tpu.vector_load_idx %arg11[%add3A_197, %broadcast_in_dim3A_460] : memref<256x64xf32, #tpu.memory_space<vmem>>[vector<16xi32>, vector<16xi32>], vector<16xf32>,
        %gather3A_462 = tpu.vector_load_idx %arg12[%add3A_197, %broadcast_in_dim3A_460] : memref<256x64xf32, #tpu.memory_space<vmem>>[vector<16xi32>, vector<16xi32>], vector<16xf32>,
        %mul3A_463 = arith.mulf %gather3A_461, %gather3A_462 : vector<16xf32>
        %add3A_464 = arith.addf %add3A_458, %mul3A_463 : vector<16xf32>
        %broadcast_in_dim3A_465 = arith.constant 44 : i32
        %broadcast_in_dim3A_466 = vector.broadcast %broadcast_in_dim3A_465 : i32 to vector<16xi32>
        %gather3A_467 = tpu.vector_load_idx %arg11[%add3A_197, %broadcast_in_dim3A_466] : memref<256x64xf32, #tpu.memory_space<vmem>>[vector<16xi32>, vector<16xi32>], vector<16xf32>,
        %gather3A_468 = tpu.vector_load_idx %arg12[%add3A_197, %broadcast_in_dim3A_466] : memref<256x64xf32, #tpu.memory_space<vmem>>[vector<16xi32>, vector<16xi32>], vector<16xf32>,
        %mul3A_469 = arith.mulf %gather3A_467, %gather3A_468 : vector<16xf32>
        %add3A_470 = arith.addf %add3A_464, %mul3A_469 : vector<16xf32>
        %broadcast_in_dim3A_471 = arith.constant 45 : i32
        %broadcast_in_dim3A_472 = vector.broadcast %broadcast_in_dim3A_471 : i32 to vector<16xi32>
        %gather3A_473 = tpu.vector_load_idx %arg11[%add3A_197, %broadcast_in_dim3A_472] : memref<256x64xf32, #tpu.memory_space<vmem>>[vector<16xi32>, vector<16xi32>], vector<16xf32>,
        %gather3A_474 = tpu.vector_load_idx %arg12[%add3A_197, %broadcast_in_dim3A_472] : memref<256x64xf32, #tpu.memory_space<vmem>>[vector<16xi32>, vector<16xi32>], vector<16xf32>,
        %mul3A_475 = arith.mulf %gather3A_473, %gather3A_474 : vector<16xf32>
        %add3A_476 = arith.addf %add3A_470, %mul3A_475 : vector<16xf32>
        %broadcast_in_dim3A_477 = arith.constant 46 : i32
        %broadcast_in_dim3A_478 = vector.broadcast %broadcast_in_dim3A_477 : i32 to vector<16xi32>
        %gather3A_479 = tpu.vector_load_idx %arg11[%add3A_197, %broadcast_in_dim3A_478] : memref<256x64xf32, #tpu.memory_space<vmem>>[vector<16xi32>, vector<16xi32>], vector<16xf32>,
        %gather3A_480 = tpu.vector_load_idx %arg12[%add3A_197, %broadcast_in_dim3A_478] : memref<256x64xf32, #tpu.memory_space<vmem>>[vector<16xi32>, vector<16xi32>], vector<16xf32>,
        %mul3A_481 = arith.mulf %gather3A_479, %gather3A_480 : vector<16xf32>
        %add3A_482 = arith.addf %add3A_476, %mul3A_481 : vector<16xf32>
        %broadcast_in_dim3A_483 = arith.constant 47 : i32
        %broadcast_in_dim3A_484 = vector.broadcast %broadcast_in_dim3A_483 : i32 to vector<16xi32>
        %gather3A_485 = tpu.vector_load_idx %arg11[%add3A_197, %broadcast_in_dim3A_484] : memref<256x64xf32, #tpu.memory_space<vmem>>[vector<16xi32>, vector<16xi32>], vector<16xf32>,
        %gather3A_486 = tpu.vector_load_idx %arg12[%add3A_197, %broadcast_in_dim3A_484] : memref<256x64xf32, #tpu.memory_space<vmem>>[vector<16xi32>, vector<16xi32>], vector<16xf32>,
        %mul3A_487 = arith.mulf %gather3A_485, %gather3A_486 : vector<16xf32>
        %add3A_488 = arith.addf %add3A_482, %mul3A_487 : vector<16xf32>
        %broadcast_in_dim3A_489 = arith.constant 48 : i32
        %broadcast_in_dim3A_490 = vector.broadcast %broadcast_in_dim3A_489 : i32 to vector<16xi32>
        %gather3A_491 = tpu.vector_load_idx %arg11[%add3A_197, %broadcast_in_dim3A_490] : memref<256x64xf32, #tpu.memory_space<vmem>>[vector<16xi32>, vector<16xi32>], vector<16xf32>,
        %gather3A_492 = tpu.vector_load_idx %arg12[%add3A_197, %broadcast_in_dim3A_490] : memref<256x64xf32, #tpu.memory_space<vmem>>[vector<16xi32>, vector<16xi32>], vector<16xf32>,
        %mul3A_493 = arith.mulf %gather3A_491, %gather3A_492 : vector<16xf32>
        %add3A_494 = arith.addf %add3A_488, %mul3A_493 : vector<16xf32>
        %broadcast_in_dim3A_495 = arith.constant 49 : i32
        %broadcast_in_dim3A_496 = vector.broadcast %broadcast_in_dim3A_495 : i32 to vector<16xi32>
        %gather3A_497 = tpu.vector_load_idx %arg11[%add3A_197, %broadcast_in_dim3A_496] : memref<256x64xf32, #tpu.memory_space<vmem>>[vector<16xi32>, vector<16xi32>], vector<16xf32>,
        %gather3A_498 = tpu.vector_load_idx %arg12[%add3A_197, %broadcast_in_dim3A_496] : memref<256x64xf32, #tpu.memory_space<vmem>>[vector<16xi32>, vector<16xi32>], vector<16xf32>,
        %mul3A_499 = arith.mulf %gather3A_497, %gather3A_498 : vector<16xf32>
        %add3A_500 = arith.addf %add3A_494, %mul3A_499 : vector<16xf32>
        %broadcast_in_dim3A_501 = arith.constant 50 : i32
        %broadcast_in_dim3A_502 = vector.broadcast %broadcast_in_dim3A_501 : i32 to vector<16xi32>
        %gather3A_503 = tpu.vector_load_idx %arg11[%add3A_197, %broadcast_in_dim3A_502] : memref<256x64xf32, #tpu.memory_space<vmem>>[vector<16xi32>, vector<16xi32>], vector<16xf32>,
        %gather3A_504 = tpu.vector_load_idx %arg12[%add3A_197, %broadcast_in_dim3A_502] : memref<256x64xf32, #tpu.memory_space<vmem>>[vector<16xi32>, vector<16xi32>], vector<16xf32>,
        %mul3A_505 = arith.mulf %gather3A_503, %gather3A_504 : vector<16xf32>
        %add3A_506 = arith.addf %add3A_500, %mul3A_505 : vector<16xf32>
        %broadcast_in_dim3A_507 = arith.constant 51 : i32
        %broadcast_in_dim3A_508 = vector.broadcast %broadcast_in_dim3A_507 : i32 to vector<16xi32>
        %gather3A_509 = tpu.vector_load_idx %arg11[%add3A_197, %broadcast_in_dim3A_508] : memref<256x64xf32, #tpu.memory_space<vmem>>[vector<16xi32>, vector<16xi32>], vector<16xf32>,
        %gather3A_510 = tpu.vector_load_idx %arg12[%add3A_197, %broadcast_in_dim3A_508] : memref<256x64xf32, #tpu.memory_space<vmem>>[vector<16xi32>, vector<16xi32>], vector<16xf32>,
        %mul3A_511 = arith.mulf %gather3A_509, %gather3A_510 : vector<16xf32>
        %add3A_512 = arith.addf %add3A_506, %mul3A_511 : vector<16xf32>
        %broadcast_in_dim3A_513 = arith.constant 52 : i32
        %broadcast_in_dim3A_514 = vector.broadcast %broadcast_in_dim3A_513 : i32 to vector<16xi32>
        %gather3A_515 = tpu.vector_load_idx %arg11[%add3A_197, %broadcast_in_dim3A_514] : memref<256x64xf32, #tpu.memory_space<vmem>>[vector<16xi32>, vector<16xi32>], vector<16xf32>,
        %gather3A_516 = tpu.vector_load_idx %arg12[%add3A_197, %broadcast_in_dim3A_514] : memref<256x64xf32, #tpu.memory_space<vmem>>[vector<16xi32>, vector<16xi32>], vector<16xf32>,
        %mul3A_517 = arith.mulf %gather3A_515, %gather3A_516 : vector<16xf32>
        %add3A_518 = arith.addf %add3A_512, %mul3A_517 : vector<16xf32>
        %broadcast_in_dim3A_519 = arith.constant 53 : i32
        %broadcast_in_dim3A_520 = vector.broadcast %broadcast_in_dim3A_519 : i32 to vector<16xi32>
        %gather3A_521 = tpu.vector_load_idx %arg11[%add3A_197, %broadcast_in_dim3A_520] : memref<256x64xf32, #tpu.memory_space<vmem>>[vector<16xi32>, vector<16xi32>], vector<16xf32>,
        %gather3A_522 = tpu.vector_load_idx %arg12[%add3A_197, %broadcast_in_dim3A_520] : memref<256x64xf32, #tpu.memory_space<vmem>>[vector<16xi32>, vector<16xi32>], vector<16xf32>,
        %mul3A_523 = arith.mulf %gather3A_521, %gather3A_522 : vector<16xf32>
        %add3A_524 = arith.addf %add3A_518, %mul3A_523 : vector<16xf32>
        %broadcast_in_dim3A_525 = arith.constant 54 : i32
        %broadcast_in_dim3A_526 = vector.broadcast %broadcast_in_dim3A_525 : i32 to vector<16xi32>
        %gather3A_527 = tpu.vector_load_idx %arg11[%add3A_197, %broadcast_in_dim3A_526] : memref<256x64xf32, #tpu.memory_space<vmem>>[vector<16xi32>, vector<16xi32>], vector<16xf32>,
        %gather3A_528 = tpu.vector_load_idx %arg12[%add3A_197, %broadcast_in_dim3A_526] : memref<256x64xf32, #tpu.memory_space<vmem>>[vector<16xi32>, vector<16xi32>], vector<16xf32>,
        %mul3A_529 = arith.mulf %gather3A_527, %gather3A_528 : vector<16xf32>
        %add3A_530 = arith.addf %add3A_524, %mul3A_529 : vector<16xf32>
        %broadcast_in_dim3A_531 = arith.constant 55 : i32
        %broadcast_in_dim3A_532 = vector.broadcast %broadcast_in_dim3A_531 : i32 to vector<16xi32>
        %gather3A_533 = tpu.vector_load_idx %arg11[%add3A_197, %broadcast_in_dim3A_532] : memref<256x64xf32, #tpu.memory_space<vmem>>[vector<16xi32>, vector<16xi32>], vector<16xf32>,
        %gather3A_534 = tpu.vector_load_idx %arg12[%add3A_197, %broadcast_in_dim3A_532] : memref<256x64xf32, #tpu.memory_space<vmem>>[vector<16xi32>, vector<16xi32>], vector<16xf32>,
        %mul3A_535 = arith.mulf %gather3A_533, %gather3A_534 : vector<16xf32>
        %add3A_536 = arith.addf %add3A_530, %mul3A_535 : vector<16xf32>
        %broadcast_in_dim3A_537 = arith.constant 56 : i32
        %broadcast_in_dim3A_538 = vector.broadcast %broadcast_in_dim3A_537 : i32 to vector<16xi32>
        %gather3A_539 = tpu.vector_load_idx %arg11[%add3A_197, %broadcast_in_dim3A_538] : memref<256x64xf32, #tpu.memory_space<vmem>>[vector<16xi32>, vector<16xi32>], vector<16xf32>,
        %gather3A_540 = tpu.vector_load_idx %arg12[%add3A_197, %broadcast_in_dim3A_538] : memref<256x64xf32, #tpu.memory_space<vmem>>[vector<16xi32>, vector<16xi32>], vector<16xf32>,
        %mul3A_541 = arith.mulf %gather3A_539, %gather3A_540 : vector<16xf32>
        %add3A_542 = arith.addf %add3A_536, %mul3A_541 : vector<16xf32>
        %broadcast_in_dim3A_543 = arith.constant 57 : i32
        %broadcast_in_dim3A_544 = vector.broadcast %broadcast_in_dim3A_543 : i32 to vector<16xi32>
        %gather3A_545 = tpu.vector_load_idx %arg11[%add3A_197, %broadcast_in_dim3A_544] : memref<256x64xf32, #tpu.memory_space<vmem>>[vector<16xi32>, vector<16xi32>], vector<16xf32>,
        %gather3A_546 = tpu.vector_load_idx %arg12[%add3A_197, %broadcast_in_dim3A_544] : memref<256x64xf32, #tpu.memory_space<vmem>>[vector<16xi32>, vector<16xi32>], vector<16xf32>,
        %mul3A_547 = arith.mulf %gather3A_545, %gather3A_546 : vector<16xf32>
        %add3A_548 = arith.addf %add3A_542, %mul3A_547 : vector<16xf32>
        %broadcast_in_dim3A_549 = arith.constant 58 : i32
        %broadcast_in_dim3A_550 = vector.broadcast %broadcast_in_dim3A_549 : i32 to vector<16xi32>
        %gather3A_551 = tpu.vector_load_idx %arg11[%add3A_197, %broadcast_in_dim3A_550] : memref<256x64xf32, #tpu.memory_space<vmem>>[vector<16xi32>, vector<16xi32>], vector<16xf32>,
        %gather3A_552 = tpu.vector_load_idx %arg12[%add3A_197, %broadcast_in_dim3A_550] : memref<256x64xf32, #tpu.memory_space<vmem>>[vector<16xi32>, vector<16xi32>], vector<16xf32>,
        %mul3A_553 = arith.mulf %gather3A_551, %gather3A_552 : vector<16xf32>
        %add3A_554 = arith.addf %add3A_548, %mul3A_553 : vector<16xf32>
        %broadcast_in_dim3A_555 = arith.constant 59 : i32
        %broadcast_in_dim3A_556 = vector.broadcast %broadcast_in_dim3A_555 : i32 to vector<16xi32>
        %gather3A_557 = tpu.vector_load_idx %arg11[%add3A_197, %broadcast_in_dim3A_556] : memref<256x64xf32, #tpu.memory_space<vmem>>[vector<16xi32>, vector<16xi32>], vector<16xf32>,
        %gather3A_558 = tpu.vector_load_idx %arg12[%add3A_197, %broadcast_in_dim3A_556] : memref<256x64xf32, #tpu.memory_space<vmem>>[vector<16xi32>, vector<16xi32>], vector<16xf32>,
        %mul3A_559 = arith.mulf %gather3A_557, %gather3A_558 : vector<16xf32>
        %add3A_560 = arith.addf %add3A_554, %mul3A_559 : vector<16xf32>
        %broadcast_in_dim3A_561 = arith.constant 60 : i32
        %broadcast_in_dim3A_562 = vector.broadcast %broadcast_in_dim3A_561 : i32 to vector<16xi32>
        %gather3A_563 = tpu.vector_load_idx %arg11[%add3A_197, %broadcast_in_dim3A_562] : memref<256x64xf32, #tpu.memory_space<vmem>>[vector<16xi32>, vector<16xi32>], vector<16xf32>,
        %gather3A_564 = tpu.vector_load_idx %arg12[%add3A_197, %broadcast_in_dim3A_562] : memref<256x64xf32, #tpu.memory_space<vmem>>[vector<16xi32>, vector<16xi32>], vector<16xf32>,
        %mul3A_565 = arith.mulf %gather3A_563, %gather3A_564 : vector<16xf32>
        %add3A_566 = arith.addf %add3A_560, %mul3A_565 : vector<16xf32>
        %broadcast_in_dim3A_567 = arith.constant 61 : i32
        %broadcast_in_dim3A_568 = vector.broadcast %broadcast_in_dim3A_567 : i32 to vector<16xi32>
        %gather3A_569 = tpu.vector_load_idx %arg11[%add3A_197, %broadcast_in_dim3A_568] : memref<256x64xf32, #tpu.memory_space<vmem>>[vector<16xi32>, vector<16xi32>], vector<16xf32>,
        %gather3A_570 = tpu.vector_load_idx %arg12[%add3A_197, %broadcast_in_dim3A_568] : memref<256x64xf32, #tpu.memory_space<vmem>>[vector<16xi32>, vector<16xi32>], vector<16xf32>,
        %mul3A_571 = arith.mulf %gather3A_569, %gather3A_570 : vector<16xf32>
        %add3A_572 = arith.addf %add3A_566, %mul3A_571 : vector<16xf32>
        %broadcast_in_dim3A_573 = arith.constant 62 : i32
        %broadcast_in_dim3A_574 = vector.broadcast %broadcast_in_dim3A_573 : i32 to vector<16xi32>
        %gather3A_575 = tpu.vector_load_idx %arg11[%add3A_197, %broadcast_in_dim3A_574] : memref<256x64xf32, #tpu.memory_space<vmem>>[vector<16xi32>, vector<16xi32>], vector<16xf32>,
        %gather3A_576 = tpu.vector_load_idx %arg12[%add3A_197, %broadcast_in_dim3A_574] : memref<256x64xf32, #tpu.memory_space<vmem>>[vector<16xi32>, vector<16xi32>], vector<16xf32>,
        %mul3A_577 = arith.mulf %gather3A_575, %gather3A_576 : vector<16xf32>
        %add3A_578 = arith.addf %add3A_572, %mul3A_577 : vector<16xf32>
        %broadcast_in_dim3A_579 = arith.constant 63 : i32
        %broadcast_in_dim3A_580 = vector.broadcast %broadcast_in_dim3A_579 : i32 to vector<16xi32>
        %gather3A_581 = tpu.vector_load_idx %arg11[%add3A_197, %broadcast_in_dim3A_580] : memref<256x64xf32, #tpu.memory_space<vmem>>[vector<16xi32>, vector<16xi32>], vector<16xf32>,
        %gather3A_582 = tpu.vector_load_idx %arg12[%add3A_197, %broadcast_in_dim3A_580] : memref<256x64xf32, #tpu.memory_space<vmem>>[vector<16xi32>, vector<16xi32>], vector<16xf32>,
        %mul3A_583 = arith.mulf %gather3A_581, %gather3A_582 : vector<16xf32>
        %add3A_584 = arith.addf %add3A_578, %mul3A_583 : vector<16xf32>
        %swap3A = arith.index_cast %add3A_198 : i32 to index
        %swap3A_585 = tpu.vector_load %arg15[%swap3A] {strides = array<i32>} : memref<512xf32, #tpu.memory_space<vmem>>, vector<16xf32>,
        tpu.vector_store %arg15[%swap3A], %add3A_584 {strides = array<i32>} : memref<512xf32, #tpu.memory_space<vmem>>, vector<16xf32>,
      }
      %scan3A_192 = arith.constant 16 : i32
    }
    %scan3A_165 = arith.constant 2 : i32
    "tpu.region"() ({
      %run_scoped3A = tpu.sem_alloc : memref<!tpu.dma_semaphore, #tpu.memory_space<semaphore_mem>>
      %dma_start3A_166 = tpu.memref_slice %arg8[%mul3A_2] : memref<16384xf32, #tpu.memory_space<hbm>> -> memref<512xf32, #tpu.memory_space<hbm>>
      %dma_start3A_167 = tpu.memref_slice %arg8[%mul3A_2] : memref<16384xf32, #tpu.memory_space<hbm>> -> memref<512xf32, #tpu.memory_space<hbm>>
      tpu.enqueue_dma source(%arg15 : memref<512xf32, #tpu.memory_space<vmem>>) target(%dma_start3A_167 : memref<512xf32, #tpu.memory_space<hbm>>) target_semaphore(%run_scoped3A : memref<!tpu.dma_semaphore, #tpu.memory_space<semaphore_mem>>)
      %dma_wait3A_168 = tpu.memref_slice %arg8[%mul3A_2] : memref<16384xf32, #tpu.memory_space<hbm>> -> memref<512xf32, #tpu.memory_space<hbm>>
      %dma_wait3A_169 = tpu.memref_slice %arg8[%mul3A_2] : memref<16384xf32, #tpu.memory_space<hbm>> -> memref<512xf32, #tpu.memory_space<hbm>>
      tpu.wait_dma2 semaphore(%run_scoped3A : memref<!tpu.dma_semaphore, #tpu.memory_space<semaphore_mem>>) src(%arg15 : memref<512xf32, #tpu.memory_space<vmem>>) dst(%dma_wait3A_169 : memref<512xf32, #tpu.memory_space<hbm>>)
      tpu.yield
    }) : () -> ()
    return
  }
}

</mosaic_0001>

<sc_bundles>
// kernel: kernel.3.cloned.1.call-start
scs
__scs_entry_jumppad:
0x0: {  	(pc) =	sbr.rel $0x88, $3  }
0x1: {  	(tag) =	ssettag $0x0;
	lr =	simm.s32 $0x1  }
0x2: {  	[smem:$0x3F9B] =	sst lr;
	_ =	strace $0xD0000000  }
0x3: {  	_ = 	snop  }
0x4: {  	_ = 	snop  }
0x5: {  	_ = 	snop  }
0x6: {  	_ = 	snop  }
0x7: {  	_ = 	snop  }
__scs_overlays_trampoline_lowered:
0x8: {  	[smem:$0x3FAA] =	sst s0  }
0x9: {  	[smem:$0x3FAB] =	sst s1  }
0xa: {  	[smem:$0x3FAC] =	sst s2  }
0xb: {  	[smem:$0x3FAD] =	sst s3  }
0xc: {  	[smem:$0x3FAE] =	sst s4  }
0xd: {  	[smem:$0x3FAF] =	sst s5  }
0xe: {  	[smem:$0x3FB0] =	sst s6  }
0xf: {  	[smem:$0x3FB1] =	sst s7  }
0x10: {  	[smem:$0x3FB2] =	sst s8  }
0x11: {  	[smem:$0x3FB3] =	sst s9;
	s0 =	simm.s32 @!p0 $0x0  }
0x12: {  	s1 =	sld [smem:$0x3F99];
	s0 =	simm.s32 @p0 $0x1  }
0x13: {  	[smem:$0x3FB4] =	sst s0;
	s0 =	simm.s32 @!p1 $0x0  }
0x14: {  	s2 =	sld [smem:$0x3F98];
	s0 =	simm.s32 @p1 $0x1  }
0x15: {  	[smem:$0x3FB5] =	sst s0;
	s0 =	simm.s32 @!p2 $0x0  }
0x16: {  	s3 =	sld [smem:$0x3FDB];
	s0 =	simm.s32 @p2 $0x1  }
0x17: {  	s4 =	simm.s32 $0x1BF5;
	[smem:$0x3FB7] =	sst s0  }
0x18: {  	s0 =	sld [smem:$0x3F9A];
	_ =	swait.ge [sflag:s4], $0x0  }
0x19: {  	s7 =	sld [smem:$0x3F9B]  }
0x1a: {  	s8 =	sadd.s32 $0xFFFFE003, lr  }
0x1b: {  	s9 =	sadd.s32 $0xFFFFFEF7, lr;
	s5 =	simm.s32 $0xFFFFFFFF;
	p2 =	slt.u32 s8, $0xFFFFF086  }
0x1c: {  	p1 =	slt.u32 s9, $0xF7A;
	s5 =	simm.s32 @!p2 $0x0  }
0x1d: {  	s5 =	simm.s32 @p1 $0x1;
	p0 =	seq.s32 s7, s2  }
0x1e: {  	s7 =	smul.u32 @!p0 $0xF7A, s2;
	p2 =	seq.s32 @!p0 s5, $0x0  }
0x1f: {  	s9 =	smul.u32 $0xF7A, s1;
	s8 =	simm.s32 @!p0 $0x1BF5;
	p2 =	por !p2, p0  }
0x20: {  	[sflag:s8] =	ssyncset.s32 @!p0 $0xFFFFF086;
	s6 =	sadd.s32 @!p0 s3, s7;
	s7 =	simm.s32 @!p0 $0x108  }
0x21: {  	s3 =	sadd.s32 s3, s9;
	s6 =	sadd.s32 @!p0 $0x88, s6;
	s7 =	simm.s32 @p2 $0x1082  }
0x22: {  	[simem:s7], [sflag:s8] =	dma.local @!p0 [hbm:s6], $0xF7A  }
0x23: {  	s9 =	sor.u32 $0xD0000000, s2;
	s6 =	simm.s32 $0x108;
	_ =	swait.ge @!p0 [sflag:s8], $0x0  }
0x24: {  	s3 =	sadd.s32 $0x88, s3;
	s6 =	simm.s32 @!p1 $0x1082;
	[sflag:s4] =	ssyncset.s32 $0xFFFFF086  }
0x25: {  	[simem:s6], [sflag:s4] =	dma.local [hbm:s3], $0xF7A  }
0x26: {  	[smem:$0x3F9B] =	sst s1;
	(tag) =	ssettag s2;
	_ =	strace s9  }
0x27: {  	s1 =	sld [smem:$0x3FAB]  }
0x28: {  	s2 =	sld [smem:$0x3FAC]  }
0x29: {  	s4 =	sld [smem:$0x3FAE]  }
0x2a: {  	p0 =	seq.s32 s5, $0x0;
	s5 =	sld [smem:$0x3FAF]  }
0x2b: {  	s6 =	sld [smem:$0x3FB0]  }
0x2c: {  	s7 =	sld [smem:$0x3FB1]  }
0x2d: {  	s3 =	simm.s32 $0x108;
	s8 =	sld [smem:$0x3FB2]  }
0x2e: {  	s3 =	simm.s32 @!p0 $0x1082;
	s9 =	sld [smem:$0x3FB3]  }
0x2f: {  	lr =	sadd.s32 s0, s3;
	s0 =	sld [smem:$0x3FAA]  }
0x30: {  	s3 =	sld [smem:$0x3FAD]  }
0x31: {  	[smem:$0x3FB6] =	sst s10  }
0x32: {  	s10 =	sld [smem:$0x3FB4];
	_ =	sdelay $0x3  }
0x33: {  	p0 =	seq.s32 s10, $0x1;
	s10 =	sld [smem:$0x3FB6];
	_ =	sdelay $0x3  }
0x34: {  	[smem:$0x3FB6] =	sst s10  }
0x35: {  	s10 =	sld [smem:$0x3FB5];
	_ =	sdelay $0x3  }
0x36: {  	p1 =	seq.s32 s10, $0x1;
	s10 =	sld [smem:$0x3FB6];
	_ =	sdelay $0x3  }
0x37: {  	[smem:$0x3FB6] =	sst s10  }
0x38: {  	s10 =	sld [smem:$0x3FB7]  }
0x39: {  	_ = 	snop;
	(pc) =	sbr.ind lr, $3  }
0x3a: {  	_ = 	snop  }
0x3b: {  	_ = 	snop  }
0x3c: {  	p2 =	seq.s32 s10, $0x1;
	s10 =	sld [smem:$0x3FB6]  }
0x3d: {  	_ =	shalt  }
0x3e: {  	_ =	shalt  }
0x3f: {  	_ =	shalt  }
0x40: {  	_ =	shalt  }
0x41: {  	_ =	shalt  }
0x42: {  	_ =	shalt  }
0x43: {  	_ =	shalt  }
0x44: {  	_ =	shalt  }
0x45: {  	_ =	shalt  }
0x46: {  	_ =	shalt  }
0x47: {  	_ =	shalt  }
0x48: {  	_ =	shalt  }
0x49: {  	_ =	shalt  }
0x4a: {  	_ =	shalt  }
0x4b: {  	_ =	shalt  }
0x4c: {  	_ =	shalt  }
0x4d: {  	_ =	shalt  }
0x4e: {  	_ =	shalt  }
0x4f: {  	_ =	shalt  }
0x50: {  	_ =	shalt  }
0x51: {  	_ =	shalt  }
0x52: {  	_ =	shalt  }
0x53: {  	_ =	shalt  }
0x54: {  	_ =	shalt  }
0x55: {  	_ =	shalt  }
0x56: {  	_ =	shalt  }
0x57: {  	_ =	shalt  }
0x58: {  	_ =	shalt  }
0x59: {  	_ =	shalt  }
0x5a: {  	_ =	shalt  }
0x5b: {  	_ =	shalt  }
0x5c: {  	_ =	shalt  }
0x5d: {  	_ =	shalt  }
0x5e: {  	_ =	shalt  }
0x5f: {  	_ =	shalt  }
0x60: {  	_ =	shalt  }
0x61: {  	_ =	shalt  }
0x62: {  	_ =	shalt  }
0x63: {  	_ =	shalt  }
0x64: {  	_ =	shalt  }
0x65: {  	_ =	shalt  }
0x66: {  	_ =	shalt  }
0x67: {  	_ =	shalt  }
0x68: {  	_ =	shalt  }
0x69: {  	_ =	shalt  }
0x6a: {  	_ =	shalt  }
0x6b: {  	_ =	shalt  }
0x6c: {  	_ =	shalt  }
0x6d: {  	_ =	shalt  }
0x6e: {  	_ =	shalt  }
0x6f: {  	_ =	shalt  }
0x70: {  	_ =	shalt  }
0x71: {  	_ =	shalt  }
0x72: {  	_ =	shalt  }
0x73: {  	_ =	shalt  }
0x74: {  	_ =	shalt  }
0x75: {  	_ =	shalt  }
0x76: {  	_ =	shalt  }
0x77: {  	_ =	shalt  }
0x78: {  	_ =	shalt  }
0x79: {  	_ =	shalt  }
0x7a: {  	_ =	shalt  }
0x7b: {  	_ =	shalt  }
0x7c: {  	_ =	shalt  }
0x7d: {  	_ =	shalt  }
0x7e: {  	_ =	shalt  }
0x7f: {  	_ =	shalt  }
0x80: {  	_ =	shalt  }
0x81: {  	_ =	shalt  }
0x82: {  	_ =	shalt  }
0x83: {  	_ =	shalt  }
0x84: {  	_ =	shalt  }
0x85: {  	_ =	shalt  }
0x86: {  	_ =	shalt  }
0x87: {  	_ =	shalt  }
.Lfunc_end0:
.L_simem_size_0:
called_computation_lowered:
.L_overlay_start_0:
0x88: {  	s2 =	sld [smem:$0x3FD9]  }
0x89: {  	s3 =	sld [smem:$0x3FFE];
	_ =	sdelay $0x1  }
0x8a: {  	s1 =	srdreg.scid  }
0x8b: {  	s0 =	sand.u32 $0x1, s1  }
0x8c: {  	s17 =	sshll.u32 s0, $0xA;
	s2 =	sadd.s32 s3, s2  }
0x8d: {  	s2 =	sadd.s32 s2, s17  }
0x8e: {  	[smem:$0x3FC2] =	sst s2  }
0x8f: {  	_ = 	snop  }
0x90: {  	s2 =	sld [smem:$0x3FC9]  }
0x91: {  	s18 =	sld [smem:$0x3FC8]  }
0x92: {  	s4 =	sld [smem:$0x3FC5]  }
0x93: {  	s5 =	sld [smem:$0x3FC4]  }
0x94: {  	s6 =	sld [smem:$0x3FD0];
	(tm) =	ssettm $0x1  }
0x95: {  	s7 =	sld [smem:$0x3FFB];
	_ =	sdelay $0x3  }
0x96: {  	_ =	strace s7  }
0x97: {  	s7 =	sld [smem:$0x3FFC];
	_ =	sdelay $0x3  }
0x98: {  	_ =	strace s7  }
0x99: {  	s7 =	sld [smem:$0x3FFD];
	_ =	sdelay $0x3  }
0x9a: {  	_ =	strace s7  }
0x9b: {  	_ =	strace $0x8FFFFFFF  }
0x9c: {  	s19 =	sld [smem:$0x3FDB];
	_ =	sdelay $0x1  }
0x9d: {  	s8 =	simm.s32 $_scs_section_size  }
0x9e: {  	s9 =	simm.s32 $_size__tile_overlayer_lowered;
	s10 =	simm.s32 $_tile_overlayer_lowered  }
0x9f: {  	s22 =	simm.s32 $0x1BFF;
	s21 =	sshll.u32 s10, $0x1;
	s7 =	sadd.s32 s8, s19  }
0xa0: {  	s11 =	simm.s32 $0x0;
	s20 =	sshll.u32 s9, $0x1;
	s9 =	sadd.s32 s21, s7  }
0xa1: {  	[timem:s11], [sflag:s22] =	dma.local [hbm:s9], s20  }
0xa2: {  	_ =	swait.ge [sflag:s22], s20  }
0xa3: {  	s8 =	ssub.s32 $0x0, s20;
	[sflag:s22] =	ssyncset.done $0x0  }
0xa4: {  	[sflag:s22] =	ssyncadd.s32 s8;
	_ =	sdelay $0x1  }
0xa5: {  	s23 =	simm.s32 $0x1B8B  }
0xa6: {  	_ =	swait.ge [sflag:s23], $0x1  }
0xa7: {  	[sflag:s23] =	ssyncset.done $0x0  }
0xa8: {  	s25 =	simm.s32 $0x1B8E;
	s24 =	sld [smem:$0x3FFE];
	[sflag:s23] =	ssyncadd.s32 $0xFFFFFFFF  }
0xa9: {  	s26 =	simm.s32 $execute0_lowered;
	[smem:$0x3FD2] =	sst s25  }
0xaa: {  	s9 =	sshll.u32 s26, $0x1;
	_ =	strace $0x80000046;
	[dreg:$0x1] =	wrdreg $0xFFFFFFFF  }
0xab: {  	s28 =	simm.s32 $_size_execute0_lowered;
	s7 =	sadd.s32 s7, s9;
	[dreg:$0x0] =	wrdreg $0x0  }
0xac: {  	s9 =	sshll.u32 s28, $0x1;
	[dreg:$0x2] =	wrdreg s7  }
0xad: {  	[dreg:$0x3] =	wrdreg s9  }
0xae: {  	[dreg:$0x4] =	wrdreg $0xC0  }
0xaf: {  	_ =	task [dreg:s11], $0x5FFFF  }
0xb0: {  	[dreg:$0x1] =	wrdreg $0xFFFFFFFF  }
0xb1: {  	[dreg:$0x0] =	wrdreg $0x60  }
0xb2: {  	[dreg:$0x2] =	wrdreg s2  }
0xb3: {  	[dreg:$0x3] =	wrdreg s18  }
0xb4: {  	[dreg:$0x4] =	wrdreg s24  }
0xb5: {  	[dreg:$0x5] =	wrdreg s4  }
0xb6: {  	[dreg:$0x6] =	wrdreg s5  }
0xb7: {  	[dreg:$0x7] =	wrdreg s6  }
0xb8: {  	[dreg:$0x8] =	wrdreg $0x9  }
0xb9: {  	_ =	task.clear_ibuf [dreg:s11], $0x9FFFF;
	_ =	strace $0x90000046  }
0xba: {  	s29 =	simm.s32 $0x9;
	_ =	strace $0x80000048  }
0xbb: {  	_ =	swait.ge [sflag:s29], $0x1  }
0xbc: {  	[sflag:s29] =	ssyncadd.s32 $0xFFFFFFFF  }
0xbd: {  	_ =	strace $0x90000048  }
0xbe: {  	_ =	sfence  }
0xbf: {  	s30 =	sld [smem:$0x0];
	_ =	sdelay $0x2  }
0xc0: {  	s31 =	sshll.u32 s1, $0xD;
	s1 =	sshrl.u32 s1, $0x2  }
0xc1: {  	s3 =	sand.u32 $0x4000, s31;
	s1 =	sadd.s32 s1, s30  }
0xc2: {  	s0 =	sor.u32 s3, s0;
	s1 =	sshll.u32 s1, $0x11  }
0xc3: {  	s0 =	sor.u32 s1, s0  }
0xc4: {  	s0 =	sadd.s32 $0x8F2B, s0  }
0xc5: {  	[sflag:s0] =	ssyncadd.remote.s32 $0x1  }
0xc6: {  	_ =	sfence.sel $0xFFFF  }
0xc7: {  	[dreg:$0x0] =	wrdreg $0xFFFFFFFF;
	(pc) =	sbr.abs _section_cstart, $3  }
0xc8: {  	[dreg:$0x1] =	wrdreg $0xFFFFFFFF  }
0xc9: {  	_ =	task.clear_ibuf [dreg:s11], $0x2FFFF;
	_ =	strace $0x9FFFFFFF  }
0xca: {  	(tm) =	ssettm $0x7FFFFFFF  }
0xcb: {  	_ =	shalt  }
tec
execute0_lowered:
.L_overlay_start_1:
0x0: {  	(tag) =	ssettag $0x1  }
0x1: {  	s0 =	rddreg [dreg:$0x0]  }
0x2: {  	s1 =	rddreg [dreg:$0x1]  }
0x3: {  	s2 =	rddreg [dreg:$0x2]  }
0x4: {  	s3 =	rddreg [dreg:$0x5];
	s11 =	simm.s32 $0x0;
	s4 =	srdreg.scid  }
0x5: {  	s6 =	stileid.u32;
	s30 =	simm.s32 $0x400;
	s4 =	sand.u32 $0x1, s4  }
0x6: {  	s6 =	sshll.u32 s6, $0x7;
	s5 =	ssub.s32 $0x2, s4;
	s4 =	sshll.u32 s4, $0x6  }
0x7: {  	[smem:$0x7FF] =	sst s11;
	s12 =	sadd.s32 $0x400, s2;
	s4 =	sor.u32 s4, s6  }
0x8: {  	s10 =	sadd.s32 $0xF42800, s2;
	_ =	strace $0x80000047;
	s0 =	sadd.s32 s0, s4  }
0x9: {  	s25 =	sshrl.u32 s5, $0x1;
	s26 =	sadd.s32 s1, s4;
	[dreg:$0x12] =	wrdreg s0  }
0xa: {  	s2 =	ssub.s32 s5, s25;
	s28 =	sadd.s32 s3, s4;
	[dreg:$0x13] =	wrdreg s26  }
0xb: {  	v0 =	vlaneseq.u32;
	s31 =	simm.s32 $0x8400;
	[dreg:$0x14] =	wrdreg s28;
	s29 =	smax.u32 s2, $0x1  }
0xc: {  	v0 =	vmul.u32 $0x80, v0;
	s1 =	simm.s32 $0x3;
	s2 =	simm.s32 $0x0;
	[dreg:$0x15] =	wrdreg s29  }
.LBB2_1:
0xd: {  	[dreg:$0x16] =	wrdreg s2  }
0xe: {  	s0 =	rddreg [dreg:$0x12]  }
0xf: {  	[tilespmem:s11], [sflag:$0x3] =	stream.linear.gather [hbm4b:s0+s11], $0x200, $0x38;
	[tilespmem:$0x10A00] =	vst v63  }
0x10: {  	_ =	swait.ge [sflag:s1], $0x200  }
0x11: {  	[sflag:s1] =	ssyncset.done $0x0  }
0x12: {  	s13 =	simm.s32 $0x200;
	s9 =	rddreg [dreg:$0x13];
	[sflag:s1] =	ssyncadd.s32 $0xFFFFFE00  }
0x13: {  	[tilespmem:s13], [sflag:$0x3] =	stream.linear.gather [hbm4b:s9+s11], $0x200, $0x38;
	[tilespmem:$0x10A00] =	vst v63  }
0x14: {  	_ =	swait.ge [sflag:s1], $0x200  }
0x15: {  	[sflag:s1] =	ssyncset.done $0x0  }
0x16: {  	[sflag:s1] =	ssyncadd.s32 $0xFFFFFE00  }
0x17: {  	s3 =	simm.s32 $0x80;
	s15 =	simm.s32 $0x10400;
	s14 =	rddreg [dreg:$0x3]  }
0x18: {  	[tilespmem:s15], [sflag:$0x2] =	stream.indirect.gather [hbm4b:s14+s3], $0x1, s11, s3, $0xb8;
	[tilespmem:$0x10A00] =	vst v63  }
0x19: {  	s4 =	simm.s32 $0x10600;
	s16 =	rddreg [dreg:$0x4]  }
0x1a: {  	[tilespmem:s4], [sflag:$0x2] =	stream.indirect.gather [hbm4b:s16+s3], $0x1, s13, s3, $0xb8;
	[tilespmem:$0x10A00] =	vst v63  }
0x1b: {  	s17 =	simm.s32 $0x10480  }
0x1c: {  	[tilespmem:s17], [sflag:$0x2] =	stream.indirect.gather [hbm4b:s14+s3], $0x1, s3, s3, $0xb8;
	[tilespmem:$0x10A00] =	vst v63  }
0x1d: {  	s18 =	simm.s32 $0x280;
	s19 =	simm.s32 $0x10680  }
0x1e: {  	[tilespmem:s19], [sflag:$0x2] =	stream.indirect.gather [hbm4b:s16+s3], $0x1, s18, s3, $0xb8;
	[tilespmem:$0x10A00] =	vst v63  }
0x1f: {  	s20 =	simm.s32 $0x100;
	s21 =	simm.s32 $0x10500  }
0x20: {  	[tilespmem:s21], [sflag:$0x2] =	stream.indirect.gather [hbm4b:s14+s3], $0x1, s20, s3, $0xb8;
	[tilespmem:$0x10A00] =	vst v63  }
0x21: {  	s22 =	simm.s32 $0x300;
	s23 =	simm.s32 $0x10700  }
0x22: {  	[tilespmem:s23], [sflag:$0x2] =	stream.indirect.gather [hbm4b:s16+s3], $0x1, s22, s3, $0xb8;
	[tilespmem:$0x10A00] =	vst v63  }
0x23: {  	s24 =	simm.s32 $0x180;
	s25 =	simm.s32 $0x10580  }
0x24: {  	[tilespmem:s25], [sflag:$0x2] =	stream.indirect.gather [hbm4b:s14+s3], $0x1, s24, s3, $0xb8;
	[tilespmem:$0x10A00] =	vst v63  }
0x25: {  	s26 =	simm.s32 $0x380;
	s28 =	simm.s32 $0x10780;
	s29 =	simm.s32 $0x2  }
0x26: {  	[tilespmem:s28], [sflag:$0x2] =	stream.indirect.gather [hbm4b:s16+s3], $0x1, s26, s3, $0xb8;
	[tilespmem:$0x10A00] =	vst v63  }
0x27: {  	_ =	swait.ge [sflag:s29], $0x80  }
0x28: {  	[sflag:s29] =	ssyncset.done $0x0  }
0x29: {  	[sflag:s29] =	ssyncadd.s32 $0xFFFFFF80  }
0x2a: {  	_ =	swait.ge [sflag:s29], $0x80  }
0x2b: {  	[sflag:s29] =	ssyncset.done $0x0  }
0x2c: {  	[sflag:s29] =	ssyncadd.s32 $0xFFFFFF80  }
0x2d: {  	_ =	swait.ge [sflag:s29], $0x80  }
0x2e: {  	[sflag:s29] =	ssyncset.done $0x0  }
0x2f: {  	[sflag:s29] =	ssyncadd.s32 $0xFFFFFF80  }
0x30: {  	_ =	swait.ge [sflag:s29], $0x80  }
0x31: {  	[sflag:s29] =	ssyncset.done $0x0  }
0x32: {  	[sflag:s29] =	ssyncadd.s32 $0xFFFFFF80  }
0x33: {  	_ =	swait.ge [sflag:s29], $0x80  }
0x34: {  	[sflag:s29] =	ssyncset.done $0x0  }
0x35: {  	[sflag:s29] =	ssyncadd.s32 $0xFFFFFF80  }
0x36: {  	_ =	swait.ge [sflag:s29], $0x80  }
0x37: {  	[sflag:s29] =	ssyncset.done $0x0  }
0x38: {  	[sflag:s29] =	ssyncadd.s32 $0xFFFFFF80  }
0x39: {  	_ =	swait.ge [sflag:s29], $0x80  }
0x3a: {  	[sflag:s29] =	ssyncset.done $0x0  }
0x3b: {  	[sflag:s29] =	ssyncadd.s32 $0xFFFFFF80  }
0x3c: {  	_ =	swait.ge [sflag:s29], $0x80  }
0x3d: {  	[sflag:s29] =	ssyncset.done $0x0  }
0x3e: {  	p1 =	por $0x1, $0x1;
	s0 =	simm.s32 $0x0;
	[sflag:s29] =	ssyncadd.s32 $0xFFFFFF80  }
.LBB2_2:
0x3f: {  	s0 =	sshll.u32 s0, $0x2  }
0x40: {  	s14 =	sshra.s32 s0, $0x2  }
0x41: {  	s0 =	sadd.s32 $0x200, s14;
	v1 =	vld [tilespmem:s14+$0x0]  }
0x42: {  	v3 =	vld [tilespmem:s0+$0x0];
	_ =	sdelay $0x3  }
0x43: {  	v2 =	vshll.u32 v1, $0x4  }
0x44: {  	v1 =	vshll.u32 v3, $0x4;
	(v2sf) =	vpush v2, $0x0  }
0x45: {  	(v2sf) =	vpush v1, $0x0  }
0x46: {  	(v2sf) =	vpush v2, $0x1;
	_ =	sdelay $0x1  }
0x47: {  	(v2sf) =	vpush v1, $0x1;
	_ =	sdelay $0x1  }
0x48: {  	(v2sf) =	vpush v2, $0x2;
	_ =	sdelay $0x1  }
0x49: {  	(v2sf) =	vpush v1, $0x2;
	_ =	sdelay $0x1  }
0x4a: {  	(v2sf) =	vpush v2, $0x3  }
0x4b: {  	s16 =	simm.s32 $0x2000;
	s15 =	simm.s32 $0x0;
	s4 =	simm.s32 $0x8400  }
0x4c: {  	s3 =	simm.s32 $0x680;
	s2 =	simm.s32 $0x880;
	s5 =	simm.s32 $0x400  }
0x4d: {  	s6 =	simm.s32 $0x600;
	s29 =	simm.s32 $0x480;
	s13 =	simm.s32 $0x8480  }
0x4e: {  	s19 =	simm.s32 $0x500;
	s21 =	simm.s32 $0x8500;
	s24 =	simm.s32 $0x8580;
	(v2sf) =	vpush v1, $0x3  }
0x4f: {  	p0 =	por p1, p1;
	[dreg:$0x17] =	wrdreg s14;
	s1 =	spop (v2sf)  }
0x50: {  	(v2sf) =	vpush v2, $0x4;
	s7 =	sand.u32 $0x1FFFFFF0, s1;
	s8 =	spop (v2sf);
	s1 =	simm.s32 $0x8900  }
0x51: {  	s7 =	sadd.s32 s12, s7;
	s8 =	sand.u32 $0x1FFFFFF0, s8;
	s28 =	spop (v2sf)  }
0x52: {  	[tilespmem:s5], [sflag:$0x1] =	stream.linear.gather [hbm4b:s7+s11], $0x80, $0x38;
	[tilespmem:$0x10A00] =	vst v63  }
0x53: {  	(v2sf) =	vpush v1, $0x4;
	s8 =	sadd.s32 s10, s8;
	s7 =	sand.u32 $0x1FFFFFF0, s28;
	s9 =	spop (v2sf)  }
0x54: {  	(v2sf) =	vpush v2, $0x5;
	[tilespmem:s4], [sflag:$0x1] =	stream.linear.gather [hbm4b:s8+s11], $0x80, $0x38;
	[tilespmem:$0x10A00] =	vst v63  }
0x55: {  	(v2sf) =	vpush v1, $0x5;
	s7 =	sadd.s32 s12, s7;
	s8 =	sand.u32 $0x1FFFFFF0, s9;
	s9 =	spop (v2sf)  }
0x56: {  	[tilespmem:s29], [sflag:$0x1] =	stream.linear.gather [hbm4b:s7+s11], $0x80, $0x38;
	[tilespmem:$0x10A00] =	vst v63  }
0x57: {  	(v2sf) =	vpush v2, $0x6;
	s17 =	sadd.s32 s10, s8;
	s18 =	sand.u32 $0x1FFFFFF0, s9;
	s20 =	spop (v2sf)  }
0x58: {  	[tilespmem:s13], [sflag:$0x1] =	stream.linear.gather [hbm4b:s17+s11], $0x80, $0x38;
	[tilespmem:$0x10A00] =	vst v63  }
0x59: {  	s8 =	sadd.s32 s12, s18;
	s7 =	sand.u32 $0x1FFFFFF0, s20;
	s22 =	spop (v2sf)  }
0x5a: {  	[tilespmem:s19], [sflag:$0x1] =	stream.linear.gather [hbm4b:s8+s11], $0x80, $0x38;
	[tilespmem:$0x10A00] =	vst v63  }
0x5b: {  	s5 =	simm.s32 $0x580;
	(v2sf) =	vpush v1, $0x6;
	s7 =	sadd.s32 s10, s7;
	s8 =	sand.u32 $0x1FFFFFF0, s22  }
0x5c: {  	[tilespmem:s21], [sflag:$0x1] =	stream.linear.gather [hbm4b:s7+s11], $0x80, $0x38;
	[tilespmem:$0x10A00] =	vst v63  }
0x5d: {  	(v2sf) =	vpush v2, $0x7;
	s29 =	simm.s32 $0x8600;
	s23 =	spop (v2sf);
	s25 =	sadd.s32 s12, s8  }
0x5e: {  	[tilespmem:s5], [sflag:$0x1] =	stream.linear.gather [hbm4b:s25+s11], $0x80, $0x38;
	[tilespmem:$0x10A00] =	vst v63  }
0x5f: {  	s26 =	sand.u32 $0x1FFFFFF0, s23;
	s23 =	simm.s32 $0x700;
	s28 =	spop (v2sf)  }
0x60: {  	s8 =	sadd.s32 s10, s26;
	s7 =	simm.s32 $0x8A00;
	s5 =	sand.u32 $0x1FFFFFF0, s28  }
0x61: {  	(v2sf) =	vpush v1, $0x7;
	[tilespmem:s24], [sflag:$0x1] =	stream.linear.gather [hbm4b:s8+s11], $0x80, $0x38;
	[tilespmem:$0x10A00] =	vst v63  }
0x62: {  	s21 =	simm.s32 $0x8680;
	(v2sf) =	vpush v2, $0x8;
	s13 =	spop (v2sf);
	s5 =	sadd.s32 s12, s5  }
0x63: {  	s17 =	sand.u32 $0x1FFFFFF0, s13;
	s18 =	spop (v2sf);
	s13 =	simm.s32 $0xA80  }
0x64: {  	(v2sf) =	vpush v1, $0x8;
	s8 =	simm.s32 $0x8700;
	s19 =	sadd.s32 s10, s17;
	s22 =	spop (v2sf)  }
0x65: {  	[tilespmem:s6], [sflag:$0x1] =	stream.linear.gather [hbm4b:s5+s11], $0x80, $0x38;
	[tilespmem:$0x10A00] =	vst v63  }
0x66: {  	s20 =	sand.u32 $0x1FFFFFF0, s18;
	(v2sf) =	vpush v2, $0x9;
	s17 =	simm.s32 $0x780;
	s25 =	spop (v2sf)  }
0x67: {  	(v2sf) =	vpush v1, $0x9;
	[tilespmem:s29], [sflag:$0x1] =	stream.linear.gather [hbm4b:s19+s11], $0x80, $0x38;
	[tilespmem:$0x10A00] =	vst v63  }
0x68: {  	s6 =	sadd.s32 s12, s20;
	s24 =	sand.u32 $0x1FFFFFF0, s22;
	s5 =	sand.u32 $0x1FFFFFF0, s25  }
0x69: {  	(v2sf) =	vpush v2, $0xA;
	[tilespmem:s3], [sflag:$0x1] =	stream.linear.gather [hbm4b:s6+s11], $0x80, $0x38;
	[tilespmem:$0x10A00] =	vst v63  }
0x6a: {  	s26 =	spop (v2sf);
	s28 =	sadd.s32 s12, s5;
	s3 =	sadd.s32 s10, s24  }
0x6b: {  	[tilespmem:s21], [sflag:$0x1] =	stream.linear.gather [hbm4b:s3+s11], $0x80, $0x38;
	[tilespmem:$0x10A00] =	vst v63  }
0x6c: {  	(v2sf) =	vpush v1, $0xA;
	s29 =	sand.u32 $0x1FFFFFF0, s26;
	s9 =	spop (v2sf);
	s26 =	simm.s32 $0x8800  }
0x6d: {  	[tilespmem:s23], [sflag:$0x1] =	stream.linear.gather [hbm4b:s28+s11], $0x80, $0x38;
	[tilespmem:$0x10A00] =	vst v63  }
0x6e: {  	(v2sf) =	vpush v2, $0xB;
	s5 =	sadd.s32 s10, s29;
	s18 =	sand.u32 $0x1FFFFFF0, s9;
	s24 =	simm.s32 $0x800  }
0x6f: {  	[tilespmem:s8], [sflag:$0x1] =	stream.linear.gather [hbm4b:s5+s11], $0x80, $0x38;
	[tilespmem:$0x10A00] =	vst v63  }
0x70: {  	s9 =	simm.s32 $0x8A80;
	s3 =	simm.s32 $0x8980;
	s19 =	spop (v2sf)  }
0x71: {  	s5 =	sadd.s32 s12, s18;
	s6 =	sand.u32 $0x1FFFFFF0, s19;
	s20 =	spop (v2sf)  }
0x72: {  	(v2sf) =	vpush v1, $0xB;
	[tilespmem:s17], [sflag:$0x1] =	stream.linear.gather [hbm4b:s5+s11], $0x80, $0x38;
	[tilespmem:$0x10A00] =	vst v63  }
0x73: {  	s21 =	simm.s32 $0x8780;
	s22 =	sadd.s32 s10, s6;
	s25 =	spop (v2sf)  }
0x74: {  	[tilespmem:s21], [sflag:$0x1] =	stream.linear.gather [hbm4b:s22+s11], $0x80, $0x38;
	[tilespmem:$0x10A00] =	vst v63  }
0x75: {  	s8 =	simm.s32 $0x8880;
	s23 =	sand.u32 $0x1FFFFFF0, s20;
	s28 =	spop (v2sf)  }
0x76: {  	(v2sf) =	vpush v2, $0xC;
	s6 =	sadd.s32 s12, s23;
	s5 =	sand.u32 $0x1FFFFFF0, s25;
	s29 =	spop (v2sf)  }
0x77: {  	[tilespmem:s24], [sflag:$0x1] =	stream.linear.gather [hbm4b:s6+s11], $0x80, $0x38;
	[tilespmem:$0x10A00] =	vst v63  }
0x78: {  	s18 =	simm.s32 $0x900;
	s5 =	sadd.s32 s10, s5;
	(v2sf) =	vpush v1, $0xC;
	s17 =	spop (v2sf)  }
0x79: {  	s6 =	sand.u32 $0x1FFFFFF0, s28;
	s24 =	simm.s32 $0x980;
	s4 =	sand.u32 $0x1FFFFFF0, s17  }
0x7a: {  	[tilespmem:s26], [sflag:$0x1] =	stream.linear.gather [hbm4b:s5+s11], $0x80, $0x38;
	[tilespmem:$0x10A00] =	vst v63  }
0x7b: {  	s19 =	spop (v2sf);
	s5 =	sadd.s32 s12, s6;
	s6 =	sand.u32 $0x1FFFFFF0, s29  }
0x7c: {  	[tilespmem:s2], [sflag:$0x1] =	stream.linear.gather [hbm4b:s5+s11], $0x80, $0x38;
	[tilespmem:$0x10A00] =	vst v63  }
0x7d: {  	s4 =	sadd.s32 s12, s4;
	s20 =	spop (v2sf);
	s5 =	sadd.s32 s10, s6  }
0x7e: {  	[tilespmem:s8], [sflag:$0x1] =	stream.linear.gather [hbm4b:s5+s11], $0x80, $0x38;
	[tilespmem:$0x10A00] =	vst v63  }
0x7f: {  	s22 =	sand.u32 $0x1FFFFFF0, s20;
	s20 =	sadd.s32 $0x10, s0;
	s5 =	sand.u32 $0x1FFFFFF0, s19  }
0x80: {  	[tilespmem:s18], [sflag:$0x1] =	stream.linear.gather [hbm4b:s4+s11], $0x80, $0x38;
	[tilespmem:$0x10A00] =	vst v63  }
0x81: {  	s25 =	sadd.s32 s12, s22;
	s21 =	sadd.s32 s10, s5;
	s23 =	spop (v2sf)  }
0x82: {  	[tilespmem:s1], [sflag:$0x1] =	stream.linear.gather [hbm4b:s21+s11], $0x80, $0x38;
	(v2sf) =	vpush v2, $0xD;
	[tilespmem:$0x10A00] =	vst v63  }
0x83: {  	s22 =	simm.s32 $0x8B00;
	s19 =	sadd.s32 $0x10, s14;
	s26 =	sand.u32 $0x1FFFFFF0, s23;
	(v2sf) =	vpush v1, $0xD  }
0x84: {  	[tilespmem:s24], [sflag:$0x1] =	stream.linear.gather [hbm4b:s25+s11], $0x80, $0x38;
	(v2sf) =	vpush v2, $0xE;
	[tilespmem:$0x10A00] =	vst v63  }
0x85: {  	s23 =	simm.s32 $0xB00;
	s29 =	spop (v2sf);
	s28 =	sadd.s32 s10, s26;
	(v2sf) =	vpush v1, $0xE  }
0x86: {  	[tilespmem:s3], [sflag:$0x1] =	stream.linear.gather [hbm4b:s28+s11], $0x80, $0x38;
	(v2sf) =	vpush v2, $0xF;
	[tilespmem:$0x10A00] =	vst v63  }
0x87: {  	s24 =	simm.s32 $0xA00;
	s0 =	sand.u32 $0x1FFFFFF0, s29;
	s1 =	spop (v2sf);
	(v2sf) =	vpush v1, $0xF  }
.LBB2_3:
0x88: {  	_ =	sdelay $0x4  }
0x89: {  	s0 =	sadd.s32 s12, s0;
	s1 =	sand.u32 $0x1FFFFFF0, s1  }
0x8a: {  	[tilespmem:s24], [sflag:$0x1] =	stream.linear.gather [hbm4b:s0+s11], $0x80, $0x38;
	[tilespmem:$0x10A00] =	vst v63  }
0x8b: {  	s14 =	sadd.s32 s10, s1  }
0x8c: {  	[tilespmem:s7], [sflag:$0x1] =	stream.linear.gather [hbm4b:s14+s11], $0x80, $0x38;
	[tilespmem:$0x10A00] =	vst v63  }
0x8d: {  	s2 =	spop (v2sf)  }
0x8e: {  	s17 =	sand.u32 $0x1FFFFFF0, s2;
	s18 =	spop (v2sf)  }
0x8f: {  	s21 =	sadd.s32 s12, s17;
	s24 =	sand.u32 $0x1FFFFFF0, s18;
	s25 =	spop (v2sf)  }
0x90: {  	[tilespmem:s13], [sflag:$0x1] =	stream.linear.gather [hbm4b:s21+s11], $0x80, $0x38;
	[tilespmem:$0x10A00] =	vst v63  }
0x91: {  	s26 =	sadd.s32 s10, s24;
	s28 =	sand.u32 $0x1FFFFFF0, s25;
	s29 =	spop (v2sf)  }
0x92: {  	[tilespmem:s9], [sflag:$0x1] =	stream.linear.gather [hbm4b:s26+s11], $0x80, $0x38;
	[tilespmem:$0x10A00] =	vst v63  }
0x93: {  	s1 =	sadd.s32 s12, s28;
	s2 =	sand.u32 $0x1FFFFFF0, s29;
	s3 =	spop (v2sf)  }
0x94: {  	[tilespmem:s23], [sflag:$0x1] =	stream.linear.gather [hbm4b:s1+s11], $0x80, $0x38;
	[tilespmem:$0x10A00] =	vst v63  }
0x95: {  	s4 =	sadd.s32 s10, s2;
	s5 =	sand.u32 $0x1FFFFFF0, s3;
	s6 =	spop (v2sf)  }
0x96: {  	[tilespmem:s22], [sflag:$0x1] =	stream.linear.gather [hbm4b:s4+s11], $0x80, $0x38;
	[tilespmem:$0x10A00] =	vst v63  }
0x97: {  	s7 =	sadd.s32 $0xB80, s15;
	s2 =	sand.u32 $0x1FFFFFF0, s6;
	s1 =	sadd.s32 s12, s5  }
0x98: {  	[tilespmem:s7], [sflag:$0x1] =	stream.linear.gather [hbm4b:s1+s11], $0x80, $0x38;
	[tilespmem:$0x10A00] =	vst v63  }
0x99: {  	s8 =	sadd.s32 $0x8B80, s15;
	s9 =	sadd.s32 s10, s2  }
0x9a: {  	[tilespmem:s8], [sflag:$0x1] =	stream.linear.gather [hbm4b:s9+s11], $0x80, $0x38;
	[tilespmem:$0x10A00] =	vst v63  }
0x9b: {  	v1 =	vld [tilespmem:s19+$0x0]  }
0x9c: {  	v3 =	vld [tilespmem:s20+$0x0];
	_ =	sdelay $0x3  }
0x9d: {  	v2 =	vshll.u32 v1, $0x4  }
0x9e: {  	s13 =	smov.u32 s16;
	v1 =	vshll.u32 v3, $0x4;
	(v2sf) =	vpush v2, $0x0  }
0x9f: {  	p1 =	sne.s32 s16, $0x1E000;
	s16 =	sadd.s32 $0x2000, s16;
	s15 =	sshra.s32 s13, $0x2;
	(v2sf) =	vpush v1, $0x0  }
0xa0: {  	s17 =	sadd.s32 $0x8400, s15;
	s0 =	sadd.s32 $0x680, s15;
	s14 =	sadd.s32 $0x880, s15;
	(v2sf) =	vpush v2, $0x1  }
0xa1: {  	s25 =	sadd.s32 $0x400, s15;
	s29 =	sadd.s32 $0x600, s15;
	s18 =	sadd.s32 $0x8900, s15  }
0xa2: {  	s3 =	sadd.s32 $0x8580, s15;
	s13 =	sadd.s32 $0xA80, s15;
	[dreg:$0xf] =	wrdreg s0;
	(v2sf) =	vpush v1, $0x1  }
0xa3: {  	s26 =	sadd.s32 $0x8480, s15;
	s28 =	sadd.s32 $0x8680, s15;
	[dreg:$0x9] =	wrdreg s14  }
0xa4: {  	s21 =	sadd.s32 $0x8980, s15;
	s24 =	sadd.s32 $0x900, s15;
	[dreg:$0x7] =	wrdreg s18;
	(v2sf) =	vpush v2, $0x2  }
0xa5: {  	s0 =	sadd.s32 $0x500, s15;
	s14 =	sadd.s32 $0x8600, s15;
	[dreg:$0x8] =	wrdreg s21;
	(v2sf) =	vpush v1, $0x2  }
0xa6: {  	s6 =	sadd.s32 $0x8500, s15;
	[dreg:$0xa] =	wrdreg s24;
	s18 =	sadd.s32 $0x800, s15  }
0xa7: {  	s24 =	sadd.s32 $0xA00, s15;
	s23 =	sadd.s32 $0x8880, s15;
	[dreg:$0xe] =	wrdreg s18;
	(v2sf) =	vpush v2, $0x3  }
0xa8: {  	s5 =	sadd.s32 $0x580, s15;
	s2 =	sadd.s32 $0x8A00, s15;
	[dreg:$0xb] =	wrdreg s23  }
0xa9: {  	s23 =	sadd.s32 $0xB00, s15;
	s4 =	sadd.s32 $0x700, s15;
	s22 =	sadd.s32 $0x8A80, s15;
	(v2sf) =	vpush v1, $0x3  }
0xaa: {  	[dreg:$0xc] =	wrdreg s22;
	s22 =	sadd.s32 $0x8B00, s15;
	s7 =	sadd.s32 $0x780, s15  }
0xab: {  	s1 =	smov.u32 s10;
	[dreg:$0x11] =	wrdreg s7;
	s8 =	sadd.s32 $0x8800, s15  }
0xac: {  	s10 =	sadd.s32 $0x480, s15;
	s9 =	sadd.s32 $0x8780, s15;
	[dreg:$0xd] =	wrdreg s8  }
0xad: {  	s11 =	sadd.s32 $0x8700, s15;
	[dreg:$0x10] =	wrdreg s9;
	(v2sf) =	vpush v2, $0x4;
	s8 =	spop (v2sf)  }
0xae: {  	s9 =	simm.s32 $0x0;
	s21 =	sand.u32 $0x1FFFFFF0, s8;
	s18 =	spop (v2sf)  }
0xaf: {  	(v2sf) =	vpush v1, $0x4;
	s7 =	sadd.s32 s12, s21;
	s18 =	sand.u32 $0x1FFFFFF0, s18;
	s21 =	spop (v2sf)  }
0xb0: {  	[tilespmem:s25], [sflag:$0x1] =	stream.linear.gather [hbm4b:s7+s9], $0x80, $0x38;
	[tilespmem:$0x10A00] =	vst v63  }
0xb1: {  	(v2sf) =	vpush v2, $0x5;
	s18 =	sadd.s32 s1, s18;
	s21 =	sand.u32 $0x1FFFFFF0, s21;
	s25 =	spop (v2sf)  }
0xb2: {  	(v2sf) =	vpush v1, $0x5;
	[tilespmem:s17], [sflag:$0x1] =	stream.linear.gather [hbm4b:s18+s9], $0x80, $0x38;
	[tilespmem:$0x10A00] =	vst v63  }
0xb3: {  	s18 =	sadd.s32 s12, s21;
	s21 =	sand.u32 $0x1FFFFFF0, s25;
	s25 =	spop (v2sf)  }
0xb4: {  	(v2sf) =	vpush v2, $0x6;
	s17 =	sadd.s32 s1, s21;
	s21 =	sand.u32 $0x1FFFFFF0, s25;
	s25 =	spop (v2sf)  }
0xb5: {  	[tilespmem:s10], [sflag:$0x1] =	stream.linear.gather [hbm4b:s18+s9], $0x80, $0x38;
	[tilespmem:$0x10A00] =	vst v63  }
0xb6: {  	s19 =	sadd.s32 $0x10, s19;
	s20 =	sadd.s32 $0x10, s20;
	(v2sf) =	vpush v1, $0x6;
	s18 =	spop (v2sf)  }
0xb7: {  	[tilespmem:s26], [sflag:$0x1] =	stream.linear.gather [hbm4b:s17+s9], $0x80, $0x38;
	[tilespmem:$0x10A00] =	vst v63  }
0xb8: {  	s10 =	sadd.s32 s12, s21;
	(v2sf) =	vpush v2, $0x7;
	s17 =	sand.u32 $0x1FFFFFF0, s25;
	s26 =	spop (v2sf)  }
0xb9: {  	(v2sf) =	vpush v1, $0x7;
	[tilespmem:s0], [sflag:$0x1] =	stream.linear.gather [hbm4b:s10+s9], $0x80, $0x38;
	[tilespmem:$0x10A00] =	vst v63  }
0xba: {  	s8 =	sadd.s32 $0x980, s15;
	s25 =	sand.u32 $0x1FFFFFF0, s18;
	s21 =	sadd.s32 s1, s17  }
0xbb: {  	[tilespmem:s6], [sflag:$0x1] =	stream.linear.gather [hbm4b:s21+s9], $0x80, $0x38;
	[tilespmem:$0x10A00] =	vst v63  }
0xbc: {  	s17 =	sadd.s32 s12, s25;
	s18 =	sand.u32 $0x1FFFFFF0, s26;
	s21 =	spop (v2sf)  }
0xbd: {  	[tilespmem:s5], [sflag:$0x1] =	stream.linear.gather [hbm4b:s17+s9], $0x80, $0x38;
	[tilespmem:$0x10A00] =	vst v63  }
0xbe: {  	s7 =	smov.u32 s2;
	s25 =	sadd.s32 s1, s18;
	s2 =	spop (v2sf)  }
0xbf: {  	(v2sf) =	vpush v2, $0x8;
	[tilespmem:s3], [sflag:$0x1] =	stream.linear.gather [hbm4b:s25+s9], $0x80, $0x38;
	[tilespmem:$0x10A00] =	vst v63  }
0xc0: {  	s10 =	smov.u32 s1;
	s26 =	sand.u32 $0x1FFFFFF0, s21;
	s17 =	spop (v2sf)  }
0xc1: {  	s5 =	sadd.s32 s12, s26;
	(v2sf) =	vpush v1, $0x8;
	s6 =	sand.u32 $0x1FFFFFF0, s2;
	s25 =	spop (v2sf)  }
0xc2: {  	[tilespmem:s29], [sflag:$0x1] =	stream.linear.gather [hbm4b:s5+s9], $0x80, $0x38;
	[tilespmem:$0x10A00] =	vst v63  }
0xc3: {  	s18 =	sadd.s32 s1, s6;
	s21 =	sand.u32 $0x1FFFFFF0, s17;
	s2 =	spop (v2sf)  }
0xc4: {  	(v2sf) =	vpush v2, $0x9;
	[tilespmem:s14], [sflag:$0x1] =	stream.linear.gather [hbm4b:s18+s9], $0x80, $0x38;
	[tilespmem:$0x10A00] =	vst v63  }
0xc5: {  	(v2sf) =	vpush v1, $0x9;
	s6 =	rddreg [dreg:$0xf];
	s26 =	sadd.s32 s12, s21;
	s18 =	spop (v2sf)  }
0xc6: {  	[tilespmem:s6], [sflag:$0x1] =	stream.linear.gather [hbm4b:s26+s9], $0x80, $0x38;
	[tilespmem:$0x10A00] =	vst v63  }
0xc7: {  	s29 =	sand.u32 $0x1FFFFFF0, s25;
	s17 =	sand.u32 $0x1FFFFFF0, s2;
	s26 =	spop (v2sf)  }
0xc8: {  	s14 =	sadd.s32 s10, s29;
	s21 =	sadd.s32 s12, s17;
	s2 =	spop (v2sf)  }
0xc9: {  	(v2sf) =	vpush v2, $0xA;
	[tilespmem:s28], [sflag:$0x1] =	stream.linear.gather [hbm4b:s14+s9], $0x80, $0x38;
	[tilespmem:$0x10A00] =	vst v63  }
0xca: {  	s25 =	sand.u32 $0x1FFFFFF0, s18;
	s29 =	sand.u32 $0x1FFFFFF0, s26;
	s5 =	sand.u32 $0x1FFFFFF0, s2  }
0xcb: {  	(v2sf) =	vpush v1, $0xA;
	[tilespmem:s4], [sflag:$0x1] =	stream.linear.gather [hbm4b:s21+s9], $0x80, $0x38;
	[tilespmem:$0x10A00] =	vst v63  }
0xcc: {  	s28 =	sadd.s32 s10, s25;
	s14 =	sadd.s32 s10, s5;
	s21 =	rddreg [dreg:$0x10]  }
0xcd: {  	(v2sf) =	vpush v2, $0xB;
	[tilespmem:s11], [sflag:$0x1] =	stream.linear.gather [hbm4b:s28+s9], $0x80, $0x38;
	[tilespmem:$0x10A00] =	vst v63  }
0xce: {  	s4 =	sadd.s32 s12, s29;
	s6 =	spop (v2sf);
	s11 =	rddreg [dreg:$0x11]  }
0xcf: {  	[tilespmem:s11], [sflag:$0x1] =	stream.linear.gather [hbm4b:s4+s9], $0x80, $0x38;
	[tilespmem:$0x10A00] =	vst v63  }
0xd0: {  	s29 =	rddreg [dreg:$0xe];
	s17 =	sand.u32 $0x1FFFFFF0, s6;
	s18 =	spop (v2sf)  }
0xd1: {  	(v2sf) =	vpush v1, $0xB;
	s6 =	rddreg [dreg:$0xd];
	s25 =	sadd.s32 s12, s17;
	s26 =	sand.u32 $0x1FFFFFF0, s18  }
0xd2: {  	(v2sf) =	vpush v2, $0xC;
	[tilespmem:s21], [sflag:$0x1] =	stream.linear.gather [hbm4b:s14+s9], $0x80, $0x38;
	[tilespmem:$0x10A00] =	vst v63  }
0xd3: {  	s11 =	simm.s32 $0x0;
	s28 =	spop (v2sf);
	s3 =	sadd.s32 s10, s26  }
0xd4: {  	(v2sf) =	vpush v1, $0xC;
	s4 =	sand.u32 $0x1FFFFFF0, s28;
	s5 =	spop (v2sf);
	s21 =	rddreg [dreg:$0x9]  }
0xd5: {  	[tilespmem:s29], [sflag:$0x1] =	stream.linear.gather [hbm4b:s25+s9], $0x80, $0x38;
	[tilespmem:$0x10A00] =	vst v63  }
0xd6: {  	s14 =	sadd.s32 s12, s4;
	s17 =	sand.u32 $0x1FFFFFF0, s5;
	s5 =	rddreg [dreg:$0xa]  }
0xd7: {  	[tilespmem:s6], [sflag:$0x1] =	stream.linear.gather [hbm4b:s3+s11], $0x80, $0x38;
	[tilespmem:$0x10A00] =	vst v63  }
0xd8: {  	s9 =	rddreg [dreg:$0xc];
	s18 =	spop (v2sf);
	s25 =	sadd.s32 s10, s17  }
0xd9: {  	[tilespmem:s21], [sflag:$0x1] =	stream.linear.gather [hbm4b:s14+s11], $0x80, $0x38;
	[tilespmem:$0x10A00] =	vst v63  }
0xda: {  	s29 =	rddreg [dreg:$0xb];
	s26 =	sand.u32 $0x1FFFFFF0, s18;
	s28 =	spop (v2sf)  }
0xdb: {  	[tilespmem:s29], [sflag:$0x1] =	stream.linear.gather [hbm4b:s25+s11], $0x80, $0x38;
	[tilespmem:$0x10A00] =	vst v63  }
0xdc: {  	s1 =	sadd.s32 s12, s26;
	s2 =	sand.u32 $0x1FFFFFF0, s28;
	s4 =	spop (v2sf)  }
0xdd: {  	[tilespmem:s5], [sflag:$0x1] =	stream.linear.gather [hbm4b:s1+s11], $0x80, $0x38;
	[tilespmem:$0x10A00] =	vst v63  }
0xde: {  	s18 =	rddreg [dreg:$0x7];
	s6 =	sadd.s32 s10, s2;
	s14 =	sand.u32 $0x1FFFFFF0, s4  }
0xdf: {  	(v2sf) =	vpush v2, $0xD;
	[tilespmem:s18], [sflag:$0x1] =	stream.linear.gather [hbm4b:s6+s11], $0x80, $0x38;
	[tilespmem:$0x10A00] =	vst v63  }
.Ltmp0:
0xe0: {  	(v2sf) =	vpush v1, $0xD;
	s17 =	spop (v2sf);
	s21 =	sadd.s32 s12, s14;
	(pc) =	sbr.rel @p1 .LBB2_3-.Ltmp0, $4  }
0xe1: {  	(v2sf) =	vpush v2, $0xE;
	s25 =	sand.u32 $0x1FFFFFF0, s17;
	s29 =	rddreg [dreg:$0x8];
	s26 =	spop (v2sf)  }
0xe2: {  	(v2sf) =	vpush v1, $0xE;
	[tilespmem:s8], [sflag:$0x1] =	stream.linear.gather [hbm4b:s21+s11], $0x80, $0x38;
	[tilespmem:$0x10A00] =	vst v63  }
0xe3: {  	(v2sf) =	vpush v2, $0xF;
	s28 =	sadd.s32 s10, s25;
	s0 =	sand.u32 $0x1FFFFFF0, s26;
	s1 =	spop (v2sf)  }
0xe4: {  	(v2sf) =	vpush v1, $0xF;
	[tilespmem:s29], [sflag:$0x1] =	stream.linear.gather [hbm4b:s28+s11], $0x80, $0x38;
	[tilespmem:$0x10A00] =	vst v63  }
0xe5: {  	_ =	sdelay $0x4  }
0xe6: {  	s0 =	sadd.s32 s12, s0;
	s1 =	sand.u32 $0x1FFFFFF0, s1  }
0xe7: {  	[tilespmem:s24], [sflag:$0x1] =	stream.linear.gather [hbm4b:s0+s11], $0x80, $0x38;
	[tilespmem:$0x10A00] =	vst v63  }
0xe8: {  	s26 =	sadd.s32 s10, s1  }
0xe9: {  	[tilespmem:s7], [sflag:$0x1] =	stream.linear.gather [hbm4b:s26+s11], $0x80, $0x38;
	[tilespmem:$0x10A00] =	vst v63  }
0xea: {  	s2 =	spop (v2sf)  }
0xeb: {  	s20 =	sadd.s32 $0xB80, s15;
	s28 =	sand.u32 $0x1FFFFFF0, s2;
	s29 =	spop (v2sf)  }
0xec: {  	s3 =	sadd.s32 s12, s28;
	s4 =	sand.u32 $0x1FFFFFF0, s29;
	s5 =	spop (v2sf)  }
0xed: {  	[tilespmem:s13], [sflag:$0x1] =	stream.linear.gather [hbm4b:s3+s11], $0x80, $0x38;
	[tilespmem:$0x10A00] =	vst v63  }
0xee: {  	s6 =	sadd.s32 s10, s4;
	s7 =	sand.u32 $0x1FFFFFF0, s5;
	s8 =	spop (v2sf)  }
0xef: {  	[tilespmem:s9], [sflag:$0x1] =	stream.linear.gather [hbm4b:s6+s11], $0x80, $0x38;
	[tilespmem:$0x10A00] =	vst v63  }
0xf0: {  	s13 =	sadd.s32 s12, s7;
	s14 =	sand.u32 $0x1FFFFFF0, s8;
	s16 =	spop (v2sf)  }
0xf1: {  	[tilespmem:s23], [sflag:$0x1] =	stream.linear.gather [hbm4b:s13+s11], $0x80, $0x38;
	[tilespmem:$0x10A00] =	vst v63  }
0xf2: {  	s17 =	sadd.s32 s10, s14;
	s18 =	sand.u32 $0x1FFFFFF0, s16;
	s19 =	spop (v2sf)  }
0xf3: {  	[tilespmem:s22], [sflag:$0x1] =	stream.linear.gather [hbm4b:s17+s11], $0x80, $0x38;
	[tilespmem:$0x10A00] =	vst v63  }
0xf4: {  	s21 =	sadd.s32 $0x8B80, s15;
	s1 =	sadd.s32 s12, s18;
	s2 =	sand.u32 $0x1FFFFFF0, s19  }
0xf5: {  	[tilespmem:s20], [sflag:$0x1] =	stream.linear.gather [hbm4b:s1+s11], $0x80, $0x38;
	[tilespmem:$0x10A00] =	vst v63  }
0xf6: {  	s24 =	simm.s32 $0x1;
	s23 =	simm.s32 $0x0;
	s22 =	sadd.s32 s10, s2  }
0xf7: {  	[tilespmem:s21], [sflag:$0x1] =	stream.linear.gather [hbm4b:s22+s11], $0x80, $0x38;
	[tilespmem:$0x10A00] =	vst v63  }
0xf8: {  	v1 =	vmov s23;
	_ =	swait.ge [sflag:s24], $0x8000  }
0xf9: {  	v1 =	vshll.u32 v1, $0x7;
	[sflag:s24] =	ssyncset.done $0x0  }
0xfa: {  	v1 =	vor.u32 v0, v1;
	[sflag:s24] =	ssyncadd.s32 $0xFFFF8000  }
0xfb: {  	_ =	swait.ge [sflag:s24], $0x8000  }
0xfc: {  	[sflag:s24] =	ssyncset.done $0x0;
	s25 =	rddreg [dreg:$0x17]  }
0xfd: {  	v2 =	vor.u32 $0x1, v1;
	[sflag:s24] =	ssyncadd.s32 $0xFFFF8000;
	s26 =	sadd.s32 $0x10600, s25  }
0xfe: {  	v3 =	vld [tilespmem:s26+$0x0]  }
0xff: {  	v4 =	vor.u32 $0x2, v1;
	v5 =	vld.idx.msk [tilespmem:v1+s30+$0x0], $0xffff  }
0x100: {  	s16 =	sadd.s32 $0x10400, s25;
	v6 =	vld.idx.msk [tilespmem:v1+s31+$0x0], $0xffff  }
0x101: {  	v7 =	vor.u32 $0x3, v1;
	v8 =	vld [tilespmem:s16+$0x0]  }
0x102: {  	v9 =	vld.idx.msk [tilespmem:v2+s30+$0x0], $0xffff  }
0x103: {  	v10 =	vor.u32 $0x4, v1;
	v2 =	vld.idx.msk [tilespmem:v2+s31+$0x0], $0xffff  }
0x104: {  	v11 =	vld.idx.msk [tilespmem:v4+s30+$0x0], $0xffff  }
0x105: {  	v12 =	vor.u32 $0x5, v1;
	v4 =	vld.idx.msk [tilespmem:v4+s31+$0x0], $0xffff  }
0x106: {  	v13 =	vld.idx.msk [tilespmem:v7+s30+$0x0], $0xffff;
	v3 =	vadd.f32 v3, v8;
	v5 =	vmul.f32 v6, v5  }
0x107: {  	v6 =	vld.idx.msk [tilespmem:v7+s31+$0x0], $0xffff;
	v7 =	vor.u32 $0x6, v1  }
0x108: {  	v56 =	vld.idx.msk [tilespmem:v10+s30+$0x0], $0xffff;
	v2 =	vmul.f32 v2, v9;
	v3 =	vadd.f32 v5, v3  }
0x109: {  	v57 =	vor.u32 $0x7, v1;
	v5 =	vld.idx.msk [tilespmem:v10+s31+$0x0], $0xffff  }
0x10a: {  	v58 =	vld.idx.msk [tilespmem:v12+s30+$0x0], $0xffff;
	v2 =	vadd.f32 v2, v3;
	v3 =	vmul.f32 v4, v11  }
0x10b: {  	v59 =	vor.u32 $0x8, v1;
	v4 =	vld.idx.msk [tilespmem:v12+s31+$0x0], $0xffff  }
0x10c: {  	v60 =	vld.idx.msk [tilespmem:v7+s30+$0x0], $0xffff;
	v2 =	vadd.f32 v3, v2;
	v3 =	vmul.f32 v6, v13  }
0x10d: {  	v6 =	vld.idx.msk [tilespmem:v7+s31+$0x0], $0xffff;
	v7 =	vor.u32 $0x9, v1  }
0x10e: {  	v61 =	vld.idx.msk [tilespmem:v57+s30+$0x0], $0xffff;
	v2 =	vadd.f32 v3, v2;
	v3 =	vmul.f32 v5, v56  }
0x10f: {  	v62 =	vor.u32 $0xA, v1;
	v5 =	vld.idx.msk [tilespmem:v57+s31+$0x0], $0xffff  }
0x110: {  	v63 =	vld.idx.msk [tilespmem:v59+s30+$0x0], $0xffff;
	v2 =	vadd.f32 v3, v2;
	v3 =	vmul.f32 v4, v58  }
0x111: {  	v16 =	vor.u32 $0xB, v1;
	v4 =	vld.idx.msk [tilespmem:v59+s31+$0x0], $0xffff  }
0x112: {  	v17 =	vld.idx.msk [tilespmem:v7+s30+$0x0], $0xffff;
	v2 =	vadd.f32 v3, v2;
	v3 =	vmul.f32 v6, v60  }
0x113: {  	v6 =	vld.idx.msk [tilespmem:v7+s31+$0x0], $0xffff;
	v7 =	vor.u32 $0xC, v1  }
0x114: {  	v18 =	vld.idx.msk [tilespmem:v62+s30+$0x0], $0xffff;
	v2 =	vadd.f32 v3, v2;
	v3 =	vmul.f32 v5, v61  }
0x115: {  	v19 =	vor.u32 $0xD, v1;
	v5 =	vld.idx.msk [tilespmem:v62+s31+$0x0], $0xffff  }
0x116: {  	v20 =	vld.idx.msk [tilespmem:v16+s30+$0x0], $0xffff;
	v2 =	vadd.f32 v3, v2;
	v3 =	vmul.f32 v4, v63  }
0x117: {  	v21 =	vor.u32 $0xE, v1;
	v4 =	vld.idx.msk [tilespmem:v16+s31+$0x0], $0xffff  }
0x118: {  	v22 =	vld.idx.msk [tilespmem:v7+s30+$0x0], $0xffff;
	v2 =	vadd.f32 v3, v2;
	v3 =	vmul.f32 v6, v17  }
0x119: {  	v6 =	vld.idx.msk [tilespmem:v7+s31+$0x0], $0xffff;
	v7 =	vor.u32 $0xF, v1  }
0x11a: {  	v23 =	vld.idx.msk [tilespmem:v19+s30+$0x0], $0xffff;
	v2 =	vadd.f32 v3, v2;
	v3 =	vmul.f32 v5, v18  }
0x11b: {  	v24 =	vor.u32 $0x10, v1;
	v5 =	vld.idx.msk [tilespmem:v19+s31+$0x0], $0xffff  }
0x11c: {  	v25 =	vld.idx.msk [tilespmem:v21+s30+$0x0], $0xffff;
	v2 =	vadd.f32 v3, v2;
	v3 =	vmul.f32 v4, v20  }
0x11d: {  	v26 =	vor.u32 $0x11, v1;
	v4 =	vld.idx.msk [tilespmem:v21+s31+$0x0], $0xffff  }
0x11e: {  	v27 =	vld.idx.msk [tilespmem:v7+s30+$0x0], $0xffff;
	v2 =	vadd.f32 v3, v2;
	v3 =	vmul.f32 v6, v22  }
0x11f: {  	v6 =	vld.idx.msk [tilespmem:v7+s31+$0x0], $0xffff;
	v7 =	vor.u32 $0x12, v1  }
0x120: {  	v28 =	vld.idx.msk [tilespmem:v24+s30+$0x0], $0xffff;
	v2 =	vadd.f32 v3, v2;
	v3 =	vmul.f32 v5, v23  }
0x121: {  	v29 =	vor.u32 $0x13, v1;
	v5 =	vld.idx.msk [tilespmem:v24+s31+$0x0], $0xffff  }
0x122: {  	v30 =	vld.idx.msk [tilespmem:v26+s30+$0x0], $0xffff;
	v2 =	vadd.f32 v3, v2;
	v3 =	vmul.f32 v4, v25  }
0x123: {  	v31 =	vor.u32 $0x14, v1;
	v4 =	vld.idx.msk [tilespmem:v26+s31+$0x0], $0xffff  }
0x124: {  	v32 =	vld.idx.msk [tilespmem:v7+s30+$0x0], $0xffff;
	v2 =	vadd.f32 v3, v2;
	v3 =	vmul.f32 v6, v27  }
0x125: {  	v6 =	vld.idx.msk [tilespmem:v7+s31+$0x0], $0xffff;
	v7 =	vor.u32 $0x15, v1  }
0x126: {  	v33 =	vld.idx.msk [tilespmem:v29+s30+$0x0], $0xffff;
	v2 =	vadd.f32 v3, v2;
	v3 =	vmul.f32 v5, v28  }
0x127: {  	v34 =	vor.u32 $0x16, v1;
	v5 =	vld.idx.msk [tilespmem:v29+s31+$0x0], $0xffff  }
0x128: {  	v35 =	vld.idx.msk [tilespmem:v31+s30+$0x0], $0xffff;
	v2 =	vadd.f32 v3, v2;
	v3 =	vmul.f32 v4, v30  }
0x129: {  	v36 =	vor.u32 $0x17, v1;
	v4 =	vld.idx.msk [tilespmem:v31+s31+$0x0], $0xffff  }
0x12a: {  	v37 =	vld.idx.msk [tilespmem:v7+s30+$0x0], $0xffff;
	v2 =	vadd.f32 v3, v2;
	v3 =	vmul.f32 v6, v32  }
0x12b: {  	v6 =	vld.idx.msk [tilespmem:v7+s31+$0x0], $0xffff;
	v7 =	vor.u32 $0x18, v1  }
0x12c: {  	v38 =	vld.idx.msk [tilespmem:v34+s30+$0x0], $0xffff;
	v2 =	vadd.f32 v3, v2;
	v3 =	vmul.f32 v5, v33  }
0x12d: {  	v39 =	vor.u32 $0x19, v1;
	v5 =	vld.idx.msk [tilespmem:v34+s31+$0x0], $0xffff  }
0x12e: {  	v40 =	vld.idx.msk [tilespmem:v36+s30+$0x0], $0xffff;
	v2 =	vadd.f32 v3, v2;
	v3 =	vmul.f32 v4, v35  }
0x12f: {  	v41 =	vor.u32 $0x1A, v1;
	v4 =	vld.idx.msk [tilespmem:v36+s31+$0x0], $0xffff  }
0x130: {  	v42 =	vld.idx.msk [tilespmem:v7+s30+$0x0], $0xffff;
	v2 =	vadd.f32 v3, v2;
	v3 =	vmul.f32 v6, v37  }
0x131: {  	v6 =	vld.idx.msk [tilespmem:v7+s31+$0x0], $0xffff;
	v7 =	vor.u32 $0x1B, v1  }
0x132: {  	v43 =	vld.idx.msk [tilespmem:v39+s30+$0x0], $0xffff;
	v2 =	vadd.f32 v3, v2;
	v3 =	vmul.f32 v5, v38  }
0x133: {  	v44 =	vor.u32 $0x1C, v1;
	v5 =	vld.idx.msk [tilespmem:v39+s31+$0x0], $0xffff  }
0x134: {  	v45 =	vld.idx.msk [tilespmem:v41+s30+$0x0], $0xffff;
	v2 =	vadd.f32 v3, v2;
	v3 =	vmul.f32 v4, v40  }
0x135: {  	v46 =	vor.u32 $0x1D, v1;
	v4 =	vld.idx.msk [tilespmem:v41+s31+$0x0], $0xffff  }
0x136: {  	v47 =	vld.idx.msk [tilespmem:v7+s30+$0x0], $0xffff;
	v2 =	vadd.f32 v3, v2;
	v3 =	vmul.f32 v6, v42  }
0x137: {  	v6 =	vld.idx.msk [tilespmem:v7+s31+$0x0], $0xffff;
	v7 =	vor.u32 $0x1E, v1  }
0x138: {  	v48 =	vld.idx.msk [tilespmem:v44+s30+$0x0], $0xffff;
	v2 =	vadd.f32 v3, v2;
	v3 =	vmul.f32 v5, v43  }
0x139: {  	v49 =	vor.u32 $0x1F, v1;
	v5 =	vld.idx.msk [tilespmem:v44+s31+$0x0], $0xffff  }
0x13a: {  	v50 =	vld.idx.msk [tilespmem:v46+s30+$0x0], $0xffff;
	v2 =	vadd.f32 v3, v2;
	v3 =	vmul.f32 v4, v45  }
0x13b: {  	v51 =	vor.u32 $0x20, v1;
	v4 =	vld.idx.msk [tilespmem:v46+s31+$0x0], $0xffff  }
0x13c: {  	v52 =	vld.idx.msk [tilespmem:v7+s30+$0x0], $0xffff;
	v2 =	vadd.f32 v3, v2;
	v3 =	vmul.f32 v6, v47  }
0x13d: {  	v6 =	vld.idx.msk [tilespmem:v7+s31+$0x0], $0xffff;
	v7 =	vor.u32 $0x21, v1  }
0x13e: {  	v53 =	vld.idx.msk [tilespmem:v49+s30+$0x0], $0xffff;
	v2 =	vadd.f32 v3, v2;
	v3 =	vmul.f32 v5, v48  }
0x13f: {  	v54 =	vor.u32 $0x22, v1;
	v5 =	vld.idx.msk [tilespmem:v49+s31+$0x0], $0xffff  }
0x140: {  	v55 =	vld.idx.msk [tilespmem:v51+s30+$0x0], $0xffff;
	v2 =	vadd.f32 v3, v2;
	v3 =	vmul.f32 v4, v50  }
0x141: {  	v56 =	vor.u32 $0x23, v1;
	v4 =	vld.idx.msk [tilespmem:v51+s31+$0x0], $0xffff  }
0x142: {  	v57 =	vld.idx.msk [tilespmem:v7+s30+$0x0], $0xffff;
	v2 =	vadd.f32 v3, v2;
	v3 =	vmul.f32 v6, v52  }
0x143: {  	v6 =	vld.idx.msk [tilespmem:v7+s31+$0x0], $0xffff;
	v7 =	vor.u32 $0x24, v1  }
0x144: {  	v58 =	vld.idx.msk [tilespmem:v54+s30+$0x0], $0xffff;
	v2 =	vadd.f32 v3, v2;
	v3 =	vmul.f32 v5, v53  }
0x145: {  	v59 =	vor.u32 $0x25, v1;
	v5 =	vld.idx.msk [tilespmem:v54+s31+$0x0], $0xffff  }
0x146: {  	v60 =	vld.idx.msk [tilespmem:v56+s30+$0x0], $0xffff;
	v2 =	vadd.f32 v3, v2;
	v3 =	vmul.f32 v4, v55  }
0x147: {  	v61 =	vor.u32 $0x26, v1;
	v4 =	vld.idx.msk [tilespmem:v56+s31+$0x0], $0xffff  }
0x148: {  	v62 =	vld.idx.msk [tilespmem:v7+s30+$0x0], $0xffff;
	v2 =	vadd.f32 v3, v2;
	v3 =	vmul.f32 v6, v57  }
0x149: {  	v6 =	vld.idx.msk [tilespmem:v7+s31+$0x0], $0xffff;
	v7 =	vor.u32 $0x27, v1  }
0x14a: {  	v63 =	vld.idx.msk [tilespmem:v59+s30+$0x0], $0xffff;
	v2 =	vadd.f32 v3, v2;
	v3 =	vmul.f32 v5, v58  }
0x14b: {  	v16 =	vor.u32 $0x28, v1;
	v5 =	vld.idx.msk [tilespmem:v59+s31+$0x0], $0xffff  }
0x14c: {  	v17 =	vld.idx.msk [tilespmem:v61+s30+$0x0], $0xffff;
	v2 =	vadd.f32 v3, v2;
	v3 =	vmul.f32 v4, v60  }
0x14d: {  	v18 =	vor.u32 $0x29, v1;
	v4 =	vld.idx.msk [tilespmem:v61+s31+$0x0], $0xffff  }
0x14e: {  	v19 =	vld.idx.msk [tilespmem:v7+s30+$0x0], $0xffff;
	v2 =	vadd.f32 v3, v2;
	v3 =	vmul.f32 v6, v62  }
0x14f: {  	v6 =	vld.idx.msk [tilespmem:v7+s31+$0x0], $0xffff;
	v7 =	vor.u32 $0x2A, v1  }
0x150: {  	v20 =	vld.idx.msk [tilespmem:v16+s30+$0x0], $0xffff;
	v2 =	vadd.f32 v3, v2;
	v3 =	vmul.f32 v5, v63  }
0x151: {  	v21 =	vor.u32 $0x2B, v1;
	v5 =	vld.idx.msk [tilespmem:v16+s31+$0x0], $0xffff  }
0x152: {  	v22 =	vld.idx.msk [tilespmem:v18+s30+$0x0], $0xffff;
	v2 =	vadd.f32 v3, v2;
	v3 =	vmul.f32 v4, v17  }
0x153: {  	v23 =	vor.u32 $0x2C, v1;
	v4 =	vld.idx.msk [tilespmem:v18+s31+$0x0], $0xffff  }
0x154: {  	v24 =	vld.idx.msk [tilespmem:v7+s30+$0x0], $0xffff;
	v2 =	vadd.f32 v3, v2;
	v3 =	vmul.f32 v6, v19  }
0x155: {  	v6 =	vld.idx.msk [tilespmem:v7+s31+$0x0], $0xffff;
	v7 =	vor.u32 $0x2D, v1  }
0x156: {  	v25 =	vld.idx.msk [tilespmem:v21+s30+$0x0], $0xffff;
	v2 =	vadd.f32 v3, v2;
	v3 =	vmul.f32 v5, v20  }
0x157: {  	v26 =	vor.u32 $0x2E, v1;
	v5 =	vld.idx.msk [tilespmem:v21+s31+$0x0], $0xffff  }
0x158: {  	v27 =	vld.idx.msk [tilespmem:v23+s30+$0x0], $0xffff;
	v2 =	vadd.f32 v3, v2;
	v3 =	vmul.f32 v4, v22  }
0x159: {  	v28 =	vor.u32 $0x2F, v1;
	v4 =	vld.idx.msk [tilespmem:v23+s31+$0x0], $0xffff  }
0x15a: {  	v29 =	vld.idx.msk [tilespmem:v7+s30+$0x0], $0xffff;
	v2 =	vadd.f32 v3, v2;
	v3 =	vmul.f32 v6, v24  }
0x15b: {  	v6 =	vld.idx.msk [tilespmem:v7+s31+$0x0], $0xffff;
	v7 =	vor.u32 $0x30, v1  }
0x15c: {  	v30 =	vld.idx.msk [tilespmem:v26+s30+$0x0], $0xffff;
	v2 =	vadd.f32 v3, v2;
	v3 =	vmul.f32 v5, v25  }
0x15d: {  	v31 =	vor.u32 $0x31, v1;
	v5 =	vld.idx.msk [tilespmem:v26+s31+$0x0], $0xffff  }
0x15e: {  	v32 =	vld.idx.msk [tilespmem:v28+s30+$0x0], $0xffff;
	v2 =	vadd.f32 v3, v2;
	v3 =	vmul.f32 v4, v27  }
0x15f: {  	v33 =	vor.u32 $0x32, v1;
	v4 =	vld.idx.msk [tilespmem:v28+s31+$0x0], $0xffff  }
0x160: {  	v34 =	vld.idx.msk [tilespmem:v7+s30+$0x0], $0xffff;
	v2 =	vadd.f32 v3, v2;
	v3 =	vmul.f32 v6, v29  }
0x161: {  	v6 =	vld.idx.msk [tilespmem:v7+s31+$0x0], $0xffff;
	v7 =	vor.u32 $0x33, v1  }
0x162: {  	v35 =	vld.idx.msk [tilespmem:v31+s30+$0x0], $0xffff;
	v2 =	vadd.f32 v3, v2;
	v3 =	vmul.f32 v5, v30  }
0x163: {  	v36 =	vor.u32 $0x34, v1;
	v5 =	vld.idx.msk [tilespmem:v31+s31+$0x0], $0xffff  }
0x164: {  	v37 =	vld.idx.msk [tilespmem:v33+s30+$0x0], $0xffff;
	v2 =	vadd.f32 v3, v2;
	v3 =	vmul.f32 v4, v32  }
0x165: {  	v38 =	vor.u32 $0x35, v1;
	v4 =	vld.idx.msk [tilespmem:v33+s31+$0x0], $0xffff  }
0x166: {  	v39 =	vld.idx.msk [tilespmem:v7+s30+$0x0], $0xffff;
	v2 =	vadd.f32 v3, v2;
	v3 =	vmul.f32 v6, v34  }
0x167: {  	v6 =	vld.idx.msk [tilespmem:v7+s31+$0x0], $0xffff;
	v7 =	vor.u32 $0x36, v1  }
0x168: {  	v40 =	vld.idx.msk [tilespmem:v36+s30+$0x0], $0xffff;
	v2 =	vadd.f32 v3, v2;
	v3 =	vmul.f32 v5, v35  }
0x169: {  	v41 =	vor.u32 $0x37, v1;
	v5 =	vld.idx.msk [tilespmem:v36+s31+$0x0], $0xffff  }
0x16a: {  	v42 =	vld.idx.msk [tilespmem:v38+s30+$0x0], $0xffff;
	v2 =	vadd.f32 v3, v2;
	v3 =	vmul.f32 v4, v37  }
0x16b: {  	v43 =	vor.u32 $0x38, v1;
	v4 =	vld.idx.msk [tilespmem:v38+s31+$0x0], $0xffff  }
0x16c: {  	v44 =	vld.idx.msk [tilespmem:v7+s30+$0x0], $0xffff;
	v2 =	vadd.f32 v3, v2;
	v3 =	vmul.f32 v6, v39  }
0x16d: {  	v6 =	vld.idx.msk [tilespmem:v7+s31+$0x0], $0xffff;
	v7 =	vor.u32 $0x39, v1  }
0x16e: {  	v45 =	vld.idx.msk [tilespmem:v41+s30+$0x0], $0xffff;
	v2 =	vadd.f32 v3, v2;
	v3 =	vmul.f32 v5, v40  }
0x16f: {  	v46 =	vor.u32 $0x3A, v1;
	v5 =	vld.idx.msk [tilespmem:v41+s31+$0x0], $0xffff  }
0x170: {  	v47 =	vld.idx.msk [tilespmem:v43+s30+$0x0], $0xffff;
	v2 =	vadd.f32 v3, v2;
	v3 =	vmul.f32 v4, v42  }
0x171: {  	v48 =	vor.u32 $0x3B, v1;
	v4 =	vld.idx.msk [tilespmem:v43+s31+$0x0], $0xffff  }
0x172: {  	v49 =	vld.idx.msk [tilespmem:v7+s30+$0x0], $0xffff;
	v2 =	vadd.f32 v3, v2;
	v3 =	vmul.f32 v6, v44  }
0x173: {  	v6 =	vld.idx.msk [tilespmem:v7+s31+$0x0], $0xffff;
	v7 =	vor.u32 $0x3C, v1  }
0x174: {  	v50 =	vld.idx.msk [tilespmem:v46+s30+$0x0], $0xffff;
	v2 =	vadd.f32 v3, v2;
	v3 =	vmul.f32 v5, v45  }
0x175: {  	v51 =	vor.u32 $0x3D, v1;
	v5 =	vld.idx.msk [tilespmem:v46+s31+$0x0], $0xffff  }
0x176: {  	v52 =	vld.idx.msk [tilespmem:v48+s30+$0x0], $0xffff;
	v2 =	vadd.f32 v3, v2;
	v3 =	vmul.f32 v4, v47  }
0x177: {  	v53 =	vor.u32 $0x3E, v1;
	v4 =	vld.idx.msk [tilespmem:v48+s31+$0x0], $0xffff  }
0x178: {  	v54 =	vld.idx.msk [tilespmem:v7+s30+$0x0], $0xffff;
	v2 =	vadd.f32 v3, v2;
	v3 =	vmul.f32 v6, v49  }
0x179: {  	v1 =	vor.u32 $0x3F, v1;
	v6 =	vld.idx.msk [tilespmem:v7+s31+$0x0], $0xffff  }
0x17a: {  	v7 =	vld.idx.msk [tilespmem:v51+s30+$0x0], $0xffff;
	v2 =	vadd.f32 v3, v2;
	v3 =	vmul.f32 v5, v50  }
0x17b: {  	v5 =	vld.idx.msk [tilespmem:v51+s31+$0x0], $0xffff  }
0x17c: {  	v55 =	vld.idx.msk [tilespmem:v53+s30+$0x0], $0xffff;
	v2 =	vadd.f32 v3, v2;
	v3 =	vmul.f32 v4, v52  }
0x17d: {  	v4 =	vld.idx.msk [tilespmem:v53+s31+$0x0], $0xffff  }
0x17e: {  	v56 =	vld.idx.msk [tilespmem:v1+s30+$0x0], $0xffff;
	v2 =	vadd.f32 v3, v2;
	v3 =	vmul.f32 v6, v54  }
0x17f: {  	v1 =	vld.idx.msk [tilespmem:v1+s31+$0x0], $0xffff  }
0x180: {  	v2 =	vadd.f32 v3, v2;
	v3 =	vmul.f32 v5, v7;
	_ =	sdelay $0x1  }
0x181: {  	s28 =	simm.s32 $0x10;
	v2 =	vadd.f32 v3, v2;
	v3 =	vmul.f32 v4, v55  }
0x182: {  	v4 =	vmov s28  }
0x183: {  	v4 =	vshll.u32 v4, $0x7;
	v2 =	vadd.f32 v3, v2;
	v3 =	vmul.f32 v1, v56  }
0x184: {  	v1 =	vor.u32 v0, v4  }
0x185: {  	v2 =	vadd.f32 v3, v2  }
0x186: {  	s14 =	sadd.s32 $0x10800, s25  }
0x187: {  	s15 =	sadd.s32 $0x10, s26;
	v3 =	vor.u32 $0x1, v1;
	[tilespmem:s14+$0x0] =	vst v2  }
0x188: {  	v2 =	vld [tilespmem:s15+$0x0]  }
0x189: {  	v4 =	vor.u32 $0x2, v1;
	v5 =	vld.idx.msk [tilespmem:v1+s30+$0x0], $0xffff  }
0x18a: {  	s16 =	sadd.s32 $0x10, s16;
	v6 =	vld.idx.msk [tilespmem:v1+s31+$0x0], $0xffff  }
0x18b: {  	v7 =	vor.u32 $0x3, v1;
	v57 =	vld [tilespmem:s16+$0x0]  }
0x18c: {  	v58 =	vld.idx.msk [tilespmem:v3+s30+$0x0], $0xffff  }
0x18d: {  	v59 =	vor.u32 $0x4, v1;
	v3 =	vld.idx.msk [tilespmem:v3+s31+$0x0], $0xffff  }
0x18e: {  	v60 =	vld.idx.msk [tilespmem:v4+s30+$0x0], $0xffff  }
0x18f: {  	v61 =	vor.u32 $0x5, v1;
	v4 =	vld.idx.msk [tilespmem:v4+s31+$0x0], $0xffff  }
0x190: {  	v62 =	vld.idx.msk [tilespmem:v7+s30+$0x0], $0xffff;
	v2 =	vadd.f32 v2, v57;
	v5 =	vmul.f32 v6, v5  }
0x191: {  	v6 =	vld.idx.msk [tilespmem:v7+s31+$0x0], $0xffff;
	v7 =	vor.u32 $0x6, v1  }
0x192: {  	v63 =	vld.idx.msk [tilespmem:v59+s30+$0x0], $0xffff;
	v2 =	vadd.f32 v5, v2;
	v3 =	vmul.f32 v3, v58  }
0x193: {  	v16 =	vor.u32 $0x7, v1;
	v5 =	vld.idx.msk [tilespmem:v59+s31+$0x0], $0xffff  }
0x194: {  	v17 =	vld.idx.msk [tilespmem:v61+s30+$0x0], $0xffff;
	v2 =	vadd.f32 v3, v2;
	v3 =	vmul.f32 v4, v60  }
0x195: {  	v18 =	vor.u32 $0x8, v1;
	v4 =	vld.idx.msk [tilespmem:v61+s31+$0x0], $0xffff  }
0x196: {  	v19 =	vld.idx.msk [tilespmem:v7+s30+$0x0], $0xffff;
	v2 =	vadd.f32 v3, v2;
	v3 =	vmul.f32 v6, v62  }
0x197: {  	v6 =	vld.idx.msk [tilespmem:v7+s31+$0x0], $0xffff;
	v7 =	vor.u32 $0x9, v1  }
0x198: {  	v20 =	vld.idx.msk [tilespmem:v16+s30+$0x0], $0xffff;
	v2 =	vadd.f32 v3, v2;
	v3 =	vmul.f32 v5, v63  }
0x199: {  	v21 =	vor.u32 $0xA, v1;
	v5 =	vld.idx.msk [tilespmem:v16+s31+$0x0], $0xffff  }
0x19a: {  	v22 =	vld.idx.msk [tilespmem:v18+s30+$0x0], $0xffff;
	v2 =	vadd.f32 v3, v2;
	v3 =	vmul.f32 v4, v17  }
0x19b: {  	v23 =	vor.u32 $0xB, v1;
	v4 =	vld.idx.msk [tilespmem:v18+s31+$0x0], $0xffff  }
0x19c: {  	v24 =	vld.idx.msk [tilespmem:v7+s30+$0x0], $0xffff;
	v2 =	vadd.f32 v3, v2;
	v3 =	vmul.f32 v6, v19  }
0x19d: {  	v6 =	vld.idx.msk [tilespmem:v7+s31+$0x0], $0xffff;
	v7 =	vor.u32 $0xC, v1  }
0x19e: {  	v25 =	vld.idx.msk [tilespmem:v21+s30+$0x0], $0xffff;
	v2 =	vadd.f32 v3, v2;
	v3 =	vmul.f32 v5, v20  }
0x19f: {  	v26 =	vor.u32 $0xD, v1;
	v5 =	vld.idx.msk [tilespmem:v21+s31+$0x0], $0xffff  }
0x1a0: {  	v27 =	vld.idx.msk [tilespmem:v23+s30+$0x0], $0xffff;
	v2 =	vadd.f32 v3, v2;
	v3 =	vmul.f32 v4, v22  }
0x1a1: {  	v28 =	vor.u32 $0xE, v1;
	v4 =	vld.idx.msk [tilespmem:v23+s31+$0x0], $0xffff  }
0x1a2: {  	v29 =	vld.idx.msk [tilespmem:v7+s30+$0x0], $0xffff;
	v2 =	vadd.f32 v3, v2;
	v3 =	vmul.f32 v6, v24  }
0x1a3: {  	v6 =	vld.idx.msk [tilespmem:v7+s31+$0x0], $0xffff;
	v7 =	vor.u32 $0xF, v1  }
0x1a4: {  	v30 =	vld.idx.msk [tilespmem:v26+s30+$0x0], $0xffff;
	v2 =	vadd.f32 v3, v2;
	v3 =	vmul.f32 v5, v25  }
0x1a5: {  	v31 =	vor.u32 $0x10, v1;
	v5 =	vld.idx.msk [tilespmem:v26+s31+$0x0], $0xffff  }
0x1a6: {  	v32 =	vld.idx.msk [tilespmem:v28+s30+$0x0], $0xffff;
	v2 =	vadd.f32 v3, v2;
	v3 =	vmul.f32 v4, v27  }
0x1a7: {  	v33 =	vor.u32 $0x11, v1;
	v4 =	vld.idx.msk [tilespmem:v28+s31+$0x0], $0xffff  }
0x1a8: {  	v34 =	vld.idx.msk [tilespmem:v7+s30+$0x0], $0xffff;
	v2 =	vadd.f32 v3, v2;
	v3 =	vmul.f32 v6, v29  }
0x1a9: {  	v6 =	vld.idx.msk [tilespmem:v7+s31+$0x0], $0xffff;
	v7 =	vor.u32 $0x12, v1  }
0x1aa: {  	v35 =	vld.idx.msk [tilespmem:v31+s30+$0x0], $0xffff;
	v2 =	vadd.f32 v3, v2;
	v3 =	vmul.f32 v5, v30  }
0x1ab: {  	v36 =	vor.u32 $0x13, v1;
	v5 =	vld.idx.msk [tilespmem:v31+s31+$0x0], $0xffff  }
0x1ac: {  	v37 =	vld.idx.msk [tilespmem:v33+s30+$0x0], $0xffff;
	v2 =	vadd.f32 v3, v2;
	v3 =	vmul.f32 v4, v32  }
0x1ad: {  	v38 =	vor.u32 $0x14, v1;
	v4 =	vld.idx.msk [tilespmem:v33+s31+$0x0], $0xffff  }
0x1ae: {  	v39 =	vld.idx.msk [tilespmem:v7+s30+$0x0], $0xffff;
	v2 =	vadd.f32 v3, v2;
	v3 =	vmul.f32 v6, v34  }
0x1af: {  	v6 =	vld.idx.msk [tilespmem:v7+s31+$0x0], $0xffff;
	v7 =	vor.u32 $0x15, v1  }
0x1b0: {  	v40 =	vld.idx.msk [tilespmem:v36+s30+$0x0], $0xffff;
	v2 =	vadd.f32 v3, v2;
	v3 =	vmul.f32 v5, v35  }
0x1b1: {  	v41 =	vor.u32 $0x16, v1;
	v5 =	vld.idx.msk [tilespmem:v36+s31+$0x0], $0xffff  }
0x1b2: {  	v42 =	vld.idx.msk [tilespmem:v38+s30+$0x0], $0xffff;
	v2 =	vadd.f32 v3, v2;
	v3 =	vmul.f32 v4, v37  }
0x1b3: {  	v43 =	vor.u32 $0x17, v1;
	v4 =	vld.idx.msk [tilespmem:v38+s31+$0x0], $0xffff  }
0x1b4: {  	v44 =	vld.idx.msk [tilespmem:v7+s30+$0x0], $0xffff;
	v2 =	vadd.f32 v3, v2;
	v3 =	vmul.f32 v6, v39  }
0x1b5: {  	v6 =	vld.idx.msk [tilespmem:v7+s31+$0x0], $0xffff;
	v7 =	vor.u32 $0x18, v1  }
0x1b6: {  	v45 =	vld.idx.msk [tilespmem:v41+s30+$0x0], $0xffff;
	v2 =	vadd.f32 v3, v2;
	v3 =	vmul.f32 v5, v40  }
0x1b7: {  	v46 =	vor.u32 $0x19, v1;
	v5 =	vld.idx.msk [tilespmem:v41+s31+$0x0], $0xffff  }
0x1b8: {  	v47 =	vld.idx.msk [tilespmem:v43+s30+$0x0], $0xffff;
	v2 =	vadd.f32 v3, v2;
	v3 =	vmul.f32 v4, v42  }
0x1b9: {  	v48 =	vor.u32 $0x1A, v1;
	v4 =	vld.idx.msk [tilespmem:v43+s31+$0x0], $0xffff  }
0x1ba: {  	v49 =	vld.idx.msk [tilespmem:v7+s30+$0x0], $0xffff;
	v2 =	vadd.f32 v3, v2;
	v3 =	vmul.f32 v6, v44  }
0x1bb: {  	v6 =	vld.idx.msk [tilespmem:v7+s31+$0x0], $0xffff;
	v7 =	vor.u32 $0x1B, v1  }
0x1bc: {  	v50 =	vld.idx.msk [tilespmem:v46+s30+$0x0], $0xffff;
	v2 =	vadd.f32 v3, v2;
	v3 =	vmul.f32 v5, v45  }
0x1bd: {  	v51 =	vor.u32 $0x1C, v1;
	v5 =	vld.idx.msk [tilespmem:v46+s31+$0x0], $0xffff  }
0x1be: {  	v52 =	vld.idx.msk [tilespmem:v48+s30+$0x0], $0xffff;
	v2 =	vadd.f32 v3, v2;
	v3 =	vmul.f32 v4, v47  }
0x1bf: {  	v53 =	vor.u32 $0x1D, v1;
	v4 =	vld.idx.msk [tilespmem:v48+s31+$0x0], $0xffff  }
0x1c0: {  	v54 =	vld.idx.msk [tilespmem:v7+s30+$0x0], $0xffff;
	v2 =	vadd.f32 v3, v2;
	v3 =	vmul.f32 v6, v49  }
0x1c1: {  	v6 =	vld.idx.msk [tilespmem:v7+s31+$0x0], $0xffff;
	v7 =	vor.u32 $0x1E, v1  }
0x1c2: {  	v55 =	vld.idx.msk [tilespmem:v51+s30+$0x0], $0xffff;
	v2 =	vadd.f32 v3, v2;
	v3 =	vmul.f32 v5, v50  }
0x1c3: {  	v56 =	vor.u32 $0x1F, v1;
	v5 =	vld.idx.msk [tilespmem:v51+s31+$0x0], $0xffff  }
0x1c4: {  	v57 =	vld.idx.msk [tilespmem:v53+s30+$0x0], $0xffff;
	v2 =	vadd.f32 v3, v2;
	v3 =	vmul.f32 v4, v52  }
0x1c5: {  	v58 =	vor.u32 $0x20, v1;
	v4 =	vld.idx.msk [tilespmem:v53+s31+$0x0], $0xffff  }
0x1c6: {  	v59 =	vld.idx.msk [tilespmem:v7+s30+$0x0], $0xffff;
	v2 =	vadd.f32 v3, v2;
	v3 =	vmul.f32 v6, v54  }
0x1c7: {  	v6 =	vld.idx.msk [tilespmem:v7+s31+$0x0], $0xffff;
	v7 =	vor.u32 $0x21, v1  }
0x1c8: {  	v60 =	vld.idx.msk [tilespmem:v56+s30+$0x0], $0xffff;
	v2 =	vadd.f32 v3, v2;
	v3 =	vmul.f32 v5, v55  }
0x1c9: {  	v61 =	vor.u32 $0x22, v1;
	v5 =	vld.idx.msk [tilespmem:v56+s31+$0x0], $0xffff  }
0x1ca: {  	v62 =	vld.idx.msk [tilespmem:v58+s30+$0x0], $0xffff;
	v2 =	vadd.f32 v3, v2;
	v3 =	vmul.f32 v4, v57  }
0x1cb: {  	v63 =	vor.u32 $0x23, v1;
	v4 =	vld.idx.msk [tilespmem:v58+s31+$0x0], $0xffff  }
0x1cc: {  	v16 =	vld.idx.msk [tilespmem:v7+s30+$0x0], $0xffff;
	v2 =	vadd.f32 v3, v2;
	v3 =	vmul.f32 v6, v59  }
0x1cd: {  	v6 =	vld.idx.msk [tilespmem:v7+s31+$0x0], $0xffff;
	v7 =	vor.u32 $0x24, v1  }
0x1ce: {  	v17 =	vld.idx.msk [tilespmem:v61+s30+$0x0], $0xffff;
	v2 =	vadd.f32 v3, v2;
	v3 =	vmul.f32 v5, v60  }
0x1cf: {  	v18 =	vor.u32 $0x25, v1;
	v5 =	vld.idx.msk [tilespmem:v61+s31+$0x0], $0xffff  }
0x1d0: {  	v19 =	vld.idx.msk [tilespmem:v63+s30+$0x0], $0xffff;
	v2 =	vadd.f32 v3, v2;
	v3 =	vmul.f32 v4, v62  }
0x1d1: {  	v20 =	vor.u32 $0x26, v1;
	v4 =	vld.idx.msk [tilespmem:v63+s31+$0x0], $0xffff  }
0x1d2: {  	v21 =	vld.idx.msk [tilespmem:v7+s30+$0x0], $0xffff;
	v2 =	vadd.f32 v3, v2;
	v3 =	vmul.f32 v6, v16  }
0x1d3: {  	v6 =	vld.idx.msk [tilespmem:v7+s31+$0x0], $0xffff;
	v7 =	vor.u32 $0x27, v1  }
0x1d4: {  	v22 =	vld.idx.msk [tilespmem:v18+s30+$0x0], $0xffff;
	v2 =	vadd.f32 v3, v2;
	v3 =	vmul.f32 v5, v17  }
0x1d5: {  	v23 =	vor.u32 $0x28, v1;
	v5 =	vld.idx.msk [tilespmem:v18+s31+$0x0], $0xffff  }
0x1d6: {  	v24 =	vld.idx.msk [tilespmem:v20+s30+$0x0], $0xffff;
	v2 =	vadd.f32 v3, v2;
	v3 =	vmul.f32 v4, v19  }
0x1d7: {  	v25 =	vor.u32 $0x29, v1;
	v4 =	vld.idx.msk [tilespmem:v20+s31+$0x0], $0xffff  }
0x1d8: {  	v26 =	vld.idx.msk [tilespmem:v7+s30+$0x0], $0xffff;
	v2 =	vadd.f32 v3, v2;
	v3 =	vmul.f32 v6, v21  }
0x1d9: {  	v6 =	vld.idx.msk [tilespmem:v7+s31+$0x0], $0xffff;
	v7 =	vor.u32 $0x2A, v1  }
0x1da: {  	v27 =	vld.idx.msk [tilespmem:v23+s30+$0x0], $0xffff;
	v2 =	vadd.f32 v3, v2;
	v3 =	vmul.f32 v5, v22  }
0x1db: {  	v28 =	vor.u32 $0x2B, v1;
	v5 =	vld.idx.msk [tilespmem:v23+s31+$0x0], $0xffff  }
0x1dc: {  	v29 =	vld.idx.msk [tilespmem:v25+s30+$0x0], $0xffff;
	v2 =	vadd.f32 v3, v2;
	v3 =	vmul.f32 v4, v24  }
0x1dd: {  	v30 =	vor.u32 $0x2C, v1;
	v4 =	vld.idx.msk [tilespmem:v25+s31+$0x0], $0xffff  }
0x1de: {  	v31 =	vld.idx.msk [tilespmem:v7+s30+$0x0], $0xffff;
	v2 =	vadd.f32 v3, v2;
	v3 =	vmul.f32 v6, v26  }
0x1df: {  	v6 =	vld.idx.msk [tilespmem:v7+s31+$0x0], $0xffff;
	v7 =	vor.u32 $0x2D, v1  }
0x1e0: {  	v32 =	vld.idx.msk [tilespmem:v28+s30+$0x0], $0xffff;
	v2 =	vadd.f32 v3, v2;
	v3 =	vmul.f32 v5, v27  }
0x1e1: {  	v33 =	vor.u32 $0x2E, v1;
	v5 =	vld.idx.msk [tilespmem:v28+s31+$0x0], $0xffff  }
0x1e2: {  	v34 =	vld.idx.msk [tilespmem:v30+s30+$0x0], $0xffff;
	v2 =	vadd.f32 v3, v2;
	v3 =	vmul.f32 v4, v29  }
0x1e3: {  	v35 =	vor.u32 $0x2F, v1;
	v4 =	vld.idx.msk [tilespmem:v30+s31+$0x0], $0xffff  }
0x1e4: {  	v36 =	vld.idx.msk [tilespmem:v7+s30+$0x0], $0xffff;
	v2 =	vadd.f32 v3, v2;
	v3 =	vmul.f32 v6, v31  }
0x1e5: {  	v6 =	vld.idx.msk [tilespmem:v7+s31+$0x0], $0xffff;
	v7 =	vor.u32 $0x30, v1  }
0x1e6: {  	v37 =	vld.idx.msk [tilespmem:v33+s30+$0x0], $0xffff;
	v2 =	vadd.f32 v3, v2;
	v3 =	vmul.f32 v5, v32  }
0x1e7: {  	v38 =	vor.u32 $0x31, v1;
	v5 =	vld.idx.msk [tilespmem:v33+s31+$0x0], $0xffff  }
0x1e8: {  	v39 =	vld.idx.msk [tilespmem:v35+s30+$0x0], $0xffff;
	v2 =	vadd.f32 v3, v2;
	v3 =	vmul.f32 v4, v34  }
0x1e9: {  	v40 =	vor.u32 $0x32, v1;
	v4 =	vld.idx.msk [tilespmem:v35+s31+$0x0], $0xffff  }
0x1ea: {  	v41 =	vld.idx.msk [tilespmem:v7+s30+$0x0], $0xffff;
	v2 =	vadd.f32 v3, v2;
	v3 =	vmul.f32 v6, v36  }
0x1eb: {  	v6 =	vld.idx.msk [tilespmem:v7+s31+$0x0], $0xffff;
	v7 =	vor.u32 $0x33, v1  }
0x1ec: {  	v42 =	vld.idx.msk [tilespmem:v38+s30+$0x0], $0xffff;
	v2 =	vadd.f32 v3, v2;
	v3 =	vmul.f32 v5, v37  }
0x1ed: {  	v43 =	vor.u32 $0x34, v1;
	v5 =	vld.idx.msk [tilespmem:v38+s31+$0x0], $0xffff  }
0x1ee: {  	v44 =	vld.idx.msk [tilespmem:v40+s30+$0x0], $0xffff;
	v2 =	vadd.f32 v3, v2;
	v3 =	vmul.f32 v4, v39  }
0x1ef: {  	v45 =	vor.u32 $0x35, v1;
	v4 =	vld.idx.msk [tilespmem:v40+s31+$0x0], $0xffff  }
0x1f0: {  	v46 =	vld.idx.msk [tilespmem:v7+s30+$0x0], $0xffff;
	v2 =	vadd.f32 v3, v2;
	v3 =	vmul.f32 v6, v41  }
0x1f1: {  	v6 =	vld.idx.msk [tilespmem:v7+s31+$0x0], $0xffff;
	v7 =	vor.u32 $0x36, v1  }
0x1f2: {  	v47 =	vld.idx.msk [tilespmem:v43+s30+$0x0], $0xffff;
	v2 =	vadd.f32 v3, v2;
	v3 =	vmul.f32 v5, v42  }
0x1f3: {  	v48 =	vor.u32 $0x37, v1;
	v5 =	vld.idx.msk [tilespmem:v43+s31+$0x0], $0xffff  }
0x1f4: {  	v49 =	vld.idx.msk [tilespmem:v45+s30+$0x0], $0xffff;
	v2 =	vadd.f32 v3, v2;
	v3 =	vmul.f32 v4, v44  }
0x1f5: {  	v50 =	vor.u32 $0x38, v1;
	v4 =	vld.idx.msk [tilespmem:v45+s31+$0x0], $0xffff  }
0x1f6: {  	v51 =	vld.idx.msk [tilespmem:v7+s30+$0x0], $0xffff;
	v2 =	vadd.f32 v3, v2;
	v3 =	vmul.f32 v6, v46  }
0x1f7: {  	v6 =	vld.idx.msk [tilespmem:v7+s31+$0x0], $0xffff;
	v7 =	vor.u32 $0x39, v1  }
0x1f8: {  	v52 =	vld.idx.msk [tilespmem:v48+s30+$0x0], $0xffff;
	v2 =	vadd.f32 v3, v2;
	v3 =	vmul.f32 v5, v47  }
0x1f9: {  	v53 =	vor.u32 $0x3A, v1;
	v5 =	vld.idx.msk [tilespmem:v48+s31+$0x0], $0xffff  }
0x1fa: {  	v54 =	vld.idx.msk [tilespmem:v50+s30+$0x0], $0xffff;
	v2 =	vadd.f32 v3, v2;
	v3 =	vmul.f32 v4, v49  }
0x1fb: {  	v55 =	vor.u32 $0x3B, v1;
	v4 =	vld.idx.msk [tilespmem:v50+s31+$0x0], $0xffff  }
0x1fc: {  	v56 =	vld.idx.msk [tilespmem:v7+s30+$0x0], $0xffff;
	v2 =	vadd.f32 v3, v2;
	v3 =	vmul.f32 v6, v51  }
0x1fd: {  	v6 =	vld.idx.msk [tilespmem:v7+s31+$0x0], $0xffff;
	v7 =	vor.u32 $0x3C, v1  }
0x1fe: {  	v57 =	vld.idx.msk [tilespmem:v53+s30+$0x0], $0xffff;
	v2 =	vadd.f32 v3, v2;
	v3 =	vmul.f32 v5, v52  }
0x1ff: {  	v58 =	vor.u32 $0x3D, v1;
	v5 =	vld.idx.msk [tilespmem:v53+s31+$0x0], $0xffff  }
0x200: {  	v59 =	vld.idx.msk [tilespmem:v55+s30+$0x0], $0xffff;
	v2 =	vadd.f32 v3, v2;
	v3 =	vmul.f32 v4, v54  }
0x201: {  	v60 =	vor.u32 $0x3E, v1;
	v4 =	vld.idx.msk [tilespmem:v55+s31+$0x0], $0xffff  }
0x202: {  	v61 =	vld.idx.msk [tilespmem:v7+s30+$0x0], $0xffff;
	v2 =	vadd.f32 v3, v2;
	v3 =	vmul.f32 v6, v56  }
0x203: {  	v1 =	vor.u32 $0x3F, v1;
	v6 =	vld.idx.msk [tilespmem:v7+s31+$0x0], $0xffff  }
0x204: {  	v7 =	vld.idx.msk [tilespmem:v58+s30+$0x0], $0xffff;
	v2 =	vadd.f32 v3, v2;
	v3 =	vmul.f32 v5, v57  }
0x205: {  	v5 =	vld.idx.msk [tilespmem:v58+s31+$0x0], $0xffff  }
0x206: {  	v62 =	vld.idx.msk [tilespmem:v60+s30+$0x0], $0xffff;
	v2 =	vadd.f32 v3, v2;
	v3 =	vmul.f32 v4, v59  }
0x207: {  	v4 =	vld.idx.msk [tilespmem:v60+s31+$0x0], $0xffff  }
0x208: {  	v63 =	vld.idx.msk [tilespmem:v1+s30+$0x0], $0xffff;
	v2 =	vadd.f32 v3, v2;
	v3 =	vmul.f32 v6, v61  }
0x209: {  	v6 =	vld.idx.msk [tilespmem:v1+s31+$0x0], $0xffff  }
0x20a: {  	s29 =	simm.s32 $0x20;
	v1 =	vadd.f32 v3, v2;
	v2 =	vmul.f32 v5, v7  }
0x20b: {  	v3 =	vmov s29  }
0x20c: {  	v3 =	vshll.u32 v3, $0x7;
	v4 =	vmul.f32 v4, v62;
	v5 =	vadd.f32 v2, v1  }
0x20d: {  	v1 =	vor.u32 v0, v3  }
0x20e: {  	v2 =	vor.u32 $0x1, v1;
	v3 =	vadd.f32 v4, v5;
	v4 =	vmul.f32 v6, v63  }
0x20f: {  	s17 =	simm.s32 $0x30  }
.LBB2_5:
0x210: {  	p1 =	sne.s32 s17, $0xF0;
	v3 =	vadd.f32 v4, v3  }
0x211: {  	s14 =	sadd.s32 $0x10, s14  }
0x212: {  	[tilespmem:s14+$0x0] =	vst v3  }
0x213: {  	s15 =	sadd.s32 $0x10, s15;
	v3 =	vld.idx.msk [tilespmem:v2+s30+$0x0], $0xffff  }
0x214: {  	v5 =	vor.u32 $0x2, v1;
	v4 =	vld [tilespmem:s15+$0x0]  }
0x215: {  	v6 =	vld.idx.msk [tilespmem:v1+s30+$0x0], $0xffff  }
0x216: {  	v8 =	vor.u32 $0x3, v1;
	s16 =	sadd.s32 $0x10, s16;
	v7 =	vld.idx.msk [tilespmem:v1+s31+$0x0], $0xffff  }
0x217: {  	v9 =	vld [tilespmem:s16+$0x0]  }
0x218: {  	v10 =	vor.u32 $0x4, v1;
	v2 =	vld.idx.msk [tilespmem:v2+s31+$0x0], $0xffff  }
0x219: {  	v11 =	vld.idx.msk [tilespmem:v5+s30+$0x0], $0xffff  }
0x21a: {  	v12 =	vor.u32 $0x5, v1;
	v5 =	vld.idx.msk [tilespmem:v5+s31+$0x0], $0xffff  }
0x21b: {  	v13 =	vld.idx.msk [tilespmem:v8+s30+$0x0], $0xffff  }
0x21c: {  	v6 =	vmul.f32 v7, v6;
	v4 =	vadd.f32 v4, v9;
	v7 =	vld.idx.msk [tilespmem:v8+s31+$0x0], $0xffff;
	v8 =	vor.u32 $0x6, v1  }
0x21d: {  	v9 =	vld.idx.msk [tilespmem:v10+s30+$0x0], $0xffff  }
0x21e: {  	v2 =	vmul.f32 v2, v3;
	v4 =	vadd.f32 v6, v4;
	v3 =	vld.idx.msk [tilespmem:v10+s31+$0x0], $0xffff;
	v6 =	vor.u32 $0x7, v1  }
0x21f: {  	v10 =	vld.idx.msk [tilespmem:v12+s30+$0x0], $0xffff  }
0x220: {  	v2 =	vadd.f32 v2, v4;
	v4 =	vmul.f32 v5, v11;
	v5 =	vld.idx.msk [tilespmem:v12+s31+$0x0], $0xffff;
	v11 =	vor.u32 $0x8, v1  }
0x221: {  	v12 =	vld.idx.msk [tilespmem:v8+s30+$0x0], $0xffff  }
0x222: {  	v2 =	vadd.f32 v4, v2;
	v4 =	vmul.f32 v7, v13;
	v7 =	vld.idx.msk [tilespmem:v8+s31+$0x0], $0xffff;
	v8 =	vor.u32 $0x9, v1  }
0x223: {  	v13 =	vld.idx.msk [tilespmem:v6+s30+$0x0], $0xffff  }
0x224: {  	v3 =	vmul.f32 v3, v9;
	v2 =	vadd.f32 v4, v2;
	v4 =	vld.idx.msk [tilespmem:v6+s31+$0x0], $0xffff;
	v6 =	vor.u32 $0xA, v1  }
0x225: {  	v9 =	vld.idx.msk [tilespmem:v11+s30+$0x0], $0xffff  }
0x226: {  	v2 =	vadd.f32 v3, v2;
	v3 =	vmul.f32 v5, v10;
	v5 =	vld.idx.msk [tilespmem:v11+s31+$0x0], $0xffff;
	v10 =	vor.u32 $0xB, v1  }
0x227: {  	v11 =	vld.idx.msk [tilespmem:v8+s30+$0x0], $0xffff  }
0x228: {  	v2 =	vadd.f32 v3, v2;
	v3 =	vmul.f32 v7, v12;
	v7 =	vld.idx.msk [tilespmem:v8+s31+$0x0], $0xffff;
	v8 =	vor.u32 $0xC, v1  }
0x229: {  	v12 =	vld.idx.msk [tilespmem:v6+s30+$0x0], $0xffff  }
0x22a: {  	v2 =	vadd.f32 v3, v2;
	v3 =	vmul.f32 v4, v13;
	v4 =	vld.idx.msk [tilespmem:v6+s31+$0x0], $0xffff;
	v6 =	vor.u32 $0xD, v1  }
0x22b: {  	v13 =	vld.idx.msk [tilespmem:v10+s30+$0x0], $0xffff  }
0x22c: {  	v2 =	vadd.f32 v3, v2;
	v3 =	vmul.f32 v5, v9;
	v5 =	vld.idx.msk [tilespmem:v10+s31+$0x0], $0xffff;
	v9 =	vor.u32 $0xE, v1  }
0x22d: {  	v10 =	vld.idx.msk [tilespmem:v8+s30+$0x0], $0xffff  }
0x22e: {  	v2 =	vadd.f32 v3, v2;
	v3 =	vmul.f32 v7, v11;
	v7 =	vld.idx.msk [tilespmem:v8+s31+$0x0], $0xffff;
	v8 =	vor.u32 $0xF, v1  }
0x22f: {  	v11 =	vld.idx.msk [tilespmem:v6+s30+$0x0], $0xffff  }
0x230: {  	v2 =	vadd.f32 v3, v2;
	v3 =	vmul.f32 v4, v12;
	v4 =	vld.idx.msk [tilespmem:v6+s31+$0x0], $0xffff;
	v6 =	vor.u32 $0x10, v1  }
0x231: {  	v12 =	vld.idx.msk [tilespmem:v9+s30+$0x0], $0xffff  }
0x232: {  	v2 =	vadd.f32 v3, v2;
	v3 =	vmul.f32 v5, v13;
	v5 =	vld.idx.msk [tilespmem:v9+s31+$0x0], $0xffff;
	v9 =	vor.u32 $0x11, v1  }
0x233: {  	v13 =	vld.idx.msk [tilespmem:v8+s30+$0x0], $0xffff  }
0x234: {  	v2 =	vadd.f32 v3, v2;
	v3 =	vmul.f32 v7, v10;
	v7 =	vld.idx.msk [tilespmem:v8+s31+$0x0], $0xffff;
	v8 =	vor.u32 $0x12, v1  }
0x235: {  	v10 =	vld.idx.msk [tilespmem:v6+s30+$0x0], $0xffff  }
0x236: {  	v2 =	vadd.f32 v3, v2;
	v3 =	vmul.f32 v4, v11;
	v4 =	vld.idx.msk [tilespmem:v6+s31+$0x0], $0xffff;
	v6 =	vor.u32 $0x13, v1  }
0x237: {  	v11 =	vld.idx.msk [tilespmem:v9+s30+$0x0], $0xffff  }
0x238: {  	v2 =	vadd.f32 v3, v2;
	v3 =	vmul.f32 v5, v12;
	v5 =	vld.idx.msk [tilespmem:v9+s31+$0x0], $0xffff;
	v9 =	vor.u32 $0x14, v1  }
0x239: {  	v12 =	vld.idx.msk [tilespmem:v8+s30+$0x0], $0xffff  }
0x23a: {  	v2 =	vadd.f32 v3, v2;
	v3 =	vmul.f32 v7, v13;
	v7 =	vld.idx.msk [tilespmem:v8+s31+$0x0], $0xffff;
	v8 =	vor.u32 $0x15, v1  }
0x23b: {  	v13 =	vld.idx.msk [tilespmem:v6+s30+$0x0], $0xffff  }
0x23c: {  	v2 =	vadd.f32 v3, v2;
	v3 =	vmul.f32 v4, v10;
	v4 =	vld.idx.msk [tilespmem:v6+s31+$0x0], $0xffff;
	v6 =	vor.u32 $0x16, v1  }
0x23d: {  	v10 =	vld.idx.msk [tilespmem:v9+s30+$0x0], $0xffff  }
0x23e: {  	v2 =	vadd.f32 v3, v2;
	v3 =	vmul.f32 v5, v11;
	v5 =	vld.idx.msk [tilespmem:v9+s31+$0x0], $0xffff;
	v9 =	vor.u32 $0x17, v1  }
0x23f: {  	v11 =	vld.idx.msk [tilespmem:v8+s30+$0x0], $0xffff  }
0x240: {  	v2 =	vadd.f32 v3, v2;
	v3 =	vmul.f32 v7, v12;
	v7 =	vld.idx.msk [tilespmem:v8+s31+$0x0], $0xffff;
	v8 =	vor.u32 $0x18, v1  }
0x241: {  	v12 =	vld.idx.msk [tilespmem:v6+s30+$0x0], $0xffff  }
0x242: {  	v2 =	vadd.f32 v3, v2;
	v3 =	vmul.f32 v4, v13;
	v4 =	vld.idx.msk [tilespmem:v6+s31+$0x0], $0xffff;
	v6 =	vor.u32 $0x19, v1  }
0x243: {  	v13 =	vld.idx.msk [tilespmem:v9+s30+$0x0], $0xffff  }
0x244: {  	v2 =	vadd.f32 v3, v2;
	v3 =	vmul.f32 v5, v10;
	v5 =	vld.idx.msk [tilespmem:v9+s31+$0x0], $0xffff;
	v9 =	vor.u32 $0x1A, v1  }
0x245: {  	v10 =	vld.idx.msk [tilespmem:v8+s30+$0x0], $0xffff  }
0x246: {  	v2 =	vadd.f32 v3, v2;
	v3 =	vmul.f32 v7, v11;
	v7 =	vld.idx.msk [tilespmem:v8+s31+$0x0], $0xffff;
	v8 =	vor.u32 $0x1B, v1  }
0x247: {  	v11 =	vld.idx.msk [tilespmem:v6+s30+$0x0], $0xffff  }
0x248: {  	v2 =	vadd.f32 v3, v2;
	v3 =	vmul.f32 v4, v12;
	v4 =	vld.idx.msk [tilespmem:v6+s31+$0x0], $0xffff;
	v6 =	vor.u32 $0x1C, v1  }
0x249: {  	v12 =	vld.idx.msk [tilespmem:v9+s30+$0x0], $0xffff  }
0x24a: {  	v2 =	vadd.f32 v3, v2;
	v3 =	vmul.f32 v5, v13;
	v5 =	vld.idx.msk [tilespmem:v9+s31+$0x0], $0xffff;
	v9 =	vor.u32 $0x1D, v1  }
0x24b: {  	v13 =	vld.idx.msk [tilespmem:v8+s30+$0x0], $0xffff  }
0x24c: {  	v2 =	vadd.f32 v3, v2;
	v3 =	vmul.f32 v7, v10;
	v7 =	vld.idx.msk [tilespmem:v8+s31+$0x0], $0xffff;
	v8 =	vor.u32 $0x1E, v1  }
0x24d: {  	v10 =	vld.idx.msk [tilespmem:v6+s30+$0x0], $0xffff  }
0x24e: {  	v2 =	vadd.f32 v3, v2;
	v3 =	vmul.f32 v4, v11;
	v4 =	vld.idx.msk [tilespmem:v6+s31+$0x0], $0xffff;
	v6 =	vor.u32 $0x1F, v1  }
0x24f: {  	v11 =	vld.idx.msk [tilespmem:v9+s30+$0x0], $0xffff  }
0x250: {  	v2 =	vadd.f32 v3, v2;
	v3 =	vmul.f32 v5, v12;
	v5 =	vld.idx.msk [tilespmem:v9+s31+$0x0], $0xffff;
	v9 =	vor.u32 $0x20, v1  }
0x251: {  	v12 =	vld.idx.msk [tilespmem:v8+s30+$0x0], $0xffff  }
0x252: {  	v2 =	vadd.f32 v3, v2;
	v3 =	vmul.f32 v7, v13;
	v7 =	vld.idx.msk [tilespmem:v8+s31+$0x0], $0xffff;
	v8 =	vor.u32 $0x21, v1  }
0x253: {  	v13 =	vld.idx.msk [tilespmem:v6+s30+$0x0], $0xffff  }
0x254: {  	v2 =	vadd.f32 v3, v2;
	v3 =	vmul.f32 v4, v10;
	v4 =	vld.idx.msk [tilespmem:v6+s31+$0x0], $0xffff;
	v6 =	vor.u32 $0x22, v1  }
0x255: {  	v10 =	vld.idx.msk [tilespmem:v9+s30+$0x0], $0xffff  }
0x256: {  	v2 =	vadd.f32 v3, v2;
	v3 =	vmul.f32 v5, v11;
	v5 =	vld.idx.msk [tilespmem:v9+s31+$0x0], $0xffff;
	v9 =	vor.u32 $0x23, v1  }
0x257: {  	v11 =	vld.idx.msk [tilespmem:v8+s30+$0x0], $0xffff  }
0x258: {  	v2 =	vadd.f32 v3, v2;
	v3 =	vmul.f32 v7, v12;
	v7 =	vld.idx.msk [tilespmem:v8+s31+$0x0], $0xffff;
	v8 =	vor.u32 $0x24, v1  }
0x259: {  	v12 =	vld.idx.msk [tilespmem:v6+s30+$0x0], $0xffff  }
0x25a: {  	v2 =	vadd.f32 v3, v2;
	v3 =	vmul.f32 v4, v13;
	v4 =	vld.idx.msk [tilespmem:v6+s31+$0x0], $0xffff;
	v6 =	vor.u32 $0x25, v1  }
0x25b: {  	v13 =	vld.idx.msk [tilespmem:v9+s30+$0x0], $0xffff  }
0x25c: {  	v2 =	vadd.f32 v3, v2;
	v3 =	vmul.f32 v5, v10;
	v5 =	vld.idx.msk [tilespmem:v9+s31+$0x0], $0xffff;
	v9 =	vor.u32 $0x26, v1  }
0x25d: {  	v10 =	vld.idx.msk [tilespmem:v8+s30+$0x0], $0xffff  }
0x25e: {  	v2 =	vadd.f32 v3, v2;
	v3 =	vmul.f32 v7, v11;
	v7 =	vld.idx.msk [tilespmem:v8+s31+$0x0], $0xffff;
	v8 =	vor.u32 $0x27, v1  }
0x25f: {  	v11 =	vld.idx.msk [tilespmem:v6+s30+$0x0], $0xffff  }
0x260: {  	v2 =	vadd.f32 v3, v2;
	v3 =	vmul.f32 v4, v12;
	v4 =	vld.idx.msk [tilespmem:v6+s31+$0x0], $0xffff;
	v6 =	vor.u32 $0x28, v1  }
0x261: {  	v12 =	vld.idx.msk [tilespmem:v9+s30+$0x0], $0xffff  }
0x262: {  	v2 =	vadd.f32 v3, v2;
	v3 =	vmul.f32 v5, v13;
	v5 =	vld.idx.msk [tilespmem:v9+s31+$0x0], $0xffff;
	v9 =	vor.u32 $0x29, v1  }
0x263: {  	v13 =	vld.idx.msk [tilespmem:v8+s30+$0x0], $0xffff  }
0x264: {  	v2 =	vadd.f32 v3, v2;
	v3 =	vmul.f32 v7, v10;
	v7 =	vld.idx.msk [tilespmem:v8+s31+$0x0], $0xffff;
	v8 =	vor.u32 $0x2A, v1  }
0x265: {  	v10 =	vld.idx.msk [tilespmem:v6+s30+$0x0], $0xffff  }
0x266: {  	v2 =	vadd.f32 v3, v2;
	v3 =	vmul.f32 v4, v11;
	v4 =	vld.idx.msk [tilespmem:v6+s31+$0x0], $0xffff;
	v6 =	vor.u32 $0x2B, v1  }
0x267: {  	v11 =	vld.idx.msk [tilespmem:v9+s30+$0x0], $0xffff  }
0x268: {  	v2 =	vadd.f32 v3, v2;
	v3 =	vmul.f32 v5, v12;
	v5 =	vld.idx.msk [tilespmem:v9+s31+$0x0], $0xffff;
	v9 =	vor.u32 $0x2C, v1  }
0x269: {  	v12 =	vld.idx.msk [tilespmem:v8+s30+$0x0], $0xffff  }
0x26a: {  	v2 =	vadd.f32 v3, v2;
	v3 =	vmul.f32 v7, v13;
	v7 =	vld.idx.msk [tilespmem:v8+s31+$0x0], $0xffff;
	v8 =	vor.u32 $0x2D, v1  }
0x26b: {  	v13 =	vld.idx.msk [tilespmem:v6+s30+$0x0], $0xffff  }
0x26c: {  	v2 =	vadd.f32 v3, v2;
	v3 =	vmul.f32 v4, v10;
	v4 =	vld.idx.msk [tilespmem:v6+s31+$0x0], $0xffff;
	v6 =	vor.u32 $0x2E, v1  }
0x26d: {  	v10 =	vld.idx.msk [tilespmem:v9+s30+$0x0], $0xffff  }
0x26e: {  	v2 =	vadd.f32 v3, v2;
	v3 =	vmul.f32 v5, v11;
	v5 =	vld.idx.msk [tilespmem:v9+s31+$0x0], $0xffff;
	v9 =	vor.u32 $0x2F, v1  }
0x26f: {  	v11 =	vld.idx.msk [tilespmem:v8+s30+$0x0], $0xffff  }
0x270: {  	v2 =	vadd.f32 v3, v2;
	v3 =	vmul.f32 v7, v12;
	v7 =	vld.idx.msk [tilespmem:v8+s31+$0x0], $0xffff;
	v8 =	vor.u32 $0x30, v1  }
0x271: {  	v12 =	vld.idx.msk [tilespmem:v6+s30+$0x0], $0xffff  }
0x272: {  	v2 =	vadd.f32 v3, v2;
	v3 =	vmul.f32 v4, v13;
	v4 =	vld.idx.msk [tilespmem:v6+s31+$0x0], $0xffff;
	v6 =	vor.u32 $0x31, v1  }
0x273: {  	v13 =	vld.idx.msk [tilespmem:v9+s30+$0x0], $0xffff  }
0x274: {  	v2 =	vadd.f32 v3, v2;
	v3 =	vmul.f32 v5, v10;
	v5 =	vld.idx.msk [tilespmem:v9+s31+$0x0], $0xffff;
	v9 =	vor.u32 $0x32, v1  }
0x275: {  	v10 =	vld.idx.msk [tilespmem:v8+s30+$0x0], $0xffff  }
0x276: {  	v2 =	vadd.f32 v3, v2;
	v3 =	vmul.f32 v7, v11;
	v7 =	vld.idx.msk [tilespmem:v8+s31+$0x0], $0xffff;
	v8 =	vor.u32 $0x33, v1  }
0x277: {  	v11 =	vld.idx.msk [tilespmem:v6+s30+$0x0], $0xffff  }
0x278: {  	v2 =	vadd.f32 v3, v2;
	v3 =	vmul.f32 v4, v12;
	v4 =	vld.idx.msk [tilespmem:v6+s31+$0x0], $0xffff;
	v6 =	vor.u32 $0x34, v1  }
0x279: {  	v12 =	vld.idx.msk [tilespmem:v9+s30+$0x0], $0xffff  }
0x27a: {  	v2 =	vadd.f32 v3, v2;
	v3 =	vmul.f32 v5, v13;
	v5 =	vld.idx.msk [tilespmem:v9+s31+$0x0], $0xffff;
	v9 =	vor.u32 $0x35, v1  }
0x27b: {  	v13 =	vld.idx.msk [tilespmem:v8+s30+$0x0], $0xffff  }
0x27c: {  	v2 =	vadd.f32 v3, v2;
	v3 =	vmul.f32 v7, v10;
	v7 =	vld.idx.msk [tilespmem:v8+s31+$0x0], $0xffff;
	v8 =	vor.u32 $0x36, v1  }
0x27d: {  	v10 =	vld.idx.msk [tilespmem:v6+s30+$0x0], $0xffff  }
0x27e: {  	v2 =	vadd.f32 v3, v2;
	v3 =	vmul.f32 v4, v11;
	v4 =	vld.idx.msk [tilespmem:v6+s31+$0x0], $0xffff;
	v6 =	vor.u32 $0x37, v1  }
0x27f: {  	v11 =	vld.idx.msk [tilespmem:v9+s30+$0x0], $0xffff  }
0x280: {  	v2 =	vadd.f32 v3, v2;
	v3 =	vmul.f32 v5, v12;
	v5 =	vld.idx.msk [tilespmem:v9+s31+$0x0], $0xffff;
	v9 =	vor.u32 $0x38, v1  }
0x281: {  	v12 =	vld.idx.msk [tilespmem:v8+s30+$0x0], $0xffff  }
0x282: {  	v2 =	vadd.f32 v3, v2;
	v3 =	vmul.f32 v7, v13;
	v7 =	vld.idx.msk [tilespmem:v8+s31+$0x0], $0xffff;
	v8 =	vor.u32 $0x39, v1  }
0x283: {  	v13 =	vld.idx.msk [tilespmem:v6+s30+$0x0], $0xffff  }
0x284: {  	v2 =	vadd.f32 v3, v2;
	v3 =	vmul.f32 v4, v10;
	v4 =	vld.idx.msk [tilespmem:v6+s31+$0x0], $0xffff;
	v6 =	vor.u32 $0x3A, v1  }
0x285: {  	v10 =	vld.idx.msk [tilespmem:v9+s30+$0x0], $0xffff  }
0x286: {  	v2 =	vadd.f32 v3, v2;
	v3 =	vmul.f32 v5, v11;
	v5 =	vld.idx.msk [tilespmem:v9+s31+$0x0], $0xffff;
	v9 =	vor.u32 $0x3B, v1  }
0x287: {  	v11 =	vld.idx.msk [tilespmem:v8+s30+$0x0], $0xffff  }
0x288: {  	v2 =	vadd.f32 v3, v2;
	v3 =	vmul.f32 v7, v12;
	v7 =	vld.idx.msk [tilespmem:v8+s31+$0x0], $0xffff;
	v8 =	vor.u32 $0x3C, v1  }
0x289: {  	v12 =	vld.idx.msk [tilespmem:v6+s30+$0x0], $0xffff  }
0x28a: {  	v2 =	vadd.f32 v3, v2;
	v3 =	vmul.f32 v4, v13;
	v4 =	vld.idx.msk [tilespmem:v6+s31+$0x0], $0xffff;
	v6 =	vor.u32 $0x3D, v1  }
0x28b: {  	v13 =	vld.idx.msk [tilespmem:v9+s30+$0x0], $0xffff  }
0x28c: {  	v2 =	vadd.f32 v3, v2;
	v3 =	vmul.f32 v5, v10;
	v5 =	vld.idx.msk [tilespmem:v9+s31+$0x0], $0xffff;
	v9 =	vor.u32 $0x3E, v1  }
0x28d: {  	v10 =	vld.idx.msk [tilespmem:v8+s30+$0x0], $0xffff  }
0x28e: {  	v1 =	vor.u32 $0x3F, v1;
	v2 =	vadd.f32 v3, v2;
	v3 =	vmul.f32 v7, v11;
	v7 =	vld.idx.msk [tilespmem:v8+s31+$0x0], $0xffff  }
0x28f: {  	v8 =	vld.idx.msk [tilespmem:v6+s30+$0x0], $0xffff  }
0x290: {  	v2 =	vadd.f32 v3, v2;
	v3 =	vmul.f32 v4, v12;
	v4 =	vld.idx.msk [tilespmem:v6+s31+$0x0], $0xffff  }
0x291: {  	v6 =	vld.idx.msk [tilespmem:v9+s30+$0x0], $0xffff  }
0x292: {  	v2 =	vadd.f32 v3, v2;
	v3 =	vmul.f32 v5, v13;
	v5 =	vld.idx.msk [tilespmem:v9+s31+$0x0], $0xffff  }
0x293: {  	v9 =	vld.idx.msk [tilespmem:v1+s30+$0x0], $0xffff  }
0x294: {  	v2 =	vadd.f32 v3, v2;
	v3 =	vmul.f32 v7, v10;
	v7 =	vld.idx.msk [tilespmem:v1+s31+$0x0], $0xffff;
	_ =	sdelay $0x1  }
0x295: {  	v1 =	vadd.f32 v3, v2;
	v2 =	vmul.f32 v4, v8  }
.Ltmp1:
0x296: {  	v3 =	vmov s17;
	(pc) =	sbr.rel @p1 .LBB2_5-.Ltmp1, $4  }
0x297: {  	v3 =	vshll.u32 v3, $0x7;
	v5 =	vmul.f32 v5, v6;
	v4 =	vadd.f32 v2, v1  }
0x298: {  	v1 =	vor.u32 v0, v3  }
0x299: {  	v2 =	vor.u32 $0x1, v1;
	v3 =	vadd.f32 v5, v4;
	v4 =	vmul.f32 v7, v9  }
0x29a: {  	s17 =	sadd.s32 $0x10, s17  }
0x29b: {  	v3 =	vadd.f32 v4, v3  }
0x29c: {  	s14 =	sadd.s32 $0x10, s14  }
0x29d: {  	s0 =	sadd.s32 $0x10, s15;
	[tilespmem:s14+$0x0] =	vst v3  }
0x29e: {  	v3 =	vld [tilespmem:s0+$0x0]  }
0x29f: {  	v30 =	vor.u32 $0x2, v1;
	v5 =	vld.idx.msk [tilespmem:v1+s30+$0x0], $0xffff  }
0x2a0: {  	s28 =	sadd.s32 $0x10, s16;
	v6 =	vld.idx.msk [tilespmem:v1+s31+$0x0], $0xffff  }
0x2a1: {  	v7 =	vor.u32 $0x3, v1;
	v8 =	vld [tilespmem:s28+$0x0]  }
0x2a2: {  	v9 =	vld.idx.msk [tilespmem:v2+s30+$0x0], $0xffff  }
0x2a3: {  	v10 =	vor.u32 $0x4, v1;
	v2 =	vld.idx.msk [tilespmem:v2+s31+$0x0], $0xffff  }
0x2a4: {  	v11 =	vld.idx.msk [tilespmem:v30+s30+$0x0], $0xffff  }
0x2a5: {  	v12 =	vor.u32 $0x5, v1;
	v4 =	vld.idx.msk [tilespmem:v30+s31+$0x0], $0xffff  }
0x2a6: {  	v13 =	vld.idx.msk [tilespmem:v7+s30+$0x0], $0xffff;
	v3 =	vadd.f32 v3, v8;
	v5 =	vmul.f32 v6, v5  }
0x2a7: {  	v32 =	vor.u32 $0x6, v1;
	v31 =	vld.idx.msk [tilespmem:v7+s31+$0x0], $0xffff  }
0x2a8: {  	v33 =	vld.idx.msk [tilespmem:v10+s30+$0x0], $0xffff;
	v2 =	vmul.f32 v2, v9;
	v3 =	vadd.f32 v5, v3  }
0x2a9: {  	v35 =	vor.u32 $0x7, v1;
	v34 =	vld.idx.msk [tilespmem:v10+s31+$0x0], $0xffff  }
0x2aa: {  	v36 =	vld.idx.msk [tilespmem:v12+s30+$0x0], $0xffff;
	v2 =	vadd.f32 v2, v3;
	v3 =	vmul.f32 v4, v11  }
0x2ab: {  	v38 =	vor.u32 $0x8, v1;
	v37 =	vld.idx.msk [tilespmem:v12+s31+$0x0], $0xffff  }
0x2ac: {  	v39 =	vld.idx.msk [tilespmem:v32+s30+$0x0], $0xffff;
	v2 =	vadd.f32 v3, v2;
	v3 =	vmul.f32 v31, v13  }
0x2ad: {  	v41 =	vor.u32 $0x9, v1;
	v40 =	vld.idx.msk [tilespmem:v32+s31+$0x0], $0xffff  }
0x2ae: {  	v42 =	vld.idx.msk [tilespmem:v35+s30+$0x0], $0xffff;
	v2 =	vadd.f32 v3, v2;
	v3 =	vmul.f32 v34, v33  }
0x2af: {  	v44 =	vor.u32 $0xA, v1;
	v43 =	vld.idx.msk [tilespmem:v35+s31+$0x0], $0xffff  }
0x2b0: {  	v45 =	vld.idx.msk [tilespmem:v38+s30+$0x0], $0xffff;
	v2 =	vadd.f32 v3, v2;
	v3 =	vmul.f32 v37, v36  }
0x2b1: {  	v47 =	vor.u32 $0xB, v1;
	v46 =	vld.idx.msk [tilespmem:v38+s31+$0x0], $0xffff  }
0x2b2: {  	v48 =	vld.idx.msk [tilespmem:v41+s30+$0x0], $0xffff;
	v2 =	vadd.f32 v3, v2;
	v3 =	vmul.f32 v40, v39  }
0x2b3: {  	v50 =	vor.u32 $0xC, v1;
	v49 =	vld.idx.msk [tilespmem:v41+s31+$0x0], $0xffff  }
0x2b4: {  	v51 =	vld.idx.msk [tilespmem:v44+s30+$0x0], $0xffff;
	v2 =	vadd.f32 v3, v2;
	v3 =	vmul.f32 v43, v42  }
0x2b5: {  	v53 =	vor.u32 $0xD, v1;
	v52 =	vld.idx.msk [tilespmem:v44+s31+$0x0], $0xffff  }
0x2b6: {  	v54 =	vld.idx.msk [tilespmem:v47+s30+$0x0], $0xffff;
	v2 =	vadd.f32 v3, v2;
	v3 =	vmul.f32 v46, v45  }
0x2b7: {  	v56 =	vor.u32 $0xE, v1;
	v55 =	vld.idx.msk [tilespmem:v47+s31+$0x0], $0xffff  }
0x2b8: {  	v57 =	vld.idx.msk [tilespmem:v50+s30+$0x0], $0xffff;
	v2 =	vadd.f32 v3, v2;
	v3 =	vmul.f32 v49, v48  }
0x2b9: {  	v59 =	vor.u32 $0xF, v1;
	v58 =	vld.idx.msk [tilespmem:v50+s31+$0x0], $0xffff  }
0x2ba: {  	v60 =	vld.idx.msk [tilespmem:v53+s30+$0x0], $0xffff;
	v2 =	vadd.f32 v3, v2;
	v3 =	vmul.f32 v52, v51  }
0x2bb: {  	v62 =	vor.u32 $0x10, v1;
	v61 =	vld.idx.msk [tilespmem:v53+s31+$0x0], $0xffff  }
0x2bc: {  	v63 =	vld.idx.msk [tilespmem:v56+s30+$0x0], $0xffff;
	v2 =	vadd.f32 v3, v2;
	v3 =	vmul.f32 v55, v54  }
0x2bd: {  	v17 =	vor.u32 $0x11, v1;
	v16 =	vld.idx.msk [tilespmem:v56+s31+$0x0], $0xffff  }
0x2be: {  	v18 =	vld.idx.msk [tilespmem:v59+s30+$0x0], $0xffff;
	v2 =	vadd.f32 v3, v2;
	v3 =	vmul.f32 v58, v57  }
0x2bf: {  	v20 =	vor.u32 $0x12, v1;
	v19 =	vld.idx.msk [tilespmem:v59+s31+$0x0], $0xffff  }
0x2c0: {  	v21 =	vld.idx.msk [tilespmem:v62+s30+$0x0], $0xffff;
	v2 =	vadd.f32 v3, v2;
	v3 =	vmul.f32 v61, v60  }
0x2c1: {  	v23 =	vor.u32 $0x13, v1;
	v22 =	vld.idx.msk [tilespmem:v62+s31+$0x0], $0xffff  }
0x2c2: {  	v24 =	vld.idx.msk [tilespmem:v17+s30+$0x0], $0xffff;
	v2 =	vadd.f32 v3, v2;
	v3 =	vmul.f32 v16, v63  }
0x2c3: {  	v26 =	vor.u32 $0x14, v1;
	v25 =	vld.idx.msk [tilespmem:v17+s31+$0x0], $0xffff  }
0x2c4: {  	v27 =	vld.idx.msk [tilespmem:v20+s30+$0x0], $0xffff;
	v2 =	vadd.f32 v3, v2;
	v3 =	vmul.f32 v19, v18  }
0x2c5: {  	v29 =	vor.u32 $0x15, v1;
	v28 =	vld.idx.msk [tilespmem:v20+s31+$0x0], $0xffff  }
0x2c6: {  	v30 =	vld.idx.msk [tilespmem:v23+s30+$0x0], $0xffff;
	v2 =	vadd.f32 v3, v2;
	v3 =	vmul.f32 v22, v21  }
0x2c7: {  	v32 =	vor.u32 $0x16, v1;
	v31 =	vld.idx.msk [tilespmem:v23+s31+$0x0], $0xffff  }
0x2c8: {  	v33 =	vld.idx.msk [tilespmem:v26+s30+$0x0], $0xffff;
	v2 =	vadd.f32 v3, v2;
	v3 =	vmul.f32 v25, v24  }
0x2c9: {  	v35 =	vor.u32 $0x17, v1;
	v34 =	vld.idx.msk [tilespmem:v26+s31+$0x0], $0xffff  }
0x2ca: {  	v36 =	vld.idx.msk [tilespmem:v29+s30+$0x0], $0xffff;
	v2 =	vadd.f32 v3, v2;
	v3 =	vmul.f32 v28, v27  }
0x2cb: {  	v38 =	vor.u32 $0x18, v1;
	v37 =	vld.idx.msk [tilespmem:v29+s31+$0x0], $0xffff  }
0x2cc: {  	v39 =	vld.idx.msk [tilespmem:v32+s30+$0x0], $0xffff;
	v2 =	vadd.f32 v3, v2;
	v3 =	vmul.f32 v31, v30  }
0x2cd: {  	v41 =	vor.u32 $0x19, v1;
	v40 =	vld.idx.msk [tilespmem:v32+s31+$0x0], $0xffff  }
0x2ce: {  	v42 =	vld.idx.msk [tilespmem:v35+s30+$0x0], $0xffff;
	v2 =	vadd.f32 v3, v2;
	v3 =	vmul.f32 v34, v33  }
0x2cf: {  	v44 =	vor.u32 $0x1A, v1;
	v43 =	vld.idx.msk [tilespmem:v35+s31+$0x0], $0xffff  }
0x2d0: {  	v45 =	vld.idx.msk [tilespmem:v38+s30+$0x0], $0xffff;
	v2 =	vadd.f32 v3, v2;
	v3 =	vmul.f32 v37, v36  }
0x2d1: {  	v47 =	vor.u32 $0x1B, v1;
	v46 =	vld.idx.msk [tilespmem:v38+s31+$0x0], $0xffff  }
0x2d2: {  	v48 =	vld.idx.msk [tilespmem:v41+s30+$0x0], $0xffff;
	v2 =	vadd.f32 v3, v2;
	v3 =	vmul.f32 v40, v39  }
0x2d3: {  	v50 =	vor.u32 $0x1C, v1;
	v49 =	vld.idx.msk [tilespmem:v41+s31+$0x0], $0xffff  }
0x2d4: {  	v51 =	vld.idx.msk [tilespmem:v44+s30+$0x0], $0xffff;
	v2 =	vadd.f32 v3, v2;
	v3 =	vmul.f32 v43, v42  }
0x2d5: {  	v53 =	vor.u32 $0x1D, v1;
	v52 =	vld.idx.msk [tilespmem:v44+s31+$0x0], $0xffff  }
0x2d6: {  	v54 =	vld.idx.msk [tilespmem:v47+s30+$0x0], $0xffff;
	v2 =	vadd.f32 v3, v2;
	v3 =	vmul.f32 v46, v45  }
0x2d7: {  	v56 =	vor.u32 $0x1E, v1;
	v55 =	vld.idx.msk [tilespmem:v47+s31+$0x0], $0xffff  }
0x2d8: {  	v57 =	vld.idx.msk [tilespmem:v50+s30+$0x0], $0xffff;
	v2 =	vadd.f32 v3, v2;
	v3 =	vmul.f32 v49, v48  }
0x2d9: {  	v59 =	vor.u32 $0x1F, v1;
	v58 =	vld.idx.msk [tilespmem:v50+s31+$0x0], $0xffff  }
0x2da: {  	v60 =	vld.idx.msk [tilespmem:v53+s30+$0x0], $0xffff;
	v2 =	vadd.f32 v3, v2;
	v3 =	vmul.f32 v52, v51  }
0x2db: {  	v62 =	vor.u32 $0x20, v1;
	v61 =	vld.idx.msk [tilespmem:v53+s31+$0x0], $0xffff  }
0x2dc: {  	v63 =	vld.idx.msk [tilespmem:v56+s30+$0x0], $0xffff;
	v2 =	vadd.f32 v3, v2;
	v3 =	vmul.f32 v55, v54  }
0x2dd: {  	v17 =	vor.u32 $0x21, v1;
	v16 =	vld.idx.msk [tilespmem:v56+s31+$0x0], $0xffff  }
0x2de: {  	v18 =	vld.idx.msk [tilespmem:v59+s30+$0x0], $0xffff;
	v2 =	vadd.f32 v3, v2;
	v3 =	vmul.f32 v58, v57  }
0x2df: {  	v20 =	vor.u32 $0x22, v1;
	v19 =	vld.idx.msk [tilespmem:v59+s31+$0x0], $0xffff  }
0x2e0: {  	v21 =	vld.idx.msk [tilespmem:v62+s30+$0x0], $0xffff;
	v2 =	vadd.f32 v3, v2;
	v3 =	vmul.f32 v61, v60  }
0x2e1: {  	v23 =	vor.u32 $0x23, v1;
	v22 =	vld.idx.msk [tilespmem:v62+s31+$0x0], $0xffff  }
0x2e2: {  	v24 =	vld.idx.msk [tilespmem:v17+s30+$0x0], $0xffff;
	v2 =	vadd.f32 v3, v2;
	v3 =	vmul.f32 v16, v63  }
0x2e3: {  	v26 =	vor.u32 $0x24, v1;
	v25 =	vld.idx.msk [tilespmem:v17+s31+$0x0], $0xffff  }
0x2e4: {  	v27 =	vld.idx.msk [tilespmem:v20+s30+$0x0], $0xffff;
	v2 =	vadd.f32 v3, v2;
	v3 =	vmul.f32 v19, v18  }
0x2e5: {  	v29 =	vor.u32 $0x25, v1;
	v28 =	vld.idx.msk [tilespmem:v20+s31+$0x0], $0xffff  }
0x2e6: {  	v30 =	vld.idx.msk [tilespmem:v23+s30+$0x0], $0xffff;
	v2 =	vadd.f32 v3, v2;
	v3 =	vmul.f32 v22, v21  }
0x2e7: {  	v32 =	vor.u32 $0x26, v1;
	v31 =	vld.idx.msk [tilespmem:v23+s31+$0x0], $0xffff  }
0x2e8: {  	v33 =	vld.idx.msk [tilespmem:v26+s30+$0x0], $0xffff;
	v2 =	vadd.f32 v3, v2;
	v3 =	vmul.f32 v25, v24  }
0x2e9: {  	v35 =	vor.u32 $0x27, v1;
	v34 =	vld.idx.msk [tilespmem:v26+s31+$0x0], $0xffff  }
0x2ea: {  	v36 =	vld.idx.msk [tilespmem:v29+s30+$0x0], $0xffff;
	v2 =	vadd.f32 v3, v2;
	v3 =	vmul.f32 v28, v27  }
0x2eb: {  	v38 =	vor.u32 $0x28, v1;
	v37 =	vld.idx.msk [tilespmem:v29+s31+$0x0], $0xffff  }
0x2ec: {  	v39 =	vld.idx.msk [tilespmem:v32+s30+$0x0], $0xffff;
	v2 =	vadd.f32 v3, v2;
	v3 =	vmul.f32 v31, v30  }
0x2ed: {  	v41 =	vor.u32 $0x29, v1;
	v40 =	vld.idx.msk [tilespmem:v32+s31+$0x0], $0xffff  }
0x2ee: {  	v42 =	vld.idx.msk [tilespmem:v35+s30+$0x0], $0xffff;
	v2 =	vadd.f32 v3, v2;
	v3 =	vmul.f32 v34, v33  }
0x2ef: {  	v44 =	vor.u32 $0x2A, v1;
	v43 =	vld.idx.msk [tilespmem:v35+s31+$0x0], $0xffff  }
0x2f0: {  	v45 =	vld.idx.msk [tilespmem:v38+s30+$0x0], $0xffff;
	v2 =	vadd.f32 v3, v2;
	v3 =	vmul.f32 v37, v36  }
0x2f1: {  	v47 =	vor.u32 $0x2B, v1;
	v46 =	vld.idx.msk [tilespmem:v38+s31+$0x0], $0xffff  }
0x2f2: {  	v48 =	vld.idx.msk [tilespmem:v41+s30+$0x0], $0xffff;
	v2 =	vadd.f32 v3, v2;
	v3 =	vmul.f32 v40, v39  }
0x2f3: {  	v50 =	vor.u32 $0x2C, v1;
	v49 =	vld.idx.msk [tilespmem:v41+s31+$0x0], $0xffff  }
0x2f4: {  	v51 =	vld.idx.msk [tilespmem:v44+s30+$0x0], $0xffff;
	v2 =	vadd.f32 v3, v2;
	v3 =	vmul.f32 v43, v42  }
0x2f5: {  	v53 =	vor.u32 $0x2D, v1;
	v52 =	vld.idx.msk [tilespmem:v44+s31+$0x0], $0xffff  }
0x2f6: {  	v54 =	vld.idx.msk [tilespmem:v47+s30+$0x0], $0xffff;
	v2 =	vadd.f32 v3, v2;
	v3 =	vmul.f32 v46, v45  }
0x2f7: {  	v56 =	vor.u32 $0x2E, v1;
	v55 =	vld.idx.msk [tilespmem:v47+s31+$0x0], $0xffff  }
0x2f8: {  	v57 =	vld.idx.msk [tilespmem:v50+s30+$0x0], $0xffff;
	v2 =	vadd.f32 v3, v2;
	v3 =	vmul.f32 v49, v48  }
0x2f9: {  	v59 =	vor.u32 $0x2F, v1;
	v58 =	vld.idx.msk [tilespmem:v50+s31+$0x0], $0xffff  }
0x2fa: {  	v60 =	vld.idx.msk [tilespmem:v53+s30+$0x0], $0xffff;
	v2 =	vadd.f32 v3, v2;
	v3 =	vmul.f32 v52, v51  }
0x2fb: {  	v62 =	vor.u32 $0x30, v1;
	v61 =	vld.idx.msk [tilespmem:v53+s31+$0x0], $0xffff  }
0x2fc: {  	v63 =	vld.idx.msk [tilespmem:v56+s30+$0x0], $0xffff;
	v2 =	vadd.f32 v3, v2;
	v3 =	vmul.f32 v55, v54  }
0x2fd: {  	v17 =	vor.u32 $0x31, v1;
	v16 =	vld.idx.msk [tilespmem:v56+s31+$0x0], $0xffff  }
0x2fe: {  	v18 =	vld.idx.msk [tilespmem:v59+s30+$0x0], $0xffff;
	v2 =	vadd.f32 v3, v2;
	v3 =	vmul.f32 v58, v57  }
0x2ff: {  	v20 =	vor.u32 $0x32, v1;
	v19 =	vld.idx.msk [tilespmem:v59+s31+$0x0], $0xffff  }
0x300: {  	v21 =	vld.idx.msk [tilespmem:v62+s30+$0x0], $0xffff;
	v2 =	vadd.f32 v3, v2;
	v3 =	vmul.f32 v61, v60  }
0x301: {  	v23 =	vor.u32 $0x33, v1;
	v22 =	vld.idx.msk [tilespmem:v62+s31+$0x0], $0xffff  }
0x302: {  	v24 =	vld.idx.msk [tilespmem:v17+s30+$0x0], $0xffff;
	v2 =	vadd.f32 v3, v2;
	v3 =	vmul.f32 v16, v63  }
0x303: {  	v26 =	vor.u32 $0x34, v1;
	v25 =	vld.idx.msk [tilespmem:v17+s31+$0x0], $0xffff  }
0x304: {  	v27 =	vld.idx.msk [tilespmem:v20+s30+$0x0], $0xffff;
	v2 =	vadd.f32 v3, v2;
	v3 =	vmul.f32 v19, v18  }
0x305: {  	v29 =	vor.u32 $0x35, v1;
	v28 =	vld.idx.msk [tilespmem:v20+s31+$0x0], $0xffff  }
0x306: {  	v30 =	vld.idx.msk [tilespmem:v23+s30+$0x0], $0xffff;
	v2 =	vadd.f32 v3, v2;
	v3 =	vmul.f32 v22, v21  }
0x307: {  	v32 =	vor.u32 $0x36, v1;
	v31 =	vld.idx.msk [tilespmem:v23+s31+$0x0], $0xffff  }
0x308: {  	v33 =	vld.idx.msk [tilespmem:v26+s30+$0x0], $0xffff;
	v2 =	vadd.f32 v3, v2;
	v3 =	vmul.f32 v25, v24  }
0x309: {  	v35 =	vor.u32 $0x37, v1;
	v34 =	vld.idx.msk [tilespmem:v26+s31+$0x0], $0xffff  }
0x30a: {  	v36 =	vld.idx.msk [tilespmem:v29+s30+$0x0], $0xffff;
	v2 =	vadd.f32 v3, v2;
	v3 =	vmul.f32 v28, v27  }
0x30b: {  	v38 =	vor.u32 $0x38, v1;
	v37 =	vld.idx.msk [tilespmem:v29+s31+$0x0], $0xffff  }
0x30c: {  	v39 =	vld.idx.msk [tilespmem:v32+s30+$0x0], $0xffff;
	v2 =	vadd.f32 v3, v2;
	v3 =	vmul.f32 v31, v30  }
0x30d: {  	v41 =	vor.u32 $0x39, v1;
	v40 =	vld.idx.msk [tilespmem:v32+s31+$0x0], $0xffff  }
0x30e: {  	v42 =	vld.idx.msk [tilespmem:v35+s30+$0x0], $0xffff;
	v2 =	vadd.f32 v3, v2;
	v3 =	vmul.f32 v34, v33  }
0x30f: {  	v44 =	vor.u32 $0x3A, v1;
	v43 =	vld.idx.msk [tilespmem:v35+s31+$0x0], $0xffff  }
0x310: {  	v45 =	vld.idx.msk [tilespmem:v38+s30+$0x0], $0xffff;
	v2 =	vadd.f32 v3, v2;
	v3 =	vmul.f32 v37, v36  }
0x311: {  	v47 =	vor.u32 $0x3B, v1;
	v46 =	vld.idx.msk [tilespmem:v38+s31+$0x0], $0xffff  }
0x312: {  	v48 =	vld.idx.msk [tilespmem:v41+s30+$0x0], $0xffff;
	v2 =	vadd.f32 v3, v2;
	v3 =	vmul.f32 v40, v39  }
0x313: {  	v50 =	vor.u32 $0x3C, v1;
	v49 =	vld.idx.msk [tilespmem:v41+s31+$0x0], $0xffff  }
0x314: {  	v51 =	vld.idx.msk [tilespmem:v44+s30+$0x0], $0xffff;
	v2 =	vadd.f32 v3, v2;
	v3 =	vmul.f32 v43, v42  }
0x315: {  	v53 =	vor.u32 $0x3D, v1;
	v52 =	vld.idx.msk [tilespmem:v44+s31+$0x0], $0xffff  }
0x316: {  	v54 =	vld.idx.msk [tilespmem:v47+s30+$0x0], $0xffff;
	v2 =	vadd.f32 v3, v2;
	v3 =	vmul.f32 v46, v45  }
0x317: {  	v56 =	vor.u32 $0x3E, v1;
	v55 =	vld.idx.msk [tilespmem:v47+s31+$0x0], $0xffff  }
0x318: {  	v57 =	vld.idx.msk [tilespmem:v50+s30+$0x0], $0xffff;
	v2 =	vadd.f32 v3, v2;
	v3 =	vmul.f32 v49, v48  }
0x319: {  	v1 =	vor.u32 $0x3F, v1;
	v58 =	vld.idx.msk [tilespmem:v50+s31+$0x0], $0xffff  }
0x31a: {  	v59 =	vld.idx.msk [tilespmem:v53+s30+$0x0], $0xffff;
	v2 =	vadd.f32 v3, v2;
	v3 =	vmul.f32 v52, v51  }
0x31b: {  	v60 =	vld.idx.msk [tilespmem:v53+s31+$0x0], $0xffff  }
0x31c: {  	v62 =	vld.idx.msk [tilespmem:v56+s31+$0x0], $0xffff;
	v2 =	vadd.f32 v3, v2;
	v3 =	vmul.f32 v55, v54  }
0x31d: {  	v61 =	vld.idx.msk [tilespmem:v56+s30+$0x0], $0xffff  }
0x31e: {  	v63 =	vld.idx.msk [tilespmem:v1+s30+$0x0], $0xffff;
	v2 =	vadd.f32 v3, v2;
	v3 =	vmul.f32 v58, v57  }
0x31f: {  	v1 =	vld.idx.msk [tilespmem:v1+s31+$0x0], $0xffff  }
0x320: {  	v2 =	vadd.f32 v3, v2;
	v3 =	vmul.f32 v60, v59;
	_ =	sdelay $0x1  }
0x321: {  	v2 =	vadd.f32 v3, v2;
	v3 =	vmul.f32 v62, v61;
	_ =	sdelay $0x1  }
.Ltmp2:
0x322: {  	v1 =	vmul.f32 v1, v63;
	v2 =	vadd.f32 v3, v2;
	(pc) =	sbr.rel @p0 .LBB2_2-.Ltmp2, $4  }
0x323: {  	_ = 	snop  }
0x324: {  	v1 =	vadd.f32 v1, v2  }
0x325: {  	s29 =	sadd.s32 $0x10, s14  }
0x326: {  	p1 =	por $0x0, $0x0;
	s0 =	simm.s32 $0x100;
	[tilespmem:s29+$0x0] =	vst v1  }
0x327: {  	s0 =	rddreg [dreg:$0x14];
	s1 =	simm.s32 $0x10800  }
0x328: {  	[hbm4b:s0+s11] =	stream.linear.scatter [tilespmem:s1], [sflag:$0x3], $0x200, $0x38;
	[tilespmem:$0x10A00] =	vst v63  }
0x329: {  	s1 =	simm.s32 $0x3  }
0x32a: {  	_ =	swait.ge [sflag:s1], $0x200  }
0x32b: {  	s2 =	rddreg [dreg:$0x16]  }
0x32c: {  	s29 =	rddreg [dreg:$0x15];
	s2 =	sadd.s32 $0x1, s2  }
0x32d: {  	p0 =	sne.s32 s2, s29  }
.Ltmp3:
0x32e: {  	_ = 	snop;
	(pc) =	sbr.rel @p0 .LBB2_1-.Ltmp3, $3  }
0x32f: {  	_ =	sdelay $0x1  }
0x330: {  	[sflag:s1] =	ssyncset.done $0x0  }
0x331: {  	[sflag:s1] =	ssyncadd.s32 $0xFFFFFE00  }
0x332: {  	_ =	sfence.sel $0x180000  }
0x333: {  	[bflag:$0x0] =	sbarrier.arrive $0xFFFF  }
0x334: {  	_ =	strace $0x90000047  }
0x335: {  	s0 =	stileid.u32;
	[bflag:$0x2] =	sbarrier.arrive $0xFFFF  }
0x336: {  	p0 =	sne.s32 s0, $0x0;
	s0 =	rddreg [dreg:$0x6]  }
0x337: {  	s0 =	sadd.s32 @!p0 $0x100000, s0  }
0x338: {  	[sflag:s0] =	ssyncadd.tile.s32 @!p0 $0x1;
	_ =	shalt  }
.Lfunc_end2:
_tile_overlayer_lowered:
.L_overlay_start_2:
0x339: {  	(tag) =	ssettag $0x2  }
0x33a: {  	s0 =	rddreg [dreg:$0x0];
	s2 =	stileid.u32  }
0x33b: {  	s1 =	rddreg [dreg:$0x1];
	p0 =	sne.s32 s2, $0x0  }
0x33c: {  	s3 =	rddreg [dreg:$0x2];
	[bflag:$0x3] =	sbarrier.arrive $0xFFFF;
	s2 =	simm.s32 @!p0 $0x1C03  }
0x33d: {  	[timem:s3], [sflag:s2] =	dma.local @!p0 [hbm:s0], s1  }
0x33e: {  	s0 =	simm.s32 @!p0 $0x3  }
0x33f: {  	_ =	swait.ge @!p0 [sflag:s0], s1  }
0x340: {  	s1 =	ssub.s32 @!p0 $0x0, s1;
	[sflag:s0] =	ssyncset.done @!p0 $0x0  }
0x341: {  	[sflag:s0] =	ssyncadd.s32 @!p0 s1  }
0x342: {  	[bflag:$0x3] =	sbarrier.arrive $0xFFFF  }
0x343: {  	_ =	shalt  }

</sc_bundles>
